<compile_context>
chip_gen: v7x
topology: tpu7x:2x2x1
jax: 0.10.2.dev20260603
libtpu: 0.0.44.dev20260713+nightly
codegen_flags: <defaults>
</compile_context>

<pallas_src>
import functools

import jax
import jax.numpy as jnp
from jax import lax
from jax.experimental import pallas as pl
from jax.experimental.pallas import tpu as pltpu
from jax.experimental.pallas import tpu_sc as plsc

N = 10000
E = 320000
H = 128
L = 4
C = 10
G = 64

NP = 10240
ROWS_PER_TILE = NP // 16
K = 128
EPW = 79 * K
EP = 32 * EPW
NCHUNK = EPW // K
R = 2048
GRID = NP // R


def _sc_mesh():
    return plsc.VectorSubcoreMesh(core_axis_name="c", subcore_axis_name="s")


def _deg_kernel(dst_hbm, ones_hbm, zeros_hbm, cnt_hbm, idx_v, ones_v, stage_v,
                acc_sh, sem):
    c = lax.axis_index("c")
    s = lax.axis_index("s")
    w = c * 16 + s

    pltpu.sync_copy(zeros_hbm, stage_v)
    pltpu.sync_copy(stage_v, acc_sh.at[pl.ds(s * ROWS_PER_TILE, ROWS_PER_TILE)])
    pltpu.sync_copy(ones_hbm, ones_v)
    plsc.subcore_barrier()

    def body(i, carry):
        base = w * EPW + i * K
        pltpu.sync_copy(dst_hbm.at[pl.ds(base, K)], idx_v)
        pltpu.sync_copy(ones_v, acc_sh.at[idx_v], add=True)
        return carry

    lax.fori_loop(0, NCHUNK, body, 0)
    plsc.subcore_barrier()

    pltpu.sync_copy(acc_sh.at[pl.ds(s * ROWS_PER_TILE, ROWS_PER_TILE)], stage_v)
    pltpu.sync_copy(stage_v, cnt_hbm.at[c, pl.ds(s * ROWS_PER_TILE, ROWS_PER_TILE)])


def _degrees(dst_pad, ones128, zeros640):
    k = functools.partial(
        pl.kernel,
        mesh=_sc_mesh(),
        out_type=jax.ShapeDtypeStruct((2, NP), jnp.float32),
        scratch_types=[
            pltpu.VMEM((K,), jnp.int32),
            pltpu.VMEM((K,), jnp.float32),
            pltpu.VMEM((ROWS_PER_TILE,), jnp.float32),
            pltpu.VMEM_SHARED((NP,), jnp.float32),
            pltpu.SemaphoreType.DMA,
        ],
    )(_deg_kernel)
    return k(dst_pad, ones128, zeros640)


def _mp_kernel(gs_hbm, src_hbm, dst_hbm, zeros_hbm, out_hbm, idxs_v, idxd_v,
               rows_v, stage_v, acc_sh, sem):
    c = lax.axis_index("c")
    s = lax.axis_index("s")
    w = c * 16 + s

    pltpu.sync_copy(zeros_hbm, stage_v)
    for t in range(ROWS_PER_TILE // K):
        pltpu.sync_copy(
            stage_v, acc_sh.at[pl.ds(s * ROWS_PER_TILE + t * K, K)])
    plsc.subcore_barrier()

    def body(i, carry):
        base = w * EPW + i * K
        pltpu.sync_copy(src_hbm.at[pl.ds(base, K)], idxs_v)
        pltpu.sync_copy(dst_hbm.at[pl.ds(base, K)], idxd_v)
        pltpu.async_copy(gs_hbm.at[idxs_v], rows_v, sem).wait()
        pltpu.sync_copy(rows_v, acc_sh.at[idxd_v], add=True)
        return carry

    lax.fori_loop(0, NCHUNK, body, 0)
    plsc.subcore_barrier()

    for t in range(ROWS_PER_TILE // K):
        r0 = s * ROWS_PER_TILE + t * K
        pltpu.sync_copy(acc_sh.at[pl.ds(r0, K)], rows_v)
        pltpu.sync_copy(rows_v, out_hbm.at[c, pl.ds(r0, K)])


def _message_pass(gs, src_pad, dst_pad, zeros_rows):
    k = functools.partial(
        pl.kernel,
        mesh=_sc_mesh(),
        out_type=jax.ShapeDtypeStruct((2, NP, H), jnp.float32),
        scratch_types=[
            pltpu.VMEM((K,), jnp.int32),
            pltpu.VMEM((K,), jnp.int32),
            pltpu.VMEM((K, H), jnp.float32),
            pltpu.VMEM((K, H), jnp.float32),
            pltpu.VMEM_SHARED((NP, H), jnp.float32),
            pltpu.SemaphoreType.DMA,
        ],
    )(_mp_kernel)
    return k(gs, src_pad, dst_pad, zeros_rows)


def _proj_body(x_ref, cnt_ref, Wi_ref, bi_ref, W0_ref, gs_ref, dinv_ref):
    cnt = cnt_ref[0] + cnt_ref[1] + 1.0
    dinv = lax.rsqrt(jnp.maximum(cnt, 1.0))
    h = jnp.maximum(
        jnp.dot(x_ref[...], Wi_ref[...], preferred_element_type=jnp.float32)
        + bi_ref[...], 0.0)
    gs_ref[...] = jnp.dot(h, W0_ref[...],
                          preferred_element_type=jnp.float32) * dinv
    dinv_ref[...] = dinv


def _proj(x_pad, cnt2, W_in, b_in, W0):
    return pl.pallas_call(
        _proj_body,
        grid=(GRID,),
        in_specs=[
            pl.BlockSpec((R, H), lambda j: (j, 0)),
            pl.BlockSpec((2, R, 1), lambda j: (0, j, 0)),
            pl.BlockSpec((H, H), lambda j: (0, 0)),
            pl.BlockSpec((1, H), lambda j: (0, 0)),
            pl.BlockSpec((H, H), lambda j: (0, 0)),
        ],
        out_specs=[
            pl.BlockSpec((R, H), lambda j: (j, 0)),
            pl.BlockSpec((R, 1), lambda j: (j, 0)),
        ],
        out_shape=[
            jax.ShapeDtypeStruct((NP, H), jnp.float32),
            jax.ShapeDtypeStruct((NP, 1), jnp.float32),
        ],
    )(x_pad, cnt2, W_in, b_in, W0)


def _layer_body(p_ref, gs_ref, dinv_ref, b_ref, W_ref, out_ref):
    dinv = dinv_ref[...]
    h = jnp.maximum(
        (p_ref[0] + p_ref[1] + gs_ref[...]) * dinv + b_ref[...], 0.0)
    out_ref[...] = jnp.dot(h, W_ref[...],
                           preferred_element_type=jnp.float32) * dinv


def _layer(partials, gs, dinv, b_prev, W_next):
    return pl.pallas_call(
        _layer_body,
        grid=(GRID,),
        in_specs=[
            pl.BlockSpec((2, R, H), lambda j: (0, j, 0)),
            pl.BlockSpec((R, H), lambda j: (j, 0)),
            pl.BlockSpec((R, 1), lambda j: (j, 0)),
            pl.BlockSpec((1, H), lambda j: (0, 0)),
            pl.BlockSpec((H, H), lambda j: (0, 0)),
        ],
        out_specs=pl.BlockSpec((R, H), lambda j: (j, 0)),
        out_shape=jax.ShapeDtypeStruct((NP, H), jnp.float32),
    )(partials, gs, dinv, b_prev, W_next)


def _pool_body(p_ref, gs_ref, dinv_ref, b_ref, batch_ref, W1_ref, b1_ref,
               W2_ref, b2_ref, out_ref, sums_ref, counts_ref):
    j = pl.program_id(0)

    @pl.when(j == 0)
    def _init():
        sums_ref[...] = jnp.zeros_like(sums_ref)
        counts_ref[...] = jnp.zeros_like(counts_ref)
        out_ref[...] = jnp.zeros_like(out_ref)

    dinv = dinv_ref[...]
    h = jnp.maximum(
        (p_ref[0] + p_ref[1] + gs_ref[...]) * dinv + b_ref[...], 0.0)
    gids = lax.broadcasted_iota(jnp.int32, (1, G), 1)
    onehot = (batch_ref[...] == gids).astype(jnp.float32)
    sums_ref[...] += lax.dot_general(
        onehot, h, (((0,), (0,)), ((), ())),
        preferred_element_type=jnp.float32)
    counts_ref[...] += lax.dot_general(
        onehot, jnp.ones((R, 1), jnp.float32), (((0,), (0,)), ((), ())),
        preferred_element_type=jnp.float32)

    @pl.when(j == GRID - 1)
    def _final():
        gemb = sums_ref[...] / jnp.maximum(counts_ref[...], 1.0)
        o = jnp.maximum(
            jnp.dot(gemb, W1_ref[...], preferred_element_type=jnp.float32)
            + b1_ref[...], 0.0)
        out_ref[...] = jnp.dot(o, W2_ref[...],
                               preferred_element_type=jnp.float32) + b2_ref[...]


def _pool(partials, gs, dinv, b_prev, batch2d, W1, b1, W2p, b2p):
    return pl.pallas_call(
        _pool_body,
        grid=(GRID,),
        in_specs=[
            pl.BlockSpec((2, R, H), lambda j: (0, j, 0)),
            pl.BlockSpec((R, H), lambda j: (j, 0)),
            pl.BlockSpec((R, 1), lambda j: (j, 0)),
            pl.BlockSpec((1, H), lambda j: (0, 0)),
            pl.BlockSpec((R, 1), lambda j: (j, 0)),
            pl.BlockSpec((H, H // 2), lambda j: (0, 0)),
            pl.BlockSpec((1, H // 2), lambda j: (0, 0)),
            pl.BlockSpec((H // 2, 16), lambda j: (0, 0)),
            pl.BlockSpec((1, 16), lambda j: (0, 0)),
        ],
        out_specs=pl.BlockSpec((G, 16), lambda j: (0, 0)),
        out_shape=jax.ShapeDtypeStruct((G, 16), jnp.float32),
        scratch_shapes=[
            pltpu.VMEM((G, H), jnp.float32),
            pltpu.VMEM((G, 1), jnp.float32),
        ],
    )(partials, gs, dinv, b_prev, batch2d, W1, b1, W2p, b2p)


def kernel(x, edge_index, batch, W_in, b_in, Ws, bs, gammas, betas,
           bn_means, bn_vars, W1, b1, W2, b2):
    src, dst = edge_index[0], edge_index[1]

    scale = gammas * lax.rsqrt(bn_vars + 1e-5)
    Wp = Ws * scale[:, None, :]
    bp = (bs - bn_means) * scale + betas

    x_pad = jnp.zeros((NP, H), jnp.float32).at[:N].set(x)
    src_pad = jnp.concatenate(
        [src, jnp.zeros((EP - E,), jnp.int32)])
    dst_pad = jnp.concatenate(
        [dst, jnp.full((EP - E,), N, jnp.int32)])
    batch_pad = jnp.concatenate(
        [batch, jnp.full((NP - N,), G, jnp.int32)]).reshape(NP, 1)

    ones128 = jnp.ones((K,), jnp.float32)
    zeros640 = jnp.zeros((ROWS_PER_TILE,), jnp.float32)
    zeros_rows = jnp.zeros((K, H), jnp.float32)
    b_in2 = b_in.reshape(1, H)
    b12 = b1.reshape(1, H // 2)
    W2p = jnp.zeros((H // 2, 16), jnp.float32).at[:, :C].set(W2)
    b2p = jnp.zeros((1, 16), jnp.float32).at[0, :C].set(b2)

    cnt = _degrees(dst_pad, ones128, zeros640)
    cnt2 = cnt.reshape(2, NP, 1)
    gs, dinv = _proj(x_pad, cnt2, W_in, b_in2, Wp[0])

    for i in range(L - 1):
        partials = _message_pass(gs, src_pad, dst_pad, zeros_rows)
        gs = _layer(partials, gs, dinv, bp[i].reshape(1, H), Wp[i + 1])
    partials = _message_pass(gs, src_pad, dst_pad, zeros_rows)

    out16 = _pool(partials, gs, dinv, bp[L - 1].reshape(1, H), batch_pad,
                  W1, b12, W2p, b2p)
    return (out16[:, :C], jnp.float32(0.0))

# --- scband reference (transcript-rebuilt; emitter-appended) ---
"""Pipeline reference for scband-adaptive-spectral-gnn-34024730919241 (READ-ONLY COPY).

The authoritative reference and input builder live on the scoring server;
editing this copy changes nothing except your own understanding.
"""

import jax, jax.numpy as jnp
import numpy as np

N = 10000
E = 320000
F_IN = 128
H = 128
L = 4
C = 10
G = 64


def setup_inputs(seed: int = 0) -> dict:
    key = jax.random.key(seed)
    ks = jax.random.split(key, 12)
    x = jax.random.normal(ks[0], (N, F_IN), dtype=jnp.float32)
    edge_index = jax.random.randint(ks[1], (2, E), 0, N, dtype=jnp.int32)
    batch = jnp.sort(jax.random.randint(ks[2], (N,), 0, G, dtype=jnp.int32))

    def lin(k, fan_in, shape):
        bound = 1.0 / np.sqrt(fan_in)
        return jax.random.uniform(k, shape, jnp.float32, -bound, bound)

    W_in = lin(ks[3], F_IN, (F_IN, H))
    b_in = lin(ks[4], F_IN, (H,))
    Ws = lin(ks[5], H, (L, H, H))
    bs = lin(ks[6], H, (L, H))
    gammas = jnp.ones((L, H), jnp.float32)
    betas = jnp.zeros((L, H), jnp.float32)
    bn_means = jnp.zeros((L, H), jnp.float32)
    bn_vars = jnp.ones((L, H), jnp.float32)
    W1 = lin(ks[7], H, (H, H // 2))
    b1 = lin(ks[8], H, (H // 2,))
    W2 = lin(ks[9], H // 2, (H // 2, C))
    b2 = lin(ks[10], H // 2, (C,))
    return dict(x=x, edge_index=edge_index, batch=batch, W_in=W_in, b_in=b_in,
                Ws=Ws, bs=bs, gammas=gammas, betas=betas,
                bn_means=bn_means, bn_vars=bn_vars, W1=W1, b1=b1, W2=W2, b2=b2)


def _gcn_conv(h, W, b, src, dst):
    # GCNConv with self-loops and symmetric normalization (PyG semantics)
    h = h @ W
    loop = jnp.arange(N, dtype=src.dtype)
    src_sl = jnp.concatenate([src, loop])
    dst_sl = jnp.concatenate([dst, loop])
    deg = jnp.zeros((N,), h.dtype).at[dst_sl].add(1.0)
    dinv = jax.lax.rsqrt(jnp.clip(deg, 1.0, None))
    norm = dinv[src_sl] * dinv[dst_sl]
    msg = h[src_sl] * norm[:, None]
    out = jnp.zeros((N, h.shape[1]), h.dtype).at[dst_sl].add(msg)
    return out + b


def reference(x, edge_index, batch, W_in, b_in, Ws, bs, gammas, betas,
              bn_means, bn_vars, W1, b1, W2, b2):
    src, dst = edge_index[0], edge_index[1]
    # input projection + relu (dropout is identity in eval mode)
    h = jax.nn.relu(x @ W_in + b_in)
    for i in range(L):
        h = _gcn_conv(h, Ws[i], bs[i], src, dst)
        # BatchNorm1d in eval mode with running stats
        h = (h - bn_means[i]) * jax.lax.rsqrt(bn_vars[i] + 1e-5) * gammas[i] + betas[i]
        h = jax.nn.relu(h)
    # global mean pool over graphs
    sums = jnp.zeros((G, H), h.dtype).at[batch].add(h)
    counts = jnp.zeros((G,), h.dtype).at[batch].add(1.0)
    gemb = sums / jnp.clip(counts, 1.0, None)[:, None]
    o = jax.nn.relu(gemb @ W1 + b1)
    out = o @ W2 + b2
    # rewiring disabled (rewiring_layers=[]) -> rewiring loss is 0
    return (out, jnp.float32(0.0))

if __name__ == "__main__":
    import jax
    _d = setup_inputs()
    print(jax.jit(kernel)(*tuple(_d.values())))

</pallas_src>

<mosaic_0001>
#map = affine_map<(d0, d1) -> (0)>
#map1 = affine_map<(d0, d1) -> (0, 0)>
module attributes {stable_mosaic.version = 14 : i64} {
  func.func @_deg_kernel(%arg0: i32, %arg1: i32, %arg2: memref<323584xi32, #tpu.memory_space<hbm>>, %arg3: memref<128xf32, #tpu.memory_space<hbm>>, %arg4: memref<640xf32, #tpu.memory_space<hbm>>, %arg5: memref<2x10240xf32, #tpu.memory_space<hbm>>, %arg6: memref<128xi32, #tpu.memory_space<vmem>>, %arg7: memref<128xf32, #tpu.memory_space<vmem>>, %arg8: memref<640xf32, #tpu.memory_space<vmem>>, %arg9: memref<10240xf32, #tpu.memory_space<vmem_shared>>, %arg10: memref<!tpu.dma_semaphore, #tpu.memory_space<semaphore_mem>>) attributes {dimension_semantics = [#tpu.dimension_semantics<core_parallel>, #tpu.dimension_semantics<subcore_parallel>], iteration_bounds = array<i64: 2, 16>, scalar_prefetch = 0 : i64, scratch_operands = 5 : i64, tpu.core_type = #tpu.core_type<sc_vector_subcore>, window_params = [{transform_indices = #map}, {transform_indices = #map}, {transform_indices = #map}, {transform_indices = #map1}]} {
    %mul3A = arith.constant 16 : i32
    %mul3A_0 = arith.muli %arg0, %mul3A : i32
    %add3A = arith.addi %mul3A_0, %arg1 : i32
    "tpu.region"() ({
      %run_scoped3A = tpu.sem_alloc : memref<!tpu.dma_semaphore, #tpu.memory_space<semaphore_mem>>
      tpu.enqueue_dma source(%arg4 : memref<640xf32, #tpu.memory_space<hbm>>) target(%arg8 : memref<640xf32, #tpu.memory_space<vmem>>) target_semaphore(%run_scoped3A : memref<!tpu.dma_semaphore, #tpu.memory_space<semaphore_mem>>)
      tpu.wait_dma2 semaphore(%run_scoped3A : memref<!tpu.dma_semaphore, #tpu.memory_space<semaphore_mem>>) src(%arg4 : memref<640xf32, #tpu.memory_space<hbm>>) dst(%arg8 : memref<640xf32, #tpu.memory_space<vmem>>)
      tpu.yield
    }) : () -> ()
    %mul3A_1 = arith.constant 640 : i32
    %mul3A_2 = arith.muli %arg1, %mul3A_1 : i32
    "tpu.region"() ({
      %run_scoped3A = tpu.sem_alloc : memref<!tpu.dma_semaphore, #tpu.memory_space<semaphore_mem>>
      %dma_start3A = tpu.memref_slice %arg9[%mul3A_2] : memref<10240xf32, #tpu.memory_space<vmem_shared>> -> memref<640xf32, #tpu.memory_space<vmem_shared>>
      %dma_start3A_13 = tpu.memref_slice %arg9[%mul3A_2] : memref<10240xf32, #tpu.memory_space<vmem_shared>> -> memref<640xf32, #tpu.memory_space<vmem_shared>>
      tpu.enqueue_dma source(%arg8 : memref<640xf32, #tpu.memory_space<vmem>>) target(%dma_start3A_13 : memref<640xf32, #tpu.memory_space<vmem_shared>>) target_semaphore(%run_scoped3A : memref<!tpu.dma_semaphore, #tpu.memory_space<semaphore_mem>>)
      %dma_wait3A = tpu.memref_slice %arg9[%mul3A_2] : memref<10240xf32, #tpu.memory_space<vmem_shared>> -> memref<640xf32, #tpu.memory_space<vmem_shared>>
      %dma_wait3A_14 = tpu.memref_slice %arg9[%mul3A_2] : memref<10240xf32, #tpu.memory_space<vmem_shared>> -> memref<640xf32, #tpu.memory_space<vmem_shared>>
      tpu.wait_dma2 semaphore(%run_scoped3A : memref<!tpu.dma_semaphore, #tpu.memory_space<semaphore_mem>>) src(%arg8 : memref<640xf32, #tpu.memory_space<vmem>>) dst(%dma_wait3A_14 : memref<640xf32, #tpu.memory_space<vmem_shared>>)
      tpu.yield
    }) : () -> ()
    "tpu.region"() ({
      %run_scoped3A = tpu.sem_alloc : memref<!tpu.dma_semaphore, #tpu.memory_space<semaphore_mem>>
      tpu.enqueue_dma source(%arg3 : memref<128xf32, #tpu.memory_space<hbm>>) target(%arg7 : memref<128xf32, #tpu.memory_space<vmem>>) target_semaphore(%run_scoped3A : memref<!tpu.dma_semaphore, #tpu.memory_space<semaphore_mem>>)
      tpu.wait_dma2 semaphore(%run_scoped3A : memref<!tpu.dma_semaphore, #tpu.memory_space<semaphore_mem>>) src(%arg3 : memref<128xf32, #tpu.memory_space<hbm>>) dst(%arg7 : memref<128xf32, #tpu.memory_space<vmem>>)
      tpu.yield
    }) : () -> ()
    %barrier3A = arith.constant 0 : index
    tpu.barrier barrier_id(%barrier3A)
    %scan3A = arith.constant 0 : i32
    %scan3A_3 = arith.constant 0 : i32
    %scan3A_4 = arith.constant 79 : i32
    %scan3A_5 = arith.addi %scan3A_3, %scan3A_4 : i32
    %scan3A_6 = arith.constant 1 : i32
    scf.for %scan3A_13 = %scan3A_3 to %scan3A_5 step %scan3A_6  : i32 {
      %mul3A_14 = arith.constant 10112 : i32
      %mul3A_15 = arith.muli %add3A, %mul3A_14 : i32
      %mul3A_16 = arith.constant 128 : i32
      %mul3A_17 = arith.muli %scan3A_13, %mul3A_16 : i32
      %add3A_18 = arith.addi %mul3A_15, %mul3A_17 : i32
      "tpu.region"() ({
        %run_scoped3A = tpu.sem_alloc : memref<!tpu.dma_semaphore, #tpu.memory_space<semaphore_mem>>
        %dma_start3A = tpu.memref_slice %arg2[%add3A_18] : memref<323584xi32, #tpu.memory_space<hbm>> -> memref<128xi32, #tpu.memory_space<hbm>>
        %dma_start3A_19 = tpu.memref_slice %arg2[%add3A_18] : memref<323584xi32, #tpu.memory_space<hbm>> -> memref<128xi32, #tpu.memory_space<hbm>>
        tpu.enqueue_dma source(%dma_start3A_19 : memref<128xi32, #tpu.memory_space<hbm>>) target(%arg6 : memref<128xi32, #tpu.memory_space<vmem>>) target_semaphore(%run_scoped3A : memref<!tpu.dma_semaphore, #tpu.memory_space<semaphore_mem>>)
        %dma_wait3A = tpu.memref_slice %arg2[%add3A_18] : memref<323584xi32, #tpu.memory_space<hbm>> -> memref<128xi32, #tpu.memory_space<hbm>>
        %dma_wait3A_20 = tpu.memref_slice %arg2[%add3A_18] : memref<323584xi32, #tpu.memory_space<hbm>> -> memref<128xi32, #tpu.memory_space<hbm>>
        tpu.wait_dma2 semaphore(%run_scoped3A : memref<!tpu.dma_semaphore, #tpu.memory_space<semaphore_mem>>) src(%dma_wait3A_20 : memref<128xi32, #tpu.memory_space<hbm>>) dst(%arg6 : memref<128xi32, #tpu.memory_space<vmem>>)
        tpu.yield
      }) : () -> ()
      "tpu.region"() ({
        %run_scoped3A = tpu.sem_alloc : memref<!tpu.dma_semaphore, #tpu.memory_space<semaphore_mem>>
        %dma_start3A = arith.constant 0 : i32
        %dma_start3A_19 = tpu.memref_slice %arg9[%dma_start3A] : memref<10240xf32, #tpu.memory_space<vmem_shared>> -> memref<10240xf32, #tpu.memory_space<vmem_shared>>
        tpu.enqueue_indirect_dma source(%arg7 : memref<128xf32, #tpu.memory_space<vmem>>) target(%dma_start3A_19 : memref<10240xf32, #tpu.memory_space<vmem_shared>>) offsets(%arg6 : memref<128xi32, #tpu.memory_space<vmem>>) semaphore(%run_scoped3A : memref<!tpu.dma_semaphore, #tpu.memory_space<semaphore_mem>>) {add = true}
        %dma_wait3A = arith.constant 0 : i32
        %dma_wait3A_20 = tpu.memref_slice %arg9[%dma_wait3A] : memref<10240xf32, #tpu.memory_space<vmem_shared>> -> memref<10240xf32, #tpu.memory_space<vmem_shared>>
        tpu.wait_indirect_dma semaphore(%run_scoped3A : memref<!tpu.dma_semaphore, #tpu.memory_space<semaphore_mem>>) src(%arg7 : memref<128xf32, #tpu.memory_space<vmem>>) dst(%dma_wait3A_20 : memref<10240xf32, #tpu.memory_space<vmem_shared>>)
        tpu.yield
      }) : () -> ()
    }
    %scan3A_7 = arith.constant 79 : i32
    %barrier3A_8 = arith.constant 0 : index
    tpu.barrier barrier_id(%barrier3A_8)
    %mul3A_9 = arith.constant 640 : i32
    %mul3A_10 = arith.muli %arg1, %mul3A_9 : i32
    "tpu.region"() ({
      %run_scoped3A = tpu.sem_alloc : memref<!tpu.dma_semaphore, #tpu.memory_space<semaphore_mem>>
      %dma_start3A = tpu.memref_slice %arg9[%mul3A_10] : memref<10240xf32, #tpu.memory_space<vmem_shared>> -> memref<640xf32, #tpu.memory_space<vmem_shared>>
      %dma_start3A_13 = tpu.memref_slice %arg9[%mul3A_10] : memref<10240xf32, #tpu.memory_space<vmem_shared>> -> memref<640xf32, #tpu.memory_space<vmem_shared>>
      tpu.enqueue_dma source(%dma_start3A_13 : memref<640xf32, #tpu.memory_space<vmem_shared>>) target(%arg8 : memref<640xf32, #tpu.memory_space<vmem>>) target_semaphore(%run_scoped3A : memref<!tpu.dma_semaphore, #tpu.memory_space<semaphore_mem>>)
      %dma_wait3A = tpu.memref_slice %arg9[%mul3A_10] : memref<10240xf32, #tpu.memory_space<vmem_shared>> -> memref<640xf32, #tpu.memory_space<vmem_shared>>
      %dma_wait3A_14 = tpu.memref_slice %arg9[%mul3A_10] : memref<10240xf32, #tpu.memory_space<vmem_shared>> -> memref<640xf32, #tpu.memory_space<vmem_shared>>
      tpu.wait_dma2 semaphore(%run_scoped3A : memref<!tpu.dma_semaphore, #tpu.memory_space<semaphore_mem>>) src(%dma_wait3A_14 : memref<640xf32, #tpu.memory_space<vmem_shared>>) dst(%arg8 : memref<640xf32, #tpu.memory_space<vmem>>)
      tpu.yield
    }) : () -> ()
    %mul3A_11 = arith.constant 640 : i32
    %mul3A_12 = arith.muli %arg1, %mul3A_11 : i32
    "tpu.region"() ({
      %run_scoped3A = tpu.sem_alloc : memref<!tpu.dma_semaphore, #tpu.memory_space<semaphore_mem>>
      %dma_start3A = tpu.memref_slice %arg5[%arg0, %mul3A_12] : memref<2x10240xf32, #tpu.memory_space<hbm>> -> memref<1x640xf32, #tpu.memory_space<hbm>>
      %dma_start3A_13 = tpu.memref_squeeze %dma_start3A : memref<1x640xf32, #tpu.memory_space<hbm>> -> memref<640xf32, #tpu.memory_space<hbm>>
      %dma_start3A_14 = tpu.memref_slice %arg5[%arg0, %mul3A_12] : memref<2x10240xf32, #tpu.memory_space<hbm>> -> memref<1x640xf32, #tpu.memory_space<hbm>>
      %dma_start3A_15 = tpu.memref_squeeze %dma_start3A_14 : memref<1x640xf32, #tpu.memory_space<hbm>> -> memref<640xf32, #tpu.memory_space<hbm>>
      tpu.enqueue_dma source(%arg8 : memref<640xf32, #tpu.memory_space<vmem>>) target(%dma_start3A_15 : memref<640xf32, #tpu.memory_space<hbm>>) target_semaphore(%run_scoped3A : memref<!tpu.dma_semaphore, #tpu.memory_space<semaphore_mem>>)
      %dma_wait3A = tpu.memref_slice %arg5[%arg0, %mul3A_12] : memref<2x10240xf32, #tpu.memory_space<hbm>> -> memref<1x640xf32, #tpu.memory_space<hbm>>
      %dma_wait3A_16 = tpu.memref_squeeze %dma_wait3A : memref<1x640xf32, #tpu.memory_space<hbm>> -> memref<640xf32, #tpu.memory_space<hbm>>
      %dma_wait3A_17 = tpu.memref_slice %arg5[%arg0, %mul3A_12] : memref<2x10240xf32, #tpu.memory_space<hbm>> -> memref<1x640xf32, #tpu.memory_space<hbm>>
      %dma_wait3A_18 = tpu.memref_squeeze %dma_wait3A_17 : memref<1x640xf32, #tpu.memory_space<hbm>> -> memref<640xf32, #tpu.memory_space<hbm>>
      tpu.wait_dma2 semaphore(%run_scoped3A : memref<!tpu.dma_semaphore, #tpu.memory_space<semaphore_mem>>) src(%arg8 : memref<640xf32, #tpu.memory_space<vmem>>) dst(%dma_wait3A_18 : memref<640xf32, #tpu.memory_space<hbm>>)
      tpu.yield
    }) : () -> ()
    return
  }
}

#map = affine_map<(d0, d1) -> (0, 0)>
#map1 = affine_map<(d0, d1) -> (0)>
#map2 = affine_map<(d0, d1) -> (0, 0, 0)>
module attributes {stable_mosaic.version = 14 : i64} {
  func.func @_mp_kernel(%arg0: i32, %arg1: i32, %arg2: memref<10240x128xf32, #tpu.memory_space<hbm>>, %arg3: memref<323584xi32, #tpu.memory_space<hbm>>, %arg4: memref<323584xi32, #tpu.memory_space<hbm>>, %arg5: memref<128x128xf32, #tpu.memory_space<hbm>>, %arg6: memref<2x10240x128xf32, #tpu.memory_space<hbm>>, %arg7: memref<128xi32, #tpu.memory_space<vmem>>, %arg8: memref<128xi32, #tpu.memory_space<vmem>>, %arg9: memref<128x128xf32, #tpu.memory_space<vmem>>, %arg10: memref<128x128xf32, #tpu.memory_space<vmem>>, %arg11: memref<10240x128xf32, #tpu.memory_space<vmem_shared>>, %arg12: memref<!tpu.dma_semaphore, #tpu.memory_space<semaphore_mem>>) attributes {dimension_semantics = [#tpu.dimension_semantics<core_parallel>, #tpu.dimension_semantics<subcore_parallel>], iteration_bounds = array<i64: 2, 16>, scalar_prefetch = 0 : i64, scratch_operands = 6 : i64, tpu.core_type = #tpu.core_type<sc_vector_subcore>, window_params = [{transform_indices = #map}, {transform_indices = #map1}, {transform_indices = #map1}, {transform_indices = #map}, {transform_indices = #map2}]} {
    %mul3A = arith.constant 16 : i32
    %mul3A_0 = arith.muli %arg0, %mul3A : i32
    %add3A = arith.addi %mul3A_0, %arg1 : i32
    "tpu.region"() ({
      %run_scoped3A = tpu.sem_alloc : memref<!tpu.dma_semaphore, #tpu.memory_space<semaphore_mem>>
      tpu.enqueue_dma source(%arg5 : memref<128x128xf32, #tpu.memory_space<hbm>>) target(%arg10 : memref<128x128xf32, #tpu.memory_space<vmem>>) target_semaphore(%run_scoped3A : memref<!tpu.dma_semaphore, #tpu.memory_space<semaphore_mem>>)
      tpu.wait_dma2 semaphore(%run_scoped3A : memref<!tpu.dma_semaphore, #tpu.memory_space<semaphore_mem>>) src(%arg5 : memref<128x128xf32, #tpu.memory_space<hbm>>) dst(%arg10 : memref<128x128xf32, #tpu.memory_space<vmem>>)
      tpu.yield
    }) : () -> ()
    %mul3A_1 = arith.constant 640 : i32
    %mul3A_2 = arith.muli %arg1, %mul3A_1 : i32
    %add3A_3 = arith.constant 0 : i32
    %add3A_4 = arith.addi %mul3A_2, %add3A_3 : i32
    "tpu.region"() ({
      %run_scoped3A = tpu.sem_alloc : memref<!tpu.dma_semaphore, #tpu.memory_space<semaphore_mem>>
      %dma_start3A = arith.constant 0 : i32
      %dma_start3A_47 = tpu.memref_slice %arg11[%add3A_4, %dma_start3A] : memref<10240x128xf32, #tpu.memory_space<vmem_shared>> -> memref<128x128xf32, #tpu.memory_space<vmem_shared>>
      %dma_start3A_48 = arith.constant 0 : i32
      %dma_start3A_49 = tpu.memref_slice %arg11[%add3A_4, %dma_start3A_48] : memref<10240x128xf32, #tpu.memory_space<vmem_shared>> -> memref<128x128xf32, #tpu.memory_space<vmem_shared>>
      tpu.enqueue_dma source(%arg10 : memref<128x128xf32, #tpu.memory_space<vmem>>) target(%dma_start3A_49 : memref<128x128xf32, #tpu.memory_space<vmem_shared>>) target_semaphore(%run_scoped3A : memref<!tpu.dma_semaphore, #tpu.memory_space<semaphore_mem>>)
      %dma_wait3A = arith.constant 0 : i32
      %dma_wait3A_50 = tpu.memref_slice %arg11[%add3A_4, %dma_wait3A] : memref<10240x128xf32, #tpu.memory_space<vmem_shared>> -> memref<128x128xf32, #tpu.memory_space<vmem_shared>>
      %dma_wait3A_51 = arith.constant 0 : i32
      %dma_wait3A_52 = tpu.memref_slice %arg11[%add3A_4, %dma_wait3A_51] : memref<10240x128xf32, #tpu.memory_space<vmem_shared>> -> memref<128x128xf32, #tpu.memory_space<vmem_shared>>
      tpu.wait_dma2 semaphore(%run_scoped3A : memref<!tpu.dma_semaphore, #tpu.memory_space<semaphore_mem>>) src(%arg10 : memref<128x128xf32, #tpu.memory_space<vmem>>) dst(%dma_wait3A_52 : memref<128x128xf32, #tpu.memory_space<vmem_shared>>)
      tpu.yield
    }) : () -> ()
    %mul3A_5 = arith.constant 640 : i32
    %mul3A_6 = arith.muli %arg1, %mul3A_5 : i32
    %add3A_7 = arith.constant 128 : i32
    %add3A_8 = arith.addi %mul3A_6, %add3A_7 : i32
    "tpu.region"() ({
      %run_scoped3A = tpu.sem_alloc : memref<!tpu.dma_semaphore, #tpu.memory_space<semaphore_mem>>
      %dma_start3A = arith.constant 0 : i32
      %dma_start3A_47 = tpu.memref_slice %arg11[%add3A_8, %dma_start3A] : memref<10240x128xf32, #tpu.memory_space<vmem_shared>> -> memref<128x128xf32, #tpu.memory_space<vmem_shared>>
      %dma_start3A_48 = arith.constant 0 : i32
      %dma_start3A_49 = tpu.memref_slice %arg11[%add3A_8, %dma_start3A_48] : memref<10240x128xf32, #tpu.memory_space<vmem_shared>> -> memref<128x128xf32, #tpu.memory_space<vmem_shared>>
      tpu.enqueue_dma source(%arg10 : memref<128x128xf32, #tpu.memory_space<vmem>>) target(%dma_start3A_49 : memref<128x128xf32, #tpu.memory_space<vmem_shared>>) target_semaphore(%run_scoped3A : memref<!tpu.dma_semaphore, #tpu.memory_space<semaphore_mem>>)
      %dma_wait3A = arith.constant 0 : i32
      %dma_wait3A_50 = tpu.memref_slice %arg11[%add3A_8, %dma_wait3A] : memref<10240x128xf32, #tpu.memory_space<vmem_shared>> -> memref<128x128xf32, #tpu.memory_space<vmem_shared>>
      %dma_wait3A_51 = arith.constant 0 : i32
      %dma_wait3A_52 = tpu.memref_slice %arg11[%add3A_8, %dma_wait3A_51] : memref<10240x128xf32, #tpu.memory_space<vmem_shared>> -> memref<128x128xf32, #tpu.memory_space<vmem_shared>>
      tpu.wait_dma2 semaphore(%run_scoped3A : memref<!tpu.dma_semaphore, #tpu.memory_space<semaphore_mem>>) src(%arg10 : memref<128x128xf32, #tpu.memory_space<vmem>>) dst(%dma_wait3A_52 : memref<128x128xf32, #tpu.memory_space<vmem_shared>>)
      tpu.yield
    }) : () -> ()
    %mul3A_9 = arith.constant 640 : i32
    %mul3A_10 = arith.muli %arg1, %mul3A_9 : i32
    %add3A_11 = arith.constant 256 : i32
    %add3A_12 = arith.addi %mul3A_10, %add3A_11 : i32
    "tpu.region"() ({
      %run_scoped3A = tpu.sem_alloc : memref<!tpu.dma_semaphore, #tpu.memory_space<semaphore_mem>>
      %dma_start3A = arith.constant 0 : i32
      %dma_start3A_47 = tpu.memref_slice %arg11[%add3A_12, %dma_start3A] : memref<10240x128xf32, #tpu.memory_space<vmem_shared>> -> memref<128x128xf32, #tpu.memory_space<vmem_shared>>
      %dma_start3A_48 = arith.constant 0 : i32
      %dma_start3A_49 = tpu.memref_slice %arg11[%add3A_12, %dma_start3A_48] : memref<10240x128xf32, #tpu.memory_space<vmem_shared>> -> memref<128x128xf32, #tpu.memory_space<vmem_shared>>
      tpu.enqueue_dma source(%arg10 : memref<128x128xf32, #tpu.memory_space<vmem>>) target(%dma_start3A_49 : memref<128x128xf32, #tpu.memory_space<vmem_shared>>) target_semaphore(%run_scoped3A : memref<!tpu.dma_semaphore, #tpu.memory_space<semaphore_mem>>)
      %dma_wait3A = arith.constant 0 : i32
      %dma_wait3A_50 = tpu.memref_slice %arg11[%add3A_12, %dma_wait3A] : memref<10240x128xf32, #tpu.memory_space<vmem_shared>> -> memref<128x128xf32, #tpu.memory_space<vmem_shared>>
      %dma_wait3A_51 = arith.constant 0 : i32
      %dma_wait3A_52 = tpu.memref_slice %arg11[%add3A_12, %dma_wait3A_51] : memref<10240x128xf32, #tpu.memory_space<vmem_shared>> -> memref<128x128xf32, #tpu.memory_space<vmem_shared>>
      tpu.wait_dma2 semaphore(%run_scoped3A : memref<!tpu.dma_semaphore, #tpu.memory_space<semaphore_mem>>) src(%arg10 : memref<128x128xf32, #tpu.memory_space<vmem>>) dst(%dma_wait3A_52 : memref<128x128xf32, #tpu.memory_space<vmem_shared>>)
      tpu.yield
    }) : () -> ()
    %mul3A_13 = arith.constant 640 : i32
    %mul3A_14 = arith.muli %arg1, %mul3A_13 : i32
    %add3A_15 = arith.constant 384 : i32
    %add3A_16 = arith.addi %mul3A_14, %add3A_15 : i32
    "tpu.region"() ({
      %run_scoped3A = tpu.sem_alloc : memref<!tpu.dma_semaphore, #tpu.memory_space<semaphore_mem>>
      %dma_start3A = arith.constant 0 : i32
      %dma_start3A_47 = tpu.memref_slice %arg11[%add3A_16, %dma_start3A] : memref<10240x128xf32, #tpu.memory_space<vmem_shared>> -> memref<128x128xf32, #tpu.memory_space<vmem_shared>>
      %dma_start3A_48 = arith.constant 0 : i32
      %dma_start3A_49 = tpu.memref_slice %arg11[%add3A_16, %dma_start3A_48] : memref<10240x128xf32, #tpu.memory_space<vmem_shared>> -> memref<128x128xf32, #tpu.memory_space<vmem_shared>>
      tpu.enqueue_dma source(%arg10 : memref<128x128xf32, #tpu.memory_space<vmem>>) target(%dma_start3A_49 : memref<128x128xf32, #tpu.memory_space<vmem_shared>>) target_semaphore(%run_scoped3A : memref<!tpu.dma_semaphore, #tpu.memory_space<semaphore_mem>>)
      %dma_wait3A = arith.constant 0 : i32
      %dma_wait3A_50 = tpu.memref_slice %arg11[%add3A_16, %dma_wait3A] : memref<10240x128xf32, #tpu.memory_space<vmem_shared>> -> memref<128x128xf32, #tpu.memory_space<vmem_shared>>
      %dma_wait3A_51 = arith.constant 0 : i32
      %dma_wait3A_52 = tpu.memref_slice %arg11[%add3A_16, %dma_wait3A_51] : memref<10240x128xf32, #tpu.memory_space<vmem_shared>> -> memref<128x128xf32, #tpu.memory_space<vmem_shared>>
      tpu.wait_dma2 semaphore(%run_scoped3A : memref<!tpu.dma_semaphore, #tpu.memory_space<semaphore_mem>>) src(%arg10 : memref<128x128xf32, #tpu.memory_space<vmem>>) dst(%dma_wait3A_52 : memref<128x128xf32, #tpu.memory_space<vmem_shared>>)
      tpu.yield
    }) : () -> ()
    %mul3A_17 = arith.constant 640 : i32
    %mul3A_18 = arith.muli %arg1, %mul3A_17 : i32
    %add3A_19 = arith.constant 512 : i32
    %add3A_20 = arith.addi %mul3A_18, %add3A_19 : i32
    "tpu.region"() ({
      %run_scoped3A = tpu.sem_alloc : memref<!tpu.dma_semaphore, #tpu.memory_space<semaphore_mem>>
      %dma_start3A = arith.constant 0 : i32
      %dma_start3A_47 = tpu.memref_slice %arg11[%add3A_20, %dma_start3A] : memref<10240x128xf32, #tpu.memory_space<vmem_shared>> -> memref<128x128xf32, #tpu.memory_space<vmem_shared>>
      %dma_start3A_48 = arith.constant 0 : i32
      %dma_start3A_49 = tpu.memref_slice %arg11[%add3A_20, %dma_start3A_48] : memref<10240x128xf32, #tpu.memory_space<vmem_shared>> -> memref<128x128xf32, #tpu.memory_space<vmem_shared>>
      tpu.enqueue_dma source(%arg10 : memref<128x128xf32, #tpu.memory_space<vmem>>) target(%dma_start3A_49 : memref<128x128xf32, #tpu.memory_space<vmem_shared>>) target_semaphore(%run_scoped3A : memref<!tpu.dma_semaphore, #tpu.memory_space<semaphore_mem>>)
      %dma_wait3A = arith.constant 0 : i32
      %dma_wait3A_50 = tpu.memref_slice %arg11[%add3A_20, %dma_wait3A] : memref<10240x128xf32, #tpu.memory_space<vmem_shared>> -> memref<128x128xf32, #tpu.memory_space<vmem_shared>>
      %dma_wait3A_51 = arith.constant 0 : i32
      %dma_wait3A_52 = tpu.memref_slice %arg11[%add3A_20, %dma_wait3A_51] : memref<10240x128xf32, #tpu.memory_space<vmem_shared>> -> memref<128x128xf32, #tpu.memory_space<vmem_shared>>
      tpu.wait_dma2 semaphore(%run_scoped3A : memref<!tpu.dma_semaphore, #tpu.memory_space<semaphore_mem>>) src(%arg10 : memref<128x128xf32, #tpu.memory_space<vmem>>) dst(%dma_wait3A_52 : memref<128x128xf32, #tpu.memory_space<vmem_shared>>)
      tpu.yield
    }) : () -> ()
    %barrier3A = arith.constant 0 : index
    tpu.barrier barrier_id(%barrier3A)
    %scan3A = arith.constant 0 : i32
    %scan3A_21 = arith.constant 0 : i32
    %scan3A_22 = arith.constant 79 : i32
    %scan3A_23 = arith.addi %scan3A_21, %scan3A_22 : i32
    %scan3A_24 = arith.constant 1 : i32
    scf.for %scan3A_47 = %scan3A_21 to %scan3A_23 step %scan3A_24  : i32 {
      %mul3A_48 = arith.constant 10112 : i32
      %mul3A_49 = arith.muli %add3A, %mul3A_48 : i32
      %mul3A_50 = arith.constant 128 : i32
      %mul3A_51 = arith.muli %scan3A_47, %mul3A_50 : i32
      %add3A_52 = arith.addi %mul3A_49, %mul3A_51 : i32
      "tpu.region"() ({
        %run_scoped3A = tpu.sem_alloc : memref<!tpu.dma_semaphore, #tpu.memory_space<semaphore_mem>>
        %dma_start3A_57 = tpu.memref_slice %arg3[%add3A_52] : memref<323584xi32, #tpu.memory_space<hbm>> -> memref<128xi32, #tpu.memory_space<hbm>>
        %dma_start3A_58 = tpu.memref_slice %arg3[%add3A_52] : memref<323584xi32, #tpu.memory_space<hbm>> -> memref<128xi32, #tpu.memory_space<hbm>>
        tpu.enqueue_dma source(%dma_start3A_58 : memref<128xi32, #tpu.memory_space<hbm>>) target(%arg7 : memref<128xi32, #tpu.memory_space<vmem>>) target_semaphore(%run_scoped3A : memref<!tpu.dma_semaphore, #tpu.memory_space<semaphore_mem>>)
        %dma_wait3A_59 = tpu.memref_slice %arg3[%add3A_52] : memref<323584xi32, #tpu.memory_space<hbm>> -> memref<128xi32, #tpu.memory_space<hbm>>
        %dma_wait3A_60 = tpu.memref_slice %arg3[%add3A_52] : memref<323584xi32, #tpu.memory_space<hbm>> -> memref<128xi32, #tpu.memory_space<hbm>>
        tpu.wait_dma2 semaphore(%run_scoped3A : memref<!tpu.dma_semaphore, #tpu.memory_space<semaphore_mem>>) src(%dma_wait3A_60 : memref<128xi32, #tpu.memory_space<hbm>>) dst(%arg7 : memref<128xi32, #tpu.memory_space<vmem>>)
        tpu.yield
      }) : () -> ()
      "tpu.region"() ({
        %run_scoped3A = tpu.sem_alloc : memref<!tpu.dma_semaphore, #tpu.memory_space<semaphore_mem>>
        %dma_start3A_57 = tpu.memref_slice %arg4[%add3A_52] : memref<323584xi32, #tpu.memory_space<hbm>> -> memref<128xi32, #tpu.memory_space<hbm>>
        %dma_start3A_58 = tpu.memref_slice %arg4[%add3A_52] : memref<323584xi32, #tpu.memory_space<hbm>> -> memref<128xi32, #tpu.memory_space<hbm>>
        tpu.enqueue_dma source(%dma_start3A_58 : memref<128xi32, #tpu.memory_space<hbm>>) target(%arg8 : memref<128xi32, #tpu.memory_space<vmem>>) target_semaphore(%run_scoped3A : memref<!tpu.dma_semaphore, #tpu.memory_space<semaphore_mem>>)
        %dma_wait3A_59 = tpu.memref_slice %arg4[%add3A_52] : memref<323584xi32, #tpu.memory_space<hbm>> -> memref<128xi32, #tpu.memory_space<hbm>>
        %dma_wait3A_60 = tpu.memref_slice %arg4[%add3A_52] : memref<323584xi32, #tpu.memory_space<hbm>> -> memref<128xi32, #tpu.memory_space<hbm>>
        tpu.wait_dma2 semaphore(%run_scoped3A : memref<!tpu.dma_semaphore, #tpu.memory_space<semaphore_mem>>) src(%dma_wait3A_60 : memref<128xi32, #tpu.memory_space<hbm>>) dst(%arg8 : memref<128xi32, #tpu.memory_space<vmem>>)
        tpu.yield
      }) : () -> ()
      %dma_start3A = arith.constant 0 : i32
      %dma_start3A_53 = arith.constant 0 : i32
      %dma_start3A_54 = tpu.memref_slice %arg2[%dma_start3A, %dma_start3A_53] : memref<10240x128xf32, #tpu.memory_space<hbm>> -> memref<10240x128xf32, #tpu.memory_space<hbm>>
      tpu.enqueue_indirect_dma source(%dma_start3A_54 : memref<10240x128xf32, #tpu.memory_space<hbm>>) target(%arg9 : memref<128x128xf32, #tpu.memory_space<vmem>>) offsets(%arg7 : memref<128xi32, #tpu.memory_space<vmem>>) semaphore(%arg12 : memref<!tpu.dma_semaphore, #tpu.memory_space<semaphore_mem>>)
      %dma_wait3A = arith.constant 0 : i32
      %dma_wait3A_55 = arith.constant 0 : i32
      %dma_wait3A_56 = tpu.memref_slice %arg2[%dma_wait3A, %dma_wait3A_55] : memref<10240x128xf32, #tpu.memory_space<hbm>> -> memref<10240x128xf32, #tpu.memory_space<hbm>>
      tpu.wait_indirect_dma semaphore(%arg12 : memref<!tpu.dma_semaphore, #tpu.memory_space<semaphore_mem>>) src(%dma_wait3A_56 : memref<10240x128xf32, #tpu.memory_space<hbm>>) dst(%arg9 : memref<128x128xf32, #tpu.memory_space<vmem>>)
      "tpu.region"() ({
        %run_scoped3A = tpu.sem_alloc : memref<!tpu.dma_semaphore, #tpu.memory_space<semaphore_mem>>
        %dma_start3A_57 = arith.constant 0 : i32
        %dma_start3A_58 = arith.constant 0 : i32
        %dma_start3A_59 = tpu.memref_slice %arg11[%dma_start3A_57, %dma_start3A_58] : memref<10240x128xf32, #tpu.memory_space<vmem_shared>> -> memref<10240x128xf32, #tpu.memory_space<vmem_shared>>
        tpu.enqueue_indirect_dma source(%arg9 : memref<128x128xf32, #tpu.memory_space<vmem>>) target(%dma_start3A_59 : memref<10240x128xf32, #tpu.memory_space<vmem_shared>>) offsets(%arg8 : memref<128xi32, #tpu.memory_space<vmem>>) semaphore(%run_scoped3A : memref<!tpu.dma_semaphore, #tpu.memory_space<semaphore_mem>>) {add = true}
        %dma_wait3A_60 = arith.constant 0 : i32
        %dma_wait3A_61 = arith.constant 0 : i32
        %dma_wait3A_62 = tpu.memref_slice %arg11[%dma_wait3A_60, %dma_wait3A_61] : memref<10240x128xf32, #tpu.memory_space<vmem_shared>> -> memref<10240x128xf32, #tpu.memory_space<vmem_shared>>
        tpu.wait_indirect_dma semaphore(%run_scoped3A : memref<!tpu.dma_semaphore, #tpu.memory_space<semaphore_mem>>) src(%arg9 : memref<128x128xf32, #tpu.memory_space<vmem>>) dst(%dma_wait3A_62 : memref<10240x128xf32, #tpu.memory_space<vmem_shared>>)
        tpu.yield
      }) : () -> ()
    }
    %scan3A_25 = arith.constant 79 : i32
    %barrier3A_26 = arith.constant 0 : index
    tpu.barrier barrier_id(%barrier3A_26)
    %mul3A_27 = arith.constant 640 : i32
    %mul3A_28 = arith.muli %arg1, %mul3A_27 : i32
    %add3A_29 = arith.constant 0 : i32
    %add3A_30 = arith.addi %mul3A_28, %add3A_29 : i32
    "tpu.region"() ({
      %run_scoped3A = tpu.sem_alloc : memref<!tpu.dma_semaphore, #tpu.memory_space<semaphore_mem>>
      %dma_start3A = arith.constant 0 : i32
      %dma_start3A_47 = tpu.memref_slice %arg11[%add3A_30, %dma_start3A] : memref<10240x128xf32, #tpu.memory_space<vmem_shared>> -> memref<128x128xf32, #tpu.memory_space<vmem_shared>>
      %dma_start3A_48 = arith.constant 0 : i32
      %dma_start3A_49 = tpu.memref_slice %arg11[%add3A_30, %dma_start3A_48] : memref<10240x128xf32, #tpu.memory_space<vmem_shared>> -> memref<128x128xf32, #tpu.memory_space<vmem_shared>>
      tpu.enqueue_dma source(%dma_start3A_49 : memref<128x128xf32, #tpu.memory_space<vmem_shared>>) target(%arg9 : memref<128x128xf32, #tpu.memory_space<vmem>>) target_semaphore(%run_scoped3A : memref<!tpu.dma_semaphore, #tpu.memory_space<semaphore_mem>>)
      %dma_wait3A = arith.constant 0 : i32
      %dma_wait3A_50 = tpu.memref_slice %arg11[%add3A_30, %dma_wait3A] : memref<10240x128xf32, #tpu.memory_space<vmem_shared>> -> memref<128x128xf32, #tpu.memory_space<vmem_shared>>
      %dma_wait3A_51 = arith.constant 0 : i32
      %dma_wait3A_52 = tpu.memref_slice %arg11[%add3A_30, %dma_wait3A_51] : memref<10240x128xf32, #tpu.memory_space<vmem_shared>> -> memref<128x128xf32, #tpu.memory_space<vmem_shared>>
      tpu.wait_dma2 semaphore(%run_scoped3A : memref<!tpu.dma_semaphore, #tpu.memory_space<semaphore_mem>>) src(%dma_wait3A_52 : memref<128x128xf32, #tpu.memory_space<vmem_shared>>) dst(%arg9 : memref<128x128xf32, #tpu.memory_space<vmem>>)
      tpu.yield
    }) : () -> ()
    "tpu.region"() ({
      %run_scoped3A = tpu.sem_alloc : memref<!tpu.dma_semaphore, #tpu.memory_space<semaphore_mem>>
      %dma_start3A = arith.constant 0 : i32
      %dma_start3A_47 = tpu.memref_slice %arg6[%arg0, %add3A_30, %dma_start3A] : memref<2x10240x128xf32, #tpu.memory_space<hbm>> -> memref<1x128x128xf32, #tpu.memory_space<hbm>>
      %dma_start3A_48 = tpu.memref_squeeze %dma_start3A_47 : memref<1x128x128xf32, #tpu.memory_space<hbm>> -> memref<128x128xf32, #tpu.memory_space<hbm>>
      %dma_start3A_49 = arith.constant 0 : i32
      %dma_start3A_50 = tpu.memref_slice %arg6[%arg0, %add3A_30, %dma_start3A_49] : memref<2x10240x128xf32, #tpu.memory_space<hbm>> -> memref<1x128x128xf32, #tpu.memory_space<hbm>>
      %dma_start3A_51 = tpu.memref_squeeze %dma_start3A_50 : memref<1x128x128xf32, #tpu.memory_space<hbm>> -> memref<128x128xf32, #tpu.memory_space<hbm>>
      tpu.enqueue_dma source(%arg9 : memref<128x128xf32, #tpu.memory_space<vmem>>) target(%dma_start3A_51 : memref<128x128xf32, #tpu.memory_space<hbm>>) target_semaphore(%run_scoped3A : memref<!tpu.dma_semaphore, #tpu.memory_space<semaphore_mem>>)
      %dma_wait3A = arith.constant 0 : i32
      %dma_wait3A_52 = tpu.memref_slice %arg6[%arg0, %add3A_30, %dma_wait3A] : memref<2x10240x128xf32, #tpu.memory_space<hbm>> -> memref<1x128x128xf32, #tpu.memory_space<hbm>>
      %dma_wait3A_53 = tpu.memref_squeeze %dma_wait3A_52 : memref<1x128x128xf32, #tpu.memory_space<hbm>> -> memref<128x128xf32, #tpu.memory_space<hbm>>
      %dma_wait3A_54 = arith.constant 0 : i32
      %dma_wait3A_55 = tpu.memref_slice %arg6[%arg0, %add3A_30, %dma_wait3A_54] : memref<2x10240x128xf32, #tpu.memory_space<hbm>> -> memref<1x128x128xf32, #tpu.memory_space<hbm>>
      %dma_wait3A_56 = tpu.memref_squeeze %dma_wait3A_55 : memref<1x128x128xf32, #tpu.memory_space<hbm>> -> memref<128x128xf32, #tpu.memory_space<hbm>>
      tpu.wait_dma2 semaphore(%run_scoped3A : memref<!tpu.dma_semaphore, #tpu.memory_space<semaphore_mem>>) src(%arg9 : memref<128x128xf32, #tpu.memory_space<vmem>>) dst(%dma_wait3A_56 : memref<128x128xf32, #tpu.memory_space<hbm>>)
      tpu.yield
    }) : () -> ()
    %mul3A_31 = arith.constant 640 : i32
    %mul3A_32 = arith.muli %arg1, %mul3A_31 : i32
    %add3A_33 = arith.constant 128 : i32
    %add3A_34 = arith.addi %mul3A_32, %add3A_33 : i32
    "tpu.region"() ({
      %run_scoped3A = tpu.sem_alloc : memref<!tpu.dma_semaphore, #tpu.memory_space<semaphore_mem>>
      %dma_start3A = arith.constant 0 : i32
      %dma_start3A_47 = tpu.memref_slice %arg11[%add3A_34, %dma_start3A] : memref<10240x128xf32, #tpu.memory_space<vmem_shared>> -> memref<128x128xf32, #tpu.memory_space<vmem_shared>>
      %dma_start3A_48 = arith.constant 0 : i32
      %dma_start3A_49 = tpu.memref_slice %arg11[%add3A_34, %dma_start3A_48] : memref<10240x128xf32, #tpu.memory_space<vmem_shared>> -> memref<128x128xf32, #tpu.memory_space<vmem_shared>>
      tpu.enqueue_dma source(%dma_start3A_49 : memref<128x128xf32, #tpu.memory_space<vmem_shared>>) target(%arg9 : memref<128x128xf32, #tpu.memory_space<vmem>>) target_semaphore(%run_scoped3A : memref<!tpu.dma_semaphore, #tpu.memory_space<semaphore_mem>>)
      %dma_wait3A = arith.constant 0 : i32
      %dma_wait3A_50 = tpu.memref_slice %arg11[%add3A_34, %dma_wait3A] : memref<10240x128xf32, #tpu.memory_space<vmem_shared>> -> memref<128x128xf32, #tpu.memory_space<vmem_shared>>
      %dma_wait3A_51 = arith.constant 0 : i32
      %dma_wait3A_52 = tpu.memref_slice %arg11[%add3A_34, %dma_wait3A_51] : memref<10240x128xf32, #tpu.memory_space<vmem_shared>> -> memref<128x128xf32, #tpu.memory_space<vmem_shared>>
      tpu.wait_dma2 semaphore(%run_scoped3A : memref<!tpu.dma_semaphore, #tpu.memory_space<semaphore_mem>>) src(%dma_wait3A_52 : memref<128x128xf32, #tpu.memory_space<vmem_shared>>) dst(%arg9 : memref<128x128xf32, #tpu.memory_space<vmem>>)
      tpu.yield
    }) : () -> ()
    "tpu.region"() ({
      %run_scoped3A = tpu.sem_alloc : memref<!tpu.dma_semaphore, #tpu.memory_space<semaphore_mem>>
      %dma_start3A = arith.constant 0 : i32
      %dma_start3A_47 = tpu.memref_slice %arg6[%arg0, %add3A_34, %dma_start3A] : memref<2x10240x128xf32, #tpu.memory_space<hbm>> -> memref<1x128x128xf32, #tpu.memory_space<hbm>>
      %dma_start3A_48 = tpu.memref_squeeze %dma_start3A_47 : memref<1x128x128xf32, #tpu.memory_space<hbm>> -> memref<128x128xf32, #tpu.memory_space<hbm>>
      %dma_start3A_49 = arith.constant 0 : i32
      %dma_start3A_50 = tpu.memref_slice %arg6[%arg0, %add3A_34, %dma_start3A_49] : memref<2x10240x128xf32, #tpu.memory_space<hbm>> -> memref<1x128x128xf32, #tpu.memory_space<hbm>>
      %dma_start3A_51 = tpu.memref_squeeze %dma_start3A_50 : memref<1x128x128xf32, #tpu.memory_space<hbm>> -> memref<128x128xf32, #tpu.memory_space<hbm>>
      tpu.enqueue_dma source(%arg9 : memref<128x128xf32, #tpu.memory_space<vmem>>) target(%dma_start3A_51 : memref<128x128xf32, #tpu.memory_space<hbm>>) target_semaphore(%run_scoped3A : memref<!tpu.dma_semaphore, #tpu.memory_space<semaphore_mem>>)
      %dma_wait3A = arith.constant 0 : i32
      %dma_wait3A_52 = tpu.memref_slice %arg6[%arg0, %add3A_34, %dma_wait3A] : memref<2x10240x128xf32, #tpu.memory_space<hbm>> -> memref<1x128x128xf32, #tpu.memory_space<hbm>>
      %dma_wait3A_53 = tpu.memref_squeeze %dma_wait3A_52 : memref<1x128x128xf32, #tpu.memory_space<hbm>> -> memref<128x128xf32, #tpu.memory_space<hbm>>
      %dma_wait3A_54 = arith.constant 0 : i32
      %dma_wait3A_55 = tpu.memref_slice %arg6[%arg0, %add3A_34, %dma_wait3A_54] : memref<2x10240x128xf32, #tpu.memory_space<hbm>> -> memref<1x128x128xf32, #tpu.memory_space<hbm>>
      %dma_wait3A_56 = tpu.memref_squeeze %dma_wait3A_55 : memref<1x128x128xf32, #tpu.memory_space<hbm>> -> memref<128x128xf32, #tpu.memory_space<hbm>>
      tpu.wait_dma2 semaphore(%run_scoped3A : memref<!tpu.dma_semaphore, #tpu.memory_space<semaphore_mem>>) src(%arg9 : memref<128x128xf32, #tpu.memory_space<vmem>>) dst(%dma_wait3A_56 : memref<128x128xf32, #tpu.memory_space<hbm>>)
      tpu.yield
    }) : () -> ()
    %mul3A_35 = arith.constant 640 : i32
    %mul3A_36 = arith.muli %arg1, %mul3A_35 : i32
    %add3A_37 = arith.constant 256 : i32
    %add3A_38 = arith.addi %mul3A_36, %add3A_37 : i32
    "tpu.region"() ({
      %run_scoped3A = tpu.sem_alloc : memref<!tpu.dma_semaphore, #tpu.memory_space<semaphore_mem>>
      %dma_start3A = arith.constant 0 : i32
      %dma_start3A_47 = tpu.memref_slice %arg11[%add3A_38, %dma_start3A] : memref<10240x128xf32, #tpu.memory_space<vmem_shared>> -> memref<128x128xf32, #tpu.memory_space<vmem_shared>>
      %dma_start3A_48 = arith.constant 0 : i32
      %dma_start3A_49 = tpu.memref_slice %arg11[%add3A_38, %dma_start3A_48] : memref<10240x128xf32, #tpu.memory_space<vmem_shared>> -> memref<128x128xf32, #tpu.memory_space<vmem_shared>>
      tpu.enqueue_dma source(%dma_start3A_49 : memref<128x128xf32, #tpu.memory_space<vmem_shared>>) target(%arg9 : memref<128x128xf32, #tpu.memory_space<vmem>>) target_semaphore(%run_scoped3A : memref<!tpu.dma_semaphore, #tpu.memory_space<semaphore_mem>>)
      %dma_wait3A = arith.constant 0 : i32
      %dma_wait3A_50 = tpu.memref_slice %arg11[%add3A_38, %dma_wait3A] : memref<10240x128xf32, #tpu.memory_space<vmem_shared>> -> memref<128x128xf32, #tpu.memory_space<vmem_shared>>
      %dma_wait3A_51 = arith.constant 0 : i32
      %dma_wait3A_52 = tpu.memref_slice %arg11[%add3A_38, %dma_wait3A_51] : memref<10240x128xf32, #tpu.memory_space<vmem_shared>> -> memref<128x128xf32, #tpu.memory_space<vmem_shared>>
      tpu.wait_dma2 semaphore(%run_scoped3A : memref<!tpu.dma_semaphore, #tpu.memory_space<semaphore_mem>>) src(%dma_wait3A_52 : memref<128x128xf32, #tpu.memory_space<vmem_shared>>) dst(%arg9 : memref<128x128xf32, #tpu.memory_space<vmem>>)
      tpu.yield
    }) : () -> ()
    "tpu.region"() ({
      %run_scoped3A = tpu.sem_alloc : memref<!tpu.dma_semaphore, #tpu.memory_space<semaphore_mem>>
      %dma_start3A = arith.constant 0 : i32
      %dma_start3A_47 = tpu.memref_slice %arg6[%arg0, %add3A_38, %dma_start3A] : memref<2x10240x128xf32, #tpu.memory_space<hbm>> -> memref<1x128x128xf32, #tpu.memory_space<hbm>>
      %dma_start3A_48 = tpu.memref_squeeze %dma_start3A_47 : memref<1x128x128xf32, #tpu.memory_space<hbm>> -> memref<128x128xf32, #tpu.memory_space<hbm>>
      %dma_start3A_49 = arith.constant 0 : i32
      %dma_start3A_50 = tpu.memref_slice %arg6[%arg0, %add3A_38, %dma_start3A_49] : memref<2x10240x128xf32, #tpu.memory_space<hbm>> -> memref<1x128x128xf32, #tpu.memory_space<hbm>>
      %dma_start3A_51 = tpu.memref_squeeze %dma_start3A_50 : memref<1x128x128xf32, #tpu.memory_space<hbm>> -> memref<128x128xf32, #tpu.memory_space<hbm>>
      tpu.enqueue_dma source(%arg9 : memref<128x128xf32, #tpu.memory_space<vmem>>) target(%dma_start3A_51 : memref<128x128xf32, #tpu.memory_space<hbm>>) target_semaphore(%run_scoped3A : memref<!tpu.dma_semaphore, #tpu.memory_space<semaphore_mem>>)
      %dma_wait3A = arith.constant 0 : i32
      %dma_wait3A_52 = tpu.memref_slice %arg6[%arg0, %add3A_38, %dma_wait3A] : memref<2x10240x128xf32, #tpu.memory_space<hbm>> -> memref<1x128x128xf32, #tpu.memory_space<hbm>>
      %dma_wait3A_53 = tpu.memref_squeeze %dma_wait3A_52 : memref<1x128x128xf32, #tpu.memory_space<hbm>> -> memref<128x128xf32, #tpu.memory_space<hbm>>
      %dma_wait3A_54 = arith.constant 0 : i32
      %dma_wait3A_55 = tpu.memref_slice %arg6[%arg0, %add3A_38, %dma_wait3A_54] : memref<2x10240x128xf32, #tpu.memory_space<hbm>> -> memref<1x128x128xf32, #tpu.memory_space<hbm>>
      %dma_wait3A_56 = tpu.memref_squeeze %dma_wait3A_55 : memref<1x128x128xf32, #tpu.memory_space<hbm>> -> memref<128x128xf32, #tpu.memory_space<hbm>>
      tpu.wait_dma2 semaphore(%run_scoped3A : memref<!tpu.dma_semaphore, #tpu.memory_space<semaphore_mem>>) src(%arg9 : memref<128x128xf32, #tpu.memory_space<vmem>>) dst(%dma_wait3A_56 : memref<128x128xf32, #tpu.memory_space<hbm>>)
      tpu.yield
    }) : () -> ()
    %mul3A_39 = arith.constant 640 : i32
    %mul3A_40 = arith.muli %arg1, %mul3A_39 : i32
    %add3A_41 = arith.constant 384 : i32
    %add3A_42 = arith.addi %mul3A_40, %add3A_41 : i32
    "tpu.region"() ({
      %run_scoped3A = tpu.sem_alloc : memref<!tpu.dma_semaphore, #tpu.memory_space<semaphore_mem>>
      %dma_start3A = arith.constant 0 : i32
      %dma_start3A_47 = tpu.memref_slice %arg11[%add3A_42, %dma_start3A] : memref<10240x128xf32, #tpu.memory_space<vmem_shared>> -> memref<128x128xf32, #tpu.memory_space<vmem_shared>>
      %dma_start3A_48 = arith.constant 0 : i32
      %dma_start3A_49 = tpu.memref_slice %arg11[%add3A_42, %dma_start3A_48] : memref<10240x128xf32, #tpu.memory_space<vmem_shared>> -> memref<128x128xf32, #tpu.memory_space<vmem_shared>>
      tpu.enqueue_dma source(%dma_start3A_49 : memref<128x128xf32, #tpu.memory_space<vmem_shared>>) target(%arg9 : memref<128x128xf32, #tpu.memory_space<vmem>>) target_semaphore(%run_scoped3A : memref<!tpu.dma_semaphore, #tpu.memory_space<semaphore_mem>>)
      %dma_wait3A = arith.constant 0 : i32
      %dma_wait3A_50 = tpu.memref_slice %arg11[%add3A_42, %dma_wait3A] : memref<10240x128xf32, #tpu.memory_space<vmem_shared>> -> memref<128x128xf32, #tpu.memory_space<vmem_shared>>
      %dma_wait3A_51 = arith.constant 0 : i32
      %dma_wait3A_52 = tpu.memref_slice %arg11[%add3A_42, %dma_wait3A_51] : memref<10240x128xf32, #tpu.memory_space<vmem_shared>> -> memref<128x128xf32, #tpu.memory_space<vmem_shared>>
      tpu.wait_dma2 semaphore(%run_scoped3A : memref<!tpu.dma_semaphore, #tpu.memory_space<semaphore_mem>>) src(%dma_wait3A_52 : memref<128x128xf32, #tpu.memory_space<vmem_shared>>) dst(%arg9 : memref<128x128xf32, #tpu.memory_space<vmem>>)
      tpu.yield
    }) : () -> ()
    "tpu.region"() ({
      %run_scoped3A = tpu.sem_alloc : memref<!tpu.dma_semaphore, #tpu.memory_space<semaphore_mem>>
      %dma_start3A = arith.constant 0 : i32
      %dma_start3A_47 = tpu.memref_slice %arg6[%arg0, %add3A_42, %dma_start3A] : memref<2x10240x128xf32, #tpu.memory_space<hbm>> -> memref<1x128x128xf32, #tpu.memory_space<hbm>>
      %dma_start3A_48 = tpu.memref_squeeze %dma_start3A_47 : memref<1x128x128xf32, #tpu.memory_space<hbm>> -> memref<128x128xf32, #tpu.memory_space<hbm>>
      %dma_start3A_49 = arith.constant 0 : i32
      %dma_start3A_50 = tpu.memref_slice %arg6[%arg0, %add3A_42, %dma_start3A_49] : memref<2x10240x128xf32, #tpu.memory_space<hbm>> -> memref<1x128x128xf32, #tpu.memory_space<hbm>>
      %dma_start3A_51 = tpu.memref_squeeze %dma_start3A_50 : memref<1x128x128xf32, #tpu.memory_space<hbm>> -> memref<128x128xf32, #tpu.memory_space<hbm>>
      tpu.enqueue_dma source(%arg9 : memref<128x128xf32, #tpu.memory_space<vmem>>) target(%dma_start3A_51 : memref<128x128xf32, #tpu.memory_space<hbm>>) target_semaphore(%run_scoped3A : memref<!tpu.dma_semaphore, #tpu.memory_space<semaphore_mem>>)
      %dma_wait3A = arith.constant 0 : i32
      %dma_wait3A_52 = tpu.memref_slice %arg6[%arg0, %add3A_42, %dma_wait3A] : memref<2x10240x128xf32, #tpu.memory_space<hbm>> -> memref<1x128x128xf32, #tpu.memory_space<hbm>>
      %dma_wait3A_53 = tpu.memref_squeeze %dma_wait3A_52 : memref<1x128x128xf32, #tpu.memory_space<hbm>> -> memref<128x128xf32, #tpu.memory_space<hbm>>
      %dma_wait3A_54 = arith.constant 0 : i32
      %dma_wait3A_55 = tpu.memref_slice %arg6[%arg0, %add3A_42, %dma_wait3A_54] : memref<2x10240x128xf32, #tpu.memory_space<hbm>> -> memref<1x128x128xf32, #tpu.memory_space<hbm>>
      %dma_wait3A_56 = tpu.memref_squeeze %dma_wait3A_55 : memref<1x128x128xf32, #tpu.memory_space<hbm>> -> memref<128x128xf32, #tpu.memory_space<hbm>>
      tpu.wait_dma2 semaphore(%run_scoped3A : memref<!tpu.dma_semaphore, #tpu.memory_space<semaphore_mem>>) src(%arg9 : memref<128x128xf32, #tpu.memory_space<vmem>>) dst(%dma_wait3A_56 : memref<128x128xf32, #tpu.memory_space<hbm>>)
      tpu.yield
    }) : () -> ()
    %mul3A_43 = arith.constant 640 : i32
    %mul3A_44 = arith.muli %arg1, %mul3A_43 : i32
    %add3A_45 = arith.constant 512 : i32
    %add3A_46 = arith.addi %mul3A_44, %add3A_45 : i32
    "tpu.region"() ({
      %run_scoped3A = tpu.sem_alloc : memref<!tpu.dma_semaphore, #tpu.memory_space<semaphore_mem>>
      %dma_start3A = arith.constant 0 : i32
      %dma_start3A_47 = tpu.memref_slice %arg11[%add3A_46, %dma_start3A] : memref<10240x128xf32, #tpu.memory_space<vmem_shared>> -> memref<128x128xf32, #tpu.memory_space<vmem_shared>>
      %dma_start3A_48 = arith.constant 0 : i32
      %dma_start3A_49 = tpu.memref_slice %arg11[%add3A_46, %dma_start3A_48] : memref<10240x128xf32, #tpu.memory_space<vmem_shared>> -> memref<128x128xf32, #tpu.memory_space<vmem_shared>>
      tpu.enqueue_dma source(%dma_start3A_49 : memref<128x128xf32, #tpu.memory_space<vmem_shared>>) target(%arg9 : memref<128x128xf32, #tpu.memory_space<vmem>>) target_semaphore(%run_scoped3A : memref<!tpu.dma_semaphore, #tpu.memory_space<semaphore_mem>>)
      %dma_wait3A = arith.constant 0 : i32
      %dma_wait3A_50 = tpu.memref_slice %arg11[%add3A_46, %dma_wait3A] : memref<10240x128xf32, #tpu.memory_space<vmem_shared>> -> memref<128x128xf32, #tpu.memory_space<vmem_shared>>
      %dma_wait3A_51 = arith.constant 0 : i32
      %dma_wait3A_52 = tpu.memref_slice %arg11[%add3A_46, %dma_wait3A_51] : memref<10240x128xf32, #tpu.memory_space<vmem_shared>> -> memref<128x128xf32, #tpu.memory_space<vmem_shared>>
      tpu.wait_dma2 semaphore(%run_scoped3A : memref<!tpu.dma_semaphore, #tpu.memory_space<semaphore_mem>>) src(%dma_wait3A_52 : memref<128x128xf32, #tpu.memory_space<vmem_shared>>) dst(%arg9 : memref<128x128xf32, #tpu.memory_space<vmem>>)
      tpu.yield
    }) : () -> ()
    "tpu.region"() ({
      %run_scoped3A = tpu.sem_alloc : memref<!tpu.dma_semaphore, #tpu.memory_space<semaphore_mem>>
      %dma_start3A = arith.constant 0 : i32
      %dma_start3A_47 = tpu.memref_slice %arg6[%arg0, %add3A_46, %dma_start3A] : memref<2x10240x128xf32, #tpu.memory_space<hbm>> -> memref<1x128x128xf32, #tpu.memory_space<hbm>>
      %dma_start3A_48 = tpu.memref_squeeze %dma_start3A_47 : memref<1x128x128xf32, #tpu.memory_space<hbm>> -> memref<128x128xf32, #tpu.memory_space<hbm>>
      %dma_start3A_49 = arith.constant 0 : i32
      %dma_start3A_50 = tpu.memref_slice %arg6[%arg0, %add3A_46, %dma_start3A_49] : memref<2x10240x128xf32, #tpu.memory_space<hbm>> -> memref<1x128x128xf32, #tpu.memory_space<hbm>>
      %dma_start3A_51 = tpu.memref_squeeze %dma_start3A_50 : memref<1x128x128xf32, #tpu.memory_space<hbm>> -> memref<128x128xf32, #tpu.memory_space<hbm>>
      tpu.enqueue_dma source(%arg9 : memref<128x128xf32, #tpu.memory_space<vmem>>) target(%dma_start3A_51 : memref<128x128xf32, #tpu.memory_space<hbm>>) target_semaphore(%run_scoped3A : memref<!tpu.dma_semaphore, #tpu.memory_space<semaphore_mem>>)
      %dma_wait3A = arith.constant 0 : i32
      %dma_wait3A_52 = tpu.memref_slice %arg6[%arg0, %add3A_46, %dma_wait3A] : memref<2x10240x128xf32, #tpu.memory_space<hbm>> -> memref<1x128x128xf32, #tpu.memory_space<hbm>>
      %dma_wait3A_53 = tpu.memref_squeeze %dma_wait3A_52 : memref<1x128x128xf32, #tpu.memory_space<hbm>> -> memref<128x128xf32, #tpu.memory_space<hbm>>
      %dma_wait3A_54 = arith.constant 0 : i32
      %dma_wait3A_55 = tpu.memref_slice %arg6[%arg0, %add3A_46, %dma_wait3A_54] : memref<2x10240x128xf32, #tpu.memory_space<hbm>> -> memref<1x128x128xf32, #tpu.memory_space<hbm>>
      %dma_wait3A_56 = tpu.memref_squeeze %dma_wait3A_55 : memref<1x128x128xf32, #tpu.memory_space<hbm>> -> memref<128x128xf32, #tpu.memory_space<hbm>>
      tpu.wait_dma2 semaphore(%run_scoped3A : memref<!tpu.dma_semaphore, #tpu.memory_space<semaphore_mem>>) src(%arg9 : memref<128x128xf32, #tpu.memory_space<vmem>>) dst(%dma_wait3A_56 : memref<128x128xf32, #tpu.memory_space<hbm>>)
      tpu.yield
    }) : () -> ()
    return
  }
}

#map = affine_map<(d0, d1) -> (0, 0)>
#map1 = affine_map<(d0, d1) -> (0)>
#map2 = affine_map<(d0, d1) -> (0, 0, 0)>
module attributes {stable_mosaic.version = 14 : i64} {
  func.func @_mp_kernel(%arg0: i32, %arg1: i32, %arg2: memref<10240x128xf32, #tpu.memory_space<hbm>>, %arg3: memref<323584xi32, #tpu.memory_space<hbm>>, %arg4: memref<323584xi32, #tpu.memory_space<hbm>>, %arg5: memref<128x128xf32, #tpu.memory_space<hbm>>, %arg6: memref<2x10240x128xf32, #tpu.memory_space<hbm>>, %arg7: memref<128xi32, #tpu.memory_space<vmem>>, %arg8: memref<128xi32, #tpu.memory_space<vmem>>, %arg9: memref<128x128xf32, #tpu.memory_space<vmem>>, %arg10: memref<128x128xf32, #tpu.memory_space<vmem>>, %arg11: memref<10240x128xf32, #tpu.memory_space<vmem_shared>>, %arg12: memref<!tpu.dma_semaphore, #tpu.memory_space<semaphore_mem>>) attributes {dimension_semantics = [#tpu.dimension_semantics<core_parallel>, #tpu.dimension_semantics<subcore_parallel>], iteration_bounds = array<i64: 2, 16>, scalar_prefetch = 0 : i64, scratch_operands = 6 : i64, tpu.core_type = #tpu.core_type<sc_vector_subcore>, window_params = [{transform_indices = #map}, {transform_indices = #map1}, {transform_indices = #map1}, {transform_indices = #map}, {transform_indices = #map2}]} {
    %mul3A = arith.constant 16 : i32
    %mul3A_0 = arith.muli %arg0, %mul3A : i32
    %add3A = arith.addi %mul3A_0, %arg1 : i32
    "tpu.region"() ({
      %run_scoped3A = tpu.sem_alloc : memref<!tpu.dma_semaphore, #tpu.memory_space<semaphore_mem>>
      tpu.enqueue_dma source(%arg5 : memref<128x128xf32, #tpu.memory_space<hbm>>) target(%arg10 : memref<128x128xf32, #tpu.memory_space<vmem>>) target_semaphore(%run_scoped3A : memref<!tpu.dma_semaphore, #tpu.memory_space<semaphore_mem>>)
      tpu.wait_dma2 semaphore(%run_scoped3A : memref<!tpu.dma_semaphore, #tpu.memory_space<semaphore_mem>>) src(%arg5 : memref<128x128xf32, #tpu.memory_space<hbm>>) dst(%arg10 : memref<128x128xf32, #tpu.memory_space<vmem>>)
      tpu.yield
    }) : () -> ()
    %mul3A_1 = arith.constant 640 : i32
    %mul3A_2 = arith.muli %arg1, %mul3A_1 : i32
    %add3A_3 = arith.constant 0 : i32
    %add3A_4 = arith.addi %mul3A_2, %add3A_3 : i32
    "tpu.region"() ({
      %run_scoped3A = tpu.sem_alloc : memref<!tpu.dma_semaphore, #tpu.memory_space<semaphore_mem>>
      %dma_start3A = arith.constant 0 : i32
      %dma_start3A_47 = tpu.memref_slice %arg11[%add3A_4, %dma_start3A] : memref<10240x128xf32, #tpu.memory_space<vmem_shared>> -> memref<128x128xf32, #tpu.memory_space<vmem_shared>>
      %dma_start3A_48 = arith.constant 0 : i32
      %dma_start3A_49 = tpu.memref_slice %arg11[%add3A_4, %dma_start3A_48] : memref<10240x128xf32, #tpu.memory_space<vmem_shared>> -> memref<128x128xf32, #tpu.memory_space<vmem_shared>>
      tpu.enqueue_dma source(%arg10 : memref<128x128xf32, #tpu.memory_space<vmem>>) target(%dma_start3A_49 : memref<128x128xf32, #tpu.memory_space<vmem_shared>>) target_semaphore(%run_scoped3A : memref<!tpu.dma_semaphore, #tpu.memory_space<semaphore_mem>>)
      %dma_wait3A = arith.constant 0 : i32
      %dma_wait3A_50 = tpu.memref_slice %arg11[%add3A_4, %dma_wait3A] : memref<10240x128xf32, #tpu.memory_space<vmem_shared>> -> memref<128x128xf32, #tpu.memory_space<vmem_shared>>
      %dma_wait3A_51 = arith.constant 0 : i32
      %dma_wait3A_52 = tpu.memref_slice %arg11[%add3A_4, %dma_wait3A_51] : memref<10240x128xf32, #tpu.memory_space<vmem_shared>> -> memref<128x128xf32, #tpu.memory_space<vmem_shared>>
      tpu.wait_dma2 semaphore(%run_scoped3A : memref<!tpu.dma_semaphore, #tpu.memory_space<semaphore_mem>>) src(%arg10 : memref<128x128xf32, #tpu.memory_space<vmem>>) dst(%dma_wait3A_52 : memref<128x128xf32, #tpu.memory_space<vmem_shared>>)
      tpu.yield
    }) : () -> ()
    %mul3A_5 = arith.constant 640 : i32
    %mul3A_6 = arith.muli %arg1, %mul3A_5 : i32
    %add3A_7 = arith.constant 128 : i32
    %add3A_8 = arith.addi %mul3A_6, %add3A_7 : i32
    "tpu.region"() ({
      %run_scoped3A = tpu.sem_alloc : memref<!tpu.dma_semaphore, #tpu.memory_space<semaphore_mem>>
      %dma_start3A = arith.constant 0 : i32
      %dma_start3A_47 = tpu.memref_slice %arg11[%add3A_8, %dma_start3A] : memref<10240x128xf32, #tpu.memory_space<vmem_shared>> -> memref<128x128xf32, #tpu.memory_space<vmem_shared>>
      %dma_start3A_48 = arith.constant 0 : i32
      %dma_start3A_49 = tpu.memref_slice %arg11[%add3A_8, %dma_start3A_48] : memref<10240x128xf32, #tpu.memory_space<vmem_shared>> -> memref<128x128xf32, #tpu.memory_space<vmem_shared>>
      tpu.enqueue_dma source(%arg10 : memref<128x128xf32, #tpu.memory_space<vmem>>) target(%dma_start3A_49 : memref<128x128xf32, #tpu.memory_space<vmem_shared>>) target_semaphore(%run_scoped3A : memref<!tpu.dma_semaphore, #tpu.memory_space<semaphore_mem>>)
      %dma_wait3A = arith.constant 0 : i32
      %dma_wait3A_50 = tpu.memref_slice %arg11[%add3A_8, %dma_wait3A] : memref<10240x128xf32, #tpu.memory_space<vmem_shared>> -> memref<128x128xf32, #tpu.memory_space<vmem_shared>>
      %dma_wait3A_51 = arith.constant 0 : i32
      %dma_wait3A_52 = tpu.memref_slice %arg11[%add3A_8, %dma_wait3A_51] : memref<10240x128xf32, #tpu.memory_space<vmem_shared>> -> memref<128x128xf32, #tpu.memory_space<vmem_shared>>
      tpu.wait_dma2 semaphore(%run_scoped3A : memref<!tpu.dma_semaphore, #tpu.memory_space<semaphore_mem>>) src(%arg10 : memref<128x128xf32, #tpu.memory_space<vmem>>) dst(%dma_wait3A_52 : memref<128x128xf32, #tpu.memory_space<vmem_shared>>)
      tpu.yield
    }) : () -> ()
    %mul3A_9 = arith.constant 640 : i32
    %mul3A_10 = arith.muli %arg1, %mul3A_9 : i32
    %add3A_11 = arith.constant 256 : i32
    %add3A_12 = arith.addi %mul3A_10, %add3A_11 : i32
    "tpu.region"() ({
      %run_scoped3A = tpu.sem_alloc : memref<!tpu.dma_semaphore, #tpu.memory_space<semaphore_mem>>
      %dma_start3A = arith.constant 0 : i32
      %dma_start3A_47 = tpu.memref_slice %arg11[%add3A_12, %dma_start3A] : memref<10240x128xf32, #tpu.memory_space<vmem_shared>> -> memref<128x128xf32, #tpu.memory_space<vmem_shared>>
      %dma_start3A_48 = arith.constant 0 : i32
      %dma_start3A_49 = tpu.memref_slice %arg11[%add3A_12, %dma_start3A_48] : memref<10240x128xf32, #tpu.memory_space<vmem_shared>> -> memref<128x128xf32, #tpu.memory_space<vmem_shared>>
      tpu.enqueue_dma source(%arg10 : memref<128x128xf32, #tpu.memory_space<vmem>>) target(%dma_start3A_49 : memref<128x128xf32, #tpu.memory_space<vmem_shared>>) target_semaphore(%run_scoped3A : memref<!tpu.dma_semaphore, #tpu.memory_space<semaphore_mem>>)
      %dma_wait3A = arith.constant 0 : i32
      %dma_wait3A_50 = tpu.memref_slice %arg11[%add3A_12, %dma_wait3A] : memref<10240x128xf32, #tpu.memory_space<vmem_shared>> -> memref<128x128xf32, #tpu.memory_space<vmem_shared>>
      %dma_wait3A_51 = arith.constant 0 : i32
      %dma_wait3A_52 = tpu.memref_slice %arg11[%add3A_12, %dma_wait3A_51] : memref<10240x128xf32, #tpu.memory_space<vmem_shared>> -> memref<128x128xf32, #tpu.memory_space<vmem_shared>>
      tpu.wait_dma2 semaphore(%run_scoped3A : memref<!tpu.dma_semaphore, #tpu.memory_space<semaphore_mem>>) src(%arg10 : memref<128x128xf32, #tpu.memory_space<vmem>>) dst(%dma_wait3A_52 : memref<128x128xf32, #tpu.memory_space<vmem_shared>>)
      tpu.yield
    }) : () -> ()
    %mul3A_13 = arith.constant 640 : i32
    %mul3A_14 = arith.muli %arg1, %mul3A_13 : i32
    %add3A_15 = arith.constant 384 : i32
    %add3A_16 = arith.addi %mul3A_14, %add3A_15 : i32
    "tpu.region"() ({
      %run_scoped3A = tpu.sem_alloc : memref<!tpu.dma_semaphore, #tpu.memory_space<semaphore_mem>>
      %dma_start3A = arith.constant 0 : i32
      %dma_start3A_47 = tpu.memref_slice %arg11[%add3A_16, %dma_start3A] : memref<10240x128xf32, #tpu.memory_space<vmem_shared>> -> memref<128x128xf32, #tpu.memory_space<vmem_shared>>
      %dma_start3A_48 = arith.constant 0 : i32
      %dma_start3A_49 = tpu.memref_slice %arg11[%add3A_16, %dma_start3A_48] : memref<10240x128xf32, #tpu.memory_space<vmem_shared>> -> memref<128x128xf32, #tpu.memory_space<vmem_shared>>
      tpu.enqueue_dma source(%arg10 : memref<128x128xf32, #tpu.memory_space<vmem>>) target(%dma_start3A_49 : memref<128x128xf32, #tpu.memory_space<vmem_shared>>) target_semaphore(%run_scoped3A : memref<!tpu.dma_semaphore, #tpu.memory_space<semaphore_mem>>)
      %dma_wait3A = arith.constant 0 : i32
      %dma_wait3A_50 = tpu.memref_slice %arg11[%add3A_16, %dma_wait3A] : memref<10240x128xf32, #tpu.memory_space<vmem_shared>> -> memref<128x128xf32, #tpu.memory_space<vmem_shared>>
      %dma_wait3A_51 = arith.constant 0 : i32
      %dma_wait3A_52 = tpu.memref_slice %arg11[%add3A_16, %dma_wait3A_51] : memref<10240x128xf32, #tpu.memory_space<vmem_shared>> -> memref<128x128xf32, #tpu.memory_space<vmem_shared>>
      tpu.wait_dma2 semaphore(%run_scoped3A : memref<!tpu.dma_semaphore, #tpu.memory_space<semaphore_mem>>) src(%arg10 : memref<128x128xf32, #tpu.memory_space<vmem>>) dst(%dma_wait3A_52 : memref<128x128xf32, #tpu.memory_space<vmem_shared>>)
      tpu.yield
    }) : () -> ()
    %mul3A_17 = arith.constant 640 : i32
    %mul3A_18 = arith.muli %arg1, %mul3A_17 : i32
    %add3A_19 = arith.constant 512 : i32
    %add3A_20 = arith.addi %mul3A_18, %add3A_19 : i32
    "tpu.region"() ({
      %run_scoped3A = tpu.sem_alloc : memref<!tpu.dma_semaphore, #tpu.memory_space<semaphore_mem>>
      %dma_start3A = arith.constant 0 : i32
      %dma_start3A_47 = tpu.memref_slice %arg11[%add3A_20, %dma_start3A] : memref<10240x128xf32, #tpu.memory_space<vmem_shared>> -> memref<128x128xf32, #tpu.memory_space<vmem_shared>>
      %dma_start3A_48 = arith.constant 0 : i32
      %dma_start3A_49 = tpu.memref_slice %arg11[%add3A_20, %dma_start3A_48] : memref<10240x128xf32, #tpu.memory_space<vmem_shared>> -> memref<128x128xf32, #tpu.memory_space<vmem_shared>>
      tpu.enqueue_dma source(%arg10 : memref<128x128xf32, #tpu.memory_space<vmem>>) target(%dma_start3A_49 : memref<128x128xf32, #tpu.memory_space<vmem_shared>>) target_semaphore(%run_scoped3A : memref<!tpu.dma_semaphore, #tpu.memory_space<semaphore_mem>>)
      %dma_wait3A = arith.constant 0 : i32
      %dma_wait3A_50 = tpu.memref_slice %arg11[%add3A_20, %dma_wait3A] : memref<10240x128xf32, #tpu.memory_space<vmem_shared>> -> memref<128x128xf32, #tpu.memory_space<vmem_shared>>
      %dma_wait3A_51 = arith.constant 0 : i32
      %dma_wait3A_52 = tpu.memref_slice %arg11[%add3A_20, %dma_wait3A_51] : memref<10240x128xf32, #tpu.memory_space<vmem_shared>> -> memref<128x128xf32, #tpu.memory_space<vmem_shared>>
      tpu.wait_dma2 semaphore(%run_scoped3A : memref<!tpu.dma_semaphore, #tpu.memory_space<semaphore_mem>>) src(%arg10 : memref<128x128xf32, #tpu.memory_space<vmem>>) dst(%dma_wait3A_52 : memref<128x128xf32, #tpu.memory_space<vmem_shared>>)
      tpu.yield
    }) : () -> ()
    %barrier3A = arith.constant 0 : index
    tpu.barrier barrier_id(%barrier3A)
    %scan3A = arith.constant 0 : i32
    %scan3A_21 = arith.constant 0 : i32
    %scan3A_22 = arith.constant 79 : i32
    %scan3A_23 = arith.addi %scan3A_21, %scan3A_22 : i32
    %scan3A_24 = arith.constant 1 : i32
    scf.for %scan3A_47 = %scan3A_21 to %scan3A_23 step %scan3A_24  : i32 {
      %mul3A_48 = arith.constant 10112 : i32
      %mul3A_49 = arith.muli %add3A, %mul3A_48 : i32
      %mul3A_50 = arith.constant 128 : i32
      %mul3A_51 = arith.muli %scan3A_47, %mul3A_50 : i32
      %add3A_52 = arith.addi %mul3A_49, %mul3A_51 : i32
      "tpu.region"() ({
        %run_scoped3A = tpu.sem_alloc : memref<!tpu.dma_semaphore, #tpu.memory_space<semaphore_mem>>
        %dma_start3A_57 = tpu.memref_slice %arg3[%add3A_52] : memref<323584xi32, #tpu.memory_space<hbm>> -> memref<128xi32, #tpu.memory_space<hbm>>
        %dma_start3A_58 = tpu.memref_slice %arg3[%add3A_52] : memref<323584xi32, #tpu.memory_space<hbm>> -> memref<128xi32, #tpu.memory_space<hbm>>
        tpu.enqueue_dma source(%dma_start3A_58 : memref<128xi32, #tpu.memory_space<hbm>>) target(%arg7 : memref<128xi32, #tpu.memory_space<vmem>>) target_semaphore(%run_scoped3A : memref<!tpu.dma_semaphore, #tpu.memory_space<semaphore_mem>>)
        %dma_wait3A_59 = tpu.memref_slice %arg3[%add3A_52] : memref<323584xi32, #tpu.memory_space<hbm>> -> memref<128xi32, #tpu.memory_space<hbm>>
        %dma_wait3A_60 = tpu.memref_slice %arg3[%add3A_52] : memref<323584xi32, #tpu.memory_space<hbm>> -> memref<128xi32, #tpu.memory_space<hbm>>
        tpu.wait_dma2 semaphore(%run_scoped3A : memref<!tpu.dma_semaphore, #tpu.memory_space<semaphore_mem>>) src(%dma_wait3A_60 : memref<128xi32, #tpu.memory_space<hbm>>) dst(%arg7 : memref<128xi32, #tpu.memory_space<vmem>>)
        tpu.yield
      }) : () -> ()
      "tpu.region"() ({
        %run_scoped3A = tpu.sem_alloc : memref<!tpu.dma_semaphore, #tpu.memory_space<semaphore_mem>>
        %dma_start3A_57 = tpu.memref_slice %arg4[%add3A_52] : memref<323584xi32, #tpu.memory_space<hbm>> -> memref<128xi32, #tpu.memory_space<hbm>>
        %dma_start3A_58 = tpu.memref_slice %arg4[%add3A_52] : memref<323584xi32, #tpu.memory_space<hbm>> -> memref<128xi32, #tpu.memory_space<hbm>>
        tpu.enqueue_dma source(%dma_start3A_58 : memref<128xi32, #tpu.memory_space<hbm>>) target(%arg8 : memref<128xi32, #tpu.memory_space<vmem>>) target_semaphore(%run_scoped3A : memref<!tpu.dma_semaphore, #tpu.memory_space<semaphore_mem>>)
        %dma_wait3A_59 = tpu.memref_slice %arg4[%add3A_52] : memref<323584xi32, #tpu.memory_space<hbm>> -> memref<128xi32, #tpu.memory_space<hbm>>
        %dma_wait3A_60 = tpu.memref_slice %arg4[%add3A_52] : memref<323584xi32, #tpu.memory_space<hbm>> -> memref<128xi32, #tpu.memory_space<hbm>>
        tpu.wait_dma2 semaphore(%run_scoped3A : memref<!tpu.dma_semaphore, #tpu.memory_space<semaphore_mem>>) src(%dma_wait3A_60 : memref<128xi32, #tpu.memory_space<hbm>>) dst(%arg8 : memref<128xi32, #tpu.memory_space<vmem>>)
        tpu.yield
      }) : () -> ()
      %dma_start3A = arith.constant 0 : i32
      %dma_start3A_53 = arith.constant 0 : i32
      %dma_start3A_54 = tpu.memref_slice %arg2[%dma_start3A, %dma_start3A_53] : memref<10240x128xf32, #tpu.memory_space<hbm>> -> memref<10240x128xf32, #tpu.memory_space<hbm>>
      tpu.enqueue_indirect_dma source(%dma_start3A_54 : memref<10240x128xf32, #tpu.memory_space<hbm>>) target(%arg9 : memref<128x128xf32, #tpu.memory_space<vmem>>) offsets(%arg7 : memref<128xi32, #tpu.memory_space<vmem>>) semaphore(%arg12 : memref<!tpu.dma_semaphore, #tpu.memory_space<semaphore_mem>>)
      %dma_wait3A = arith.constant 0 : i32
      %dma_wait3A_55 = arith.constant 0 : i32
      %dma_wait3A_56 = tpu.memref_slice %arg2[%dma_wait3A, %dma_wait3A_55] : memref<10240x128xf32, #tpu.memory_space<hbm>> -> memref<10240x128xf32, #tpu.memory_space<hbm>>
      tpu.wait_indirect_dma semaphore(%arg12 : memref<!tpu.dma_semaphore, #tpu.memory_space<semaphore_mem>>) src(%dma_wait3A_56 : memref<10240x128xf32, #tpu.memory_space<hbm>>) dst(%arg9 : memref<128x128xf32, #tpu.memory_space<vmem>>)
      "tpu.region"() ({
        %run_scoped3A = tpu.sem_alloc : memref<!tpu.dma_semaphore, #tpu.memory_space<semaphore_mem>>
        %dma_start3A_57 = arith.constant 0 : i32
        %dma_start3A_58 = arith.constant 0 : i32
        %dma_start3A_59 = tpu.memref_slice %arg11[%dma_start3A_57, %dma_start3A_58] : memref<10240x128xf32, #tpu.memory_space<vmem_shared>> -> memref<10240x128xf32, #tpu.memory_space<vmem_shared>>
        tpu.enqueue_indirect_dma source(%arg9 : memref<128x128xf32, #tpu.memory_space<vmem>>) target(%dma_start3A_59 : memref<10240x128xf32, #tpu.memory_space<vmem_shared>>) offsets(%arg8 : memref<128xi32, #tpu.memory_space<vmem>>) semaphore(%run_scoped3A : memref<!tpu.dma_semaphore, #tpu.memory_space<semaphore_mem>>) {add = true}
        %dma_wait3A_60 = arith.constant 0 : i32
        %dma_wait3A_61 = arith.constant 0 : i32
        %dma_wait3A_62 = tpu.memref_slice %arg11[%dma_wait3A_60, %dma_wait3A_61] : memref<10240x128xf32, #tpu.memory_space<vmem_shared>> -> memref<10240x128xf32, #tpu.memory_space<vmem_shared>>
        tpu.wait_indirect_dma semaphore(%run_scoped3A : memref<!tpu.dma_semaphore, #tpu.memory_space<semaphore_mem>>) src(%arg9 : memref<128x128xf32, #tpu.memory_space<vmem>>) dst(%dma_wait3A_62 : memref<10240x128xf32, #tpu.memory_space<vmem_shared>>)
        tpu.yield
      }) : () -> ()
    }
    %scan3A_25 = arith.constant 79 : i32
    %barrier3A_26 = arith.constant 0 : index
    tpu.barrier barrier_id(%barrier3A_26)
    %mul3A_27 = arith.constant 640 : i32
    %mul3A_28 = arith.muli %arg1, %mul3A_27 : i32
    %add3A_29 = arith.constant 0 : i32
    %add3A_30 = arith.addi %mul3A_28, %add3A_29 : i32
    "tpu.region"() ({
      %run_scoped3A = tpu.sem_alloc : memref<!tpu.dma_semaphore, #tpu.memory_space<semaphore_mem>>
      %dma_start3A = arith.constant 0 : i32
      %dma_start3A_47 = tpu.memref_slice %arg11[%add3A_30, %dma_start3A] : memref<10240x128xf32, #tpu.memory_space<vmem_shared>> -> memref<128x128xf32, #tpu.memory_space<vmem_shared>>
      %dma_start3A_48 = arith.constant 0 : i32
      %dma_start3A_49 = tpu.memref_slice %arg11[%add3A_30, %dma_start3A_48] : memref<10240x128xf32, #tpu.memory_space<vmem_shared>> -> memref<128x128xf32, #tpu.memory_space<vmem_shared>>
      tpu.enqueue_dma source(%dma_start3A_49 : memref<128x128xf32, #tpu.memory_space<vmem_shared>>) target(%arg9 : memref<128x128xf32, #tpu.memory_space<vmem>>) target_semaphore(%run_scoped3A : memref<!tpu.dma_semaphore, #tpu.memory_space<semaphore_mem>>)
      %dma_wait3A = arith.constant 0 : i32
      %dma_wait3A_50 = tpu.memref_slice %arg11[%add3A_30, %dma_wait3A] : memref<10240x128xf32, #tpu.memory_space<vmem_shared>> -> memref<128x128xf32, #tpu.memory_space<vmem_shared>>
      %dma_wait3A_51 = arith.constant 0 : i32
      %dma_wait3A_52 = tpu.memref_slice %arg11[%add3A_30, %dma_wait3A_51] : memref<10240x128xf32, #tpu.memory_space<vmem_shared>> -> memref<128x128xf32, #tpu.memory_space<vmem_shared>>
      tpu.wait_dma2 semaphore(%run_scoped3A : memref<!tpu.dma_semaphore, #tpu.memory_space<semaphore_mem>>) src(%dma_wait3A_52 : memref<128x128xf32, #tpu.memory_space<vmem_shared>>) dst(%arg9 : memref<128x128xf32, #tpu.memory_space<vmem>>)
      tpu.yield
    }) : () -> ()
    "tpu.region"() ({
      %run_scoped3A = tpu.sem_alloc : memref<!tpu.dma_semaphore, #tpu.memory_space<semaphore_mem>>
      %dma_start3A = arith.constant 0 : i32
      %dma_start3A_47 = tpu.memref_slice %arg6[%arg0, %add3A_30, %dma_start3A] : memref<2x10240x128xf32, #tpu.memory_space<hbm>> -> memref<1x128x128xf32, #tpu.memory_space<hbm>>
      %dma_start3A_48 = tpu.memref_squeeze %dma_start3A_47 : memref<1x128x128xf32, #tpu.memory_space<hbm>> -> memref<128x128xf32, #tpu.memory_space<hbm>>
      %dma_start3A_49 = arith.constant 0 : i32
      %dma_start3A_50 = tpu.memref_slice %arg6[%arg0, %add3A_30, %dma_start3A_49] : memref<2x10240x128xf32, #tpu.memory_space<hbm>> -> memref<1x128x128xf32, #tpu.memory_space<hbm>>
      %dma_start3A_51 = tpu.memref_squeeze %dma_start3A_50 : memref<1x128x128xf32, #tpu.memory_space<hbm>> -> memref<128x128xf32, #tpu.memory_space<hbm>>
      tpu.enqueue_dma source(%arg9 : memref<128x128xf32, #tpu.memory_space<vmem>>) target(%dma_start3A_51 : memref<128x128xf32, #tpu.memory_space<hbm>>) target_semaphore(%run_scoped3A : memref<!tpu.dma_semaphore, #tpu.memory_space<semaphore_mem>>)
      %dma_wait3A = arith.constant 0 : i32
      %dma_wait3A_52 = tpu.memref_slice %arg6[%arg0, %add3A_30, %dma_wait3A] : memref<2x10240x128xf32, #tpu.memory_space<hbm>> -> memref<1x128x128xf32, #tpu.memory_space<hbm>>
      %dma_wait3A_53 = tpu.memref_squeeze %dma_wait3A_52 : memref<1x128x128xf32, #tpu.memory_space<hbm>> -> memref<128x128xf32, #tpu.memory_space<hbm>>
      %dma_wait3A_54 = arith.constant 0 : i32
      %dma_wait3A_55 = tpu.memref_slice %arg6[%arg0, %add3A_30, %dma_wait3A_54] : memref<2x10240x128xf32, #tpu.memory_space<hbm>> -> memref<1x128x128xf32, #tpu.memory_space<hbm>>
      %dma_wait3A_56 = tpu.memref_squeeze %dma_wait3A_55 : memref<1x128x128xf32, #tpu.memory_space<hbm>> -> memref<128x128xf32, #tpu.memory_space<hbm>>
      tpu.wait_dma2 semaphore(%run_scoped3A : memref<!tpu.dma_semaphore, #tpu.memory_space<semaphore_mem>>) src(%arg9 : memref<128x128xf32, #tpu.memory_space<vmem>>) dst(%dma_wait3A_56 : memref<128x128xf32, #tpu.memory_space<hbm>>)
      tpu.yield
    }) : () -> ()
    %mul3A_31 = arith.constant 640 : i32
    %mul3A_32 = arith.muli %arg1, %mul3A_31 : i32
    %add3A_33 = arith.constant 128 : i32
    %add3A_34 = arith.addi %mul3A_32, %add3A_33 : i32
    "tpu.region"() ({
      %run_scoped3A = tpu.sem_alloc : memref<!tpu.dma_semaphore, #tpu.memory_space<semaphore_mem>>
      %dma_start3A = arith.constant 0 : i32
      %dma_start3A_47 = tpu.memref_slice %arg11[%add3A_34, %dma_start3A] : memref<10240x128xf32, #tpu.memory_space<vmem_shared>> -> memref<128x128xf32, #tpu.memory_space<vmem_shared>>
      %dma_start3A_48 = arith.constant 0 : i32
      %dma_start3A_49 = tpu.memref_slice %arg11[%add3A_34, %dma_start3A_48] : memref<10240x128xf32, #tpu.memory_space<vmem_shared>> -> memref<128x128xf32, #tpu.memory_space<vmem_shared>>
      tpu.enqueue_dma source(%dma_start3A_49 : memref<128x128xf32, #tpu.memory_space<vmem_shared>>) target(%arg9 : memref<128x128xf32, #tpu.memory_space<vmem>>) target_semaphore(%run_scoped3A : memref<!tpu.dma_semaphore, #tpu.memory_space<semaphore_mem>>)
      %dma_wait3A = arith.constant 0 : i32
      %dma_wait3A_50 = tpu.memref_slice %arg11[%add3A_34, %dma_wait3A] : memref<10240x128xf32, #tpu.memory_space<vmem_shared>> -> memref<128x128xf32, #tpu.memory_space<vmem_shared>>
      %dma_wait3A_51 = arith.constant 0 : i32
      %dma_wait3A_52 = tpu.memref_slice %arg11[%add3A_34, %dma_wait3A_51] : memref<10240x128xf32, #tpu.memory_space<vmem_shared>> -> memref<128x128xf32, #tpu.memory_space<vmem_shared>>
      tpu.wait_dma2 semaphore(%run_scoped3A : memref<!tpu.dma_semaphore, #tpu.memory_space<semaphore_mem>>) src(%dma_wait3A_52 : memref<128x128xf32, #tpu.memory_space<vmem_shared>>) dst(%arg9 : memref<128x128xf32, #tpu.memory_space<vmem>>)
      tpu.yield
    }) : () -> ()
    "tpu.region"() ({
      %run_scoped3A = tpu.sem_alloc : memref<!tpu.dma_semaphore, #tpu.memory_space<semaphore_mem>>
      %dma_start3A = arith.constant 0 : i32
      %dma_start3A_47 = tpu.memref_slice %arg6[%arg0, %add3A_34, %dma_start3A] : memref<2x10240x128xf32, #tpu.memory_space<hbm>> -> memref<1x128x128xf32, #tpu.memory_space<hbm>>
      %dma_start3A_48 = tpu.memref_squeeze %dma_start3A_47 : memref<1x128x128xf32, #tpu.memory_space<hbm>> -> memref<128x128xf32, #tpu.memory_space<hbm>>
      %dma_start3A_49 = arith.constant 0 : i32
      %dma_start3A_50 = tpu.memref_slice %arg6[%arg0, %add3A_34, %dma_start3A_49] : memref<2x10240x128xf32, #tpu.memory_space<hbm>> -> memref<1x128x128xf32, #tpu.memory_space<hbm>>
      %dma_start3A_51 = tpu.memref_squeeze %dma_start3A_50 : memref<1x128x128xf32, #tpu.memory_space<hbm>> -> memref<128x128xf32, #tpu.memory_space<hbm>>
      tpu.enqueue_dma source(%arg9 : memref<128x128xf32, #tpu.memory_space<vmem>>) target(%dma_start3A_51 : memref<128x128xf32, #tpu.memory_space<hbm>>) target_semaphore(%run_scoped3A : memref<!tpu.dma_semaphore, #tpu.memory_space<semaphore_mem>>)
      %dma_wait3A = arith.constant 0 : i32
      %dma_wait3A_52 = tpu.memref_slice %arg6[%arg0, %add3A_34, %dma_wait3A] : memref<2x10240x128xf32, #tpu.memory_space<hbm>> -> memref<1x128x128xf32, #tpu.memory_space<hbm>>
      %dma_wait3A_53 = tpu.memref_squeeze %dma_wait3A_52 : memref<1x128x128xf32, #tpu.memory_space<hbm>> -> memref<128x128xf32, #tpu.memory_space<hbm>>
      %dma_wait3A_54 = arith.constant 0 : i32
      %dma_wait3A_55 = tpu.memref_slice %arg6[%arg0, %add3A_34, %dma_wait3A_54] : memref<2x10240x128xf32, #tpu.memory_space<hbm>> -> memref<1x128x128xf32, #tpu.memory_space<hbm>>
      %dma_wait3A_56 = tpu.memref_squeeze %dma_wait3A_55 : memref<1x128x128xf32, #tpu.memory_space<hbm>> -> memref<128x128xf32, #tpu.memory_space<hbm>>
      tpu.wait_dma2 semaphore(%run_scoped3A : memref<!tpu.dma_semaphore, #tpu.memory_space<semaphore_mem>>) src(%arg9 : memref<128x128xf32, #tpu.memory_space<vmem>>) dst(%dma_wait3A_56 : memref<128x128xf32, #tpu.memory_space<hbm>>)
      tpu.yield
    }) : () -> ()
    %mul3A_35 = arith.constant 640 : i32
    %mul3A_36 = arith.muli %arg1, %mul3A_35 : i32
    %add3A_37 = arith.constant 256 : i32
    %add3A_38 = arith.addi %mul3A_36, %add3A_37 : i32
    "tpu.region"() ({
      %run_scoped3A = tpu.sem_alloc : memref<!tpu.dma_semaphore, #tpu.memory_space<semaphore_mem>>
      %dma_start3A = arith.constant 0 : i32
      %dma_start3A_47 = tpu.memref_slice %arg11[%add3A_38, %dma_start3A] : memref<10240x128xf32, #tpu.memory_space<vmem_shared>> -> memref<128x128xf32, #tpu.memory_space<vmem_shared>>
      %dma_start3A_48 = arith.constant 0 : i32
      %dma_start3A_49 = tpu.memref_slice %arg11[%add3A_38, %dma_start3A_48] : memref<10240x128xf32, #tpu.memory_space<vmem_shared>> -> memref<128x128xf32, #tpu.memory_space<vmem_shared>>
      tpu.enqueue_dma source(%dma_start3A_49 : memref<128x128xf32, #tpu.memory_space<vmem_shared>>) target(%arg9 : memref<128x128xf32, #tpu.memory_space<vmem>>) target_semaphore(%run_scoped3A : memref<!tpu.dma_semaphore, #tpu.memory_space<semaphore_mem>>)
      %dma_wait3A = arith.constant 0 : i32
      %dma_wait3A_50 = tpu.memref_slice %arg11[%add3A_38, %dma_wait3A] : memref<10240x128xf32, #tpu.memory_space<vmem_shared>> -> memref<128x128xf32, #tpu.memory_space<vmem_shared>>
      %dma_wait3A_51 = arith.constant 0 : i32
      %dma_wait3A_52 = tpu.memref_slice %arg11[%add3A_38, %dma_wait3A_51] : memref<10240x128xf32, #tpu.memory_space<vmem_shared>> -> memref<128x128xf32, #tpu.memory_space<vmem_shared>>
      tpu.wait_dma2 semaphore(%run_scoped3A : memref<!tpu.dma_semaphore, #tpu.memory_space<semaphore_mem>>) src(%dma_wait3A_52 : memref<128x128xf32, #tpu.memory_space<vmem_shared>>) dst(%arg9 : memref<128x128xf32, #tpu.memory_space<vmem>>)
      tpu.yield
    }) : () -> ()
    "tpu.region"() ({
      %run_scoped3A = tpu.sem_alloc : memref<!tpu.dma_semaphore, #tpu.memory_space<semaphore_mem>>
      %dma_start3A = arith.constant 0 : i32
      %dma_start3A_47 = tpu.memref_slice %arg6[%arg0, %add3A_38, %dma_start3A] : memref<2x10240x128xf32, #tpu.memory_space<hbm>> -> memref<1x128x128xf32, #tpu.memory_space<hbm>>
      %dma_start3A_48 = tpu.memref_squeeze %dma_start3A_47 : memref<1x128x128xf32, #tpu.memory_space<hbm>> -> memref<128x128xf32, #tpu.memory_space<hbm>>
      %dma_start3A_49 = arith.constant 0 : i32
      %dma_start3A_50 = tpu.memref_slice %arg6[%arg0, %add3A_38, %dma_start3A_49] : memref<2x10240x128xf32, #tpu.memory_space<hbm>> -> memref<1x128x128xf32, #tpu.memory_space<hbm>>
      %dma_start3A_51 = tpu.memref_squeeze %dma_start3A_50 : memref<1x128x128xf32, #tpu.memory_space<hbm>> -> memref<128x128xf32, #tpu.memory_space<hbm>>
      tpu.enqueue_dma source(%arg9 : memref<128x128xf32, #tpu.memory_space<vmem>>) target(%dma_start3A_51 : memref<128x128xf32, #tpu.memory_space<hbm>>) target_semaphore(%run_scoped3A : memref<!tpu.dma_semaphore, #tpu.memory_space<semaphore_mem>>)
      %dma_wait3A = arith.constant 0 : i32
      %dma_wait3A_52 = tpu.memref_slice %arg6[%arg0, %add3A_38, %dma_wait3A] : memref<2x10240x128xf32, #tpu.memory_space<hbm>> -> memref<1x128x128xf32, #tpu.memory_space<hbm>>
      %dma_wait3A_53 = tpu.memref_squeeze %dma_wait3A_52 : memref<1x128x128xf32, #tpu.memory_space<hbm>> -> memref<128x128xf32, #tpu.memory_space<hbm>>
      %dma_wait3A_54 = arith.constant 0 : i32
      %dma_wait3A_55 = tpu.memref_slice %arg6[%arg0, %add3A_38, %dma_wait3A_54] : memref<2x10240x128xf32, #tpu.memory_space<hbm>> -> memref<1x128x128xf32, #tpu.memory_space<hbm>>
      %dma_wait3A_56 = tpu.memref_squeeze %dma_wait3A_55 : memref<1x128x128xf32, #tpu.memory_space<hbm>> -> memref<128x128xf32, #tpu.memory_space<hbm>>
      tpu.wait_dma2 semaphore(%run_scoped3A : memref<!tpu.dma_semaphore, #tpu.memory_space<semaphore_mem>>) src(%arg9 : memref<128x128xf32, #tpu.memory_space<vmem>>) dst(%dma_wait3A_56 : memref<128x128xf32, #tpu.memory_space<hbm>>)
      tpu.yield
    }) : () -> ()
    %mul3A_39 = arith.constant 640 : i32
    %mul3A_40 = arith.muli %arg1, %mul3A_39 : i32
    %add3A_41 = arith.constant 384 : i32
    %add3A_42 = arith.addi %mul3A_40, %add3A_41 : i32
    "tpu.region"() ({
      %run_scoped3A = tpu.sem_alloc : memref<!tpu.dma_semaphore, #tpu.memory_space<semaphore_mem>>
      %dma_start3A = arith.constant 0 : i32
      %dma_start3A_47 = tpu.memref_slice %arg11[%add3A_42, %dma_start3A] : memref<10240x128xf32, #tpu.memory_space<vmem_shared>> -> memref<128x128xf32, #tpu.memory_space<vmem_shared>>
      %dma_start3A_48 = arith.constant 0 : i32
      %dma_start3A_49 = tpu.memref_slice %arg11[%add3A_42, %dma_start3A_48] : memref<10240x128xf32, #tpu.memory_space<vmem_shared>> -> memref<128x128xf32, #tpu.memory_space<vmem_shared>>
      tpu.enqueue_dma source(%dma_start3A_49 : memref<128x128xf32, #tpu.memory_space<vmem_shared>>) target(%arg9 : memref<128x128xf32, #tpu.memory_space<vmem>>) target_semaphore(%run_scoped3A : memref<!tpu.dma_semaphore, #tpu.memory_space<semaphore_mem>>)
      %dma_wait3A = arith.constant 0 : i32
      %dma_wait3A_50 = tpu.memref_slice %arg11[%add3A_42, %dma_wait3A] : memref<10240x128xf32, #tpu.memory_space<vmem_shared>> -> memref<128x128xf32, #tpu.memory_space<vmem_shared>>
      %dma_wait3A_51 = arith.constant 0 : i32
      %dma_wait3A_52 = tpu.memref_slice %arg11[%add3A_42, %dma_wait3A_51] : memref<10240x128xf32, #tpu.memory_space<vmem_shared>> -> memref<128x128xf32, #tpu.memory_space<vmem_shared>>
      tpu.wait_dma2 semaphore(%run_scoped3A : memref<!tpu.dma_semaphore, #tpu.memory_space<semaphore_mem>>) src(%dma_wait3A_52 : memref<128x128xf32, #tpu.memory_space<vmem_shared>>) dst(%arg9 : memref<128x128xf32, #tpu.memory_space<vmem>>)
      tpu.yield
    }) : () -> ()
    "tpu.region"() ({
      %run_scoped3A = tpu.sem_alloc : memref<!tpu.dma_semaphore, #tpu.memory_space<semaphore_mem>>
      %dma_start3A = arith.constant 0 : i32
      %dma_start3A_47 = tpu.memref_slice %arg6[%arg0, %add3A_42, %dma_start3A] : memref<2x10240x128xf32, #tpu.memory_space<hbm>> -> memref<1x128x128xf32, #tpu.memory_space<hbm>>
      %dma_start3A_48 = tpu.memref_squeeze %dma_start3A_47 : memref<1x128x128xf32, #tpu.memory_space<hbm>> -> memref<128x128xf32, #tpu.memory_space<hbm>>
      %dma_start3A_49 = arith.constant 0 : i32
      %dma_start3A_50 = tpu.memref_slice %arg6[%arg0, %add3A_42, %dma_start3A_49] : memref<2x10240x128xf32, #tpu.memory_space<hbm>> -> memref<1x128x128xf32, #tpu.memory_space<hbm>>
      %dma_start3A_51 = tpu.memref_squeeze %dma_start3A_50 : memref<1x128x128xf32, #tpu.memory_space<hbm>> -> memref<128x128xf32, #tpu.memory_space<hbm>>
      tpu.enqueue_dma source(%arg9 : memref<128x128xf32, #tpu.memory_space<vmem>>) target(%dma_start3A_51 : memref<128x128xf32, #tpu.memory_space<hbm>>) target_semaphore(%run_scoped3A : memref<!tpu.dma_semaphore, #tpu.memory_space<semaphore_mem>>)
      %dma_wait3A = arith.constant 0 : i32
      %dma_wait3A_52 = tpu.memref_slice %arg6[%arg0, %add3A_42, %dma_wait3A] : memref<2x10240x128xf32, #tpu.memory_space<hbm>> -> memref<1x128x128xf32, #tpu.memory_space<hbm>>
      %dma_wait3A_53 = tpu.memref_squeeze %dma_wait3A_52 : memref<1x128x128xf32, #tpu.memory_space<hbm>> -> memref<128x128xf32, #tpu.memory_space<hbm>>
      %dma_wait3A_54 = arith.constant 0 : i32
      %dma_wait3A_55 = tpu.memref_slice %arg6[%arg0, %add3A_42, %dma_wait3A_54] : memref<2x10240x128xf32, #tpu.memory_space<hbm>> -> memref<1x128x128xf32, #tpu.memory_space<hbm>>
      %dma_wait3A_56 = tpu.memref_squeeze %dma_wait3A_55 : memref<1x128x128xf32, #tpu.memory_space<hbm>> -> memref<128x128xf32, #tpu.memory_space<hbm>>
      tpu.wait_dma2 semaphore(%run_scoped3A : memref<!tpu.dma_semaphore, #tpu.memory_space<semaphore_mem>>) src(%arg9 : memref<128x128xf32, #tpu.memory_space<vmem>>) dst(%dma_wait3A_56 : memref<128x128xf32, #tpu.memory_space<hbm>>)
      tpu.yield
    }) : () -> ()
    %mul3A_43 = arith.constant 640 : i32
    %mul3A_44 = arith.muli %arg1, %mul3A_43 : i32
    %add3A_45 = arith.constant 512 : i32
    %add3A_46 = arith.addi %mul3A_44, %add3A_45 : i32
    "tpu.region"() ({
      %run_scoped3A = tpu.sem_alloc : memref<!tpu.dma_semaphore, #tpu.memory_space<semaphore_mem>>
      %dma_start3A = arith.constant 0 : i32
      %dma_start3A_47 = tpu.memref_slice %arg11[%add3A_46, %dma_start3A] : memref<10240x128xf32, #tpu.memory_space<vmem_shared>> -> memref<128x128xf32, #tpu.memory_space<vmem_shared>>
      %dma_start3A_48 = arith.constant 0 : i32
      %dma_start3A_49 = tpu.memref_slice %arg11[%add3A_46, %dma_start3A_48] : memref<10240x128xf32, #tpu.memory_space<vmem_shared>> -> memref<128x128xf32, #tpu.memory_space<vmem_shared>>
      tpu.enqueue_dma source(%dma_start3A_49 : memref<128x128xf32, #tpu.memory_space<vmem_shared>>) target(%arg9 : memref<128x128xf32, #tpu.memory_space<vmem>>) target_semaphore(%run_scoped3A : memref<!tpu.dma_semaphore, #tpu.memory_space<semaphore_mem>>)
      %dma_wait3A = arith.constant 0 : i32
      %dma_wait3A_50 = tpu.memref_slice %arg11[%add3A_46, %dma_wait3A] : memref<10240x128xf32, #tpu.memory_space<vmem_shared>> -> memref<128x128xf32, #tpu.memory_space<vmem_shared>>
      %dma_wait3A_51 = arith.constant 0 : i32
      %dma_wait3A_52 = tpu.memref_slice %arg11[%add3A_46, %dma_wait3A_51] : memref<10240x128xf32, #tpu.memory_space<vmem_shared>> -> memref<128x128xf32, #tpu.memory_space<vmem_shared>>
      tpu.wait_dma2 semaphore(%run_scoped3A : memref<!tpu.dma_semaphore, #tpu.memory_space<semaphore_mem>>) src(%dma_wait3A_52 : memref<128x128xf32, #tpu.memory_space<vmem_shared>>) dst(%arg9 : memref<128x128xf32, #tpu.memory_space<vmem>>)
      tpu.yield
    }) : () -> ()
    "tpu.region"() ({
      %run_scoped3A = tpu.sem_alloc : memref<!tpu.dma_semaphore, #tpu.memory_space<semaphore_mem>>
      %dma_start3A = arith.constant 0 : i32
      %dma_start3A_47 = tpu.memref_slice %arg6[%arg0, %add3A_46, %dma_start3A] : memref<2x10240x128xf32, #tpu.memory_space<hbm>> -> memref<1x128x128xf32, #tpu.memory_space<hbm>>
      %dma_start3A_48 = tpu.memref_squeeze %dma_start3A_47 : memref<1x128x128xf32, #tpu.memory_space<hbm>> -> memref<128x128xf32, #tpu.memory_space<hbm>>
      %dma_start3A_49 = arith.constant 0 : i32
      %dma_start3A_50 = tpu.memref_slice %arg6[%arg0, %add3A_46, %dma_start3A_49] : memref<2x10240x128xf32, #tpu.memory_space<hbm>> -> memref<1x128x128xf32, #tpu.memory_space<hbm>>
      %dma_start3A_51 = tpu.memref_squeeze %dma_start3A_50 : memref<1x128x128xf32, #tpu.memory_space<hbm>> -> memref<128x128xf32, #tpu.memory_space<hbm>>
      tpu.enqueue_dma source(%arg9 : memref<128x128xf32, #tpu.memory_space<vmem>>) target(%dma_start3A_51 : memref<128x128xf32, #tpu.memory_space<hbm>>) target_semaphore(%run_scoped3A : memref<!tpu.dma_semaphore, #tpu.memory_space<semaphore_mem>>)
      %dma_wait3A = arith.constant 0 : i32
      %dma_wait3A_52 = tpu.memref_slice %arg6[%arg0, %add3A_46, %dma_wait3A] : memref<2x10240x128xf32, #tpu.memory_space<hbm>> -> memref<1x128x128xf32, #tpu.memory_space<hbm>>
      %dma_wait3A_53 = tpu.memref_squeeze %dma_wait3A_52 : memref<1x128x128xf32, #tpu.memory_space<hbm>> -> memref<128x128xf32, #tpu.memory_space<hbm>>
      %dma_wait3A_54 = arith.constant 0 : i32
      %dma_wait3A_55 = tpu.memref_slice %arg6[%arg0, %add3A_46, %dma_wait3A_54] : memref<2x10240x128xf32, #tpu.memory_space<hbm>> -> memref<1x128x128xf32, #tpu.memory_space<hbm>>
      %dma_wait3A_56 = tpu.memref_squeeze %dma_wait3A_55 : memref<1x128x128xf32, #tpu.memory_space<hbm>> -> memref<128x128xf32, #tpu.memory_space<hbm>>
      tpu.wait_dma2 semaphore(%run_scoped3A : memref<!tpu.dma_semaphore, #tpu.memory_space<semaphore_mem>>) src(%arg9 : memref<128x128xf32, #tpu.memory_space<vmem>>) dst(%dma_wait3A_56 : memref<128x128xf32, #tpu.memory_space<hbm>>)
      tpu.yield
    }) : () -> ()
    return
  }
}

#map = affine_map<(d0, d1) -> (0, 0)>
#map1 = affine_map<(d0, d1) -> (0)>
#map2 = affine_map<(d0, d1) -> (0, 0, 0)>
module attributes {stable_mosaic.version = 14 : i64} {
  func.func @_mp_kernel(%arg0: i32, %arg1: i32, %arg2: memref<10240x128xf32, #tpu.memory_space<hbm>>, %arg3: memref<323584xi32, #tpu.memory_space<hbm>>, %arg4: memref<323584xi32, #tpu.memory_space<hbm>>, %arg5: memref<128x128xf32, #tpu.memory_space<hbm>>, %arg6: memref<2x10240x128xf32, #tpu.memory_space<hbm>>, %arg7: memref<128xi32, #tpu.memory_space<vmem>>, %arg8: memref<128xi32, #tpu.memory_space<vmem>>, %arg9: memref<128x128xf32, #tpu.memory_space<vmem>>, %arg10: memref<128x128xf32, #tpu.memory_space<vmem>>, %arg11: memref<10240x128xf32, #tpu.memory_space<vmem_shared>>, %arg12: memref<!tpu.dma_semaphore, #tpu.memory_space<semaphore_mem>>) attributes {dimension_semantics = [#tpu.dimension_semantics<core_parallel>, #tpu.dimension_semantics<subcore_parallel>], iteration_bounds = array<i64: 2, 16>, scalar_prefetch = 0 : i64, scratch_operands = 6 : i64, tpu.core_type = #tpu.core_type<sc_vector_subcore>, window_params = [{transform_indices = #map}, {transform_indices = #map1}, {transform_indices = #map1}, {transform_indices = #map}, {transform_indices = #map2}]} {
    %mul3A = arith.constant 16 : i32
    %mul3A_0 = arith.muli %arg0, %mul3A : i32
    %add3A = arith.addi %mul3A_0, %arg1 : i32
    "tpu.region"() ({
      %run_scoped3A = tpu.sem_alloc : memref<!tpu.dma_semaphore, #tpu.memory_space<semaphore_mem>>
      tpu.enqueue_dma source(%arg5 : memref<128x128xf32, #tpu.memory_space<hbm>>) target(%arg10 : memref<128x128xf32, #tpu.memory_space<vmem>>) target_semaphore(%run_scoped3A : memref<!tpu.dma_semaphore, #tpu.memory_space<semaphore_mem>>)
      tpu.wait_dma2 semaphore(%run_scoped3A : memref<!tpu.dma_semaphore, #tpu.memory_space<semaphore_mem>>) src(%arg5 : memref<128x128xf32, #tpu.memory_space<hbm>>) dst(%arg10 : memref<128x128xf32, #tpu.memory_space<vmem>>)
      tpu.yield
    }) : () -> ()
    %mul3A_1 = arith.constant 640 : i32
    %mul3A_2 = arith.muli %arg1, %mul3A_1 : i32
    %add3A_3 = arith.constant 0 : i32
    %add3A_4 = arith.addi %mul3A_2, %add3A_3 : i32
    "tpu.region"() ({
      %run_scoped3A = tpu.sem_alloc : memref<!tpu.dma_semaphore, #tpu.memory_space<semaphore_mem>>
      %dma_start3A = arith.constant 0 : i32
      %dma_start3A_47 = tpu.memref_slice %arg11[%add3A_4, %dma_start3A] : memref<10240x128xf32, #tpu.memory_space<vmem_shared>> -> memref<128x128xf32, #tpu.memory_space<vmem_shared>>
      %dma_start3A_48 = arith.constant 0 : i32
      %dma_start3A_49 = tpu.memref_slice %arg11[%add3A_4, %dma_start3A_48] : memref<10240x128xf32, #tpu.memory_space<vmem_shared>> -> memref<128x128xf32, #tpu.memory_space<vmem_shared>>
      tpu.enqueue_dma source(%arg10 : memref<128x128xf32, #tpu.memory_space<vmem>>) target(%dma_start3A_49 : memref<128x128xf32, #tpu.memory_space<vmem_shared>>) target_semaphore(%run_scoped3A : memref<!tpu.dma_semaphore, #tpu.memory_space<semaphore_mem>>)
      %dma_wait3A = arith.constant 0 : i32
      %dma_wait3A_50 = tpu.memref_slice %arg11[%add3A_4, %dma_wait3A] : memref<10240x128xf32, #tpu.memory_space<vmem_shared>> -> memref<128x128xf32, #tpu.memory_space<vmem_shared>>
      %dma_wait3A_51 = arith.constant 0 : i32
      %dma_wait3A_52 = tpu.memref_slice %arg11[%add3A_4, %dma_wait3A_51] : memref<10240x128xf32, #tpu.memory_space<vmem_shared>> -> memref<128x128xf32, #tpu.memory_space<vmem_shared>>
      tpu.wait_dma2 semaphore(%run_scoped3A : memref<!tpu.dma_semaphore, #tpu.memory_space<semaphore_mem>>) src(%arg10 : memref<128x128xf32, #tpu.memory_space<vmem>>) dst(%dma_wait3A_52 : memref<128x128xf32, #tpu.memory_space<vmem_shared>>)
      tpu.yield
    }) : () -> ()
    %mul3A_5 = arith.constant 640 : i32
    %mul3A_6 = arith.muli %arg1, %mul3A_5 : i32
    %add3A_7 = arith.constant 128 : i32
    %add3A_8 = arith.addi %mul3A_6, %add3A_7 : i32
    "tpu.region"() ({
      %run_scoped3A = tpu.sem_alloc : memref<!tpu.dma_semaphore, #tpu.memory_space<semaphore_mem>>
      %dma_start3A = arith.constant 0 : i32
      %dma_start3A_47 = tpu.memref_slice %arg11[%add3A_8, %dma_start3A] : memref<10240x128xf32, #tpu.memory_space<vmem_shared>> -> memref<128x128xf32, #tpu.memory_space<vmem_shared>>
      %dma_start3A_48 = arith.constant 0 : i32
      %dma_start3A_49 = tpu.memref_slice %arg11[%add3A_8, %dma_start3A_48] : memref<10240x128xf32, #tpu.memory_space<vmem_shared>> -> memref<128x128xf32, #tpu.memory_space<vmem_shared>>
      tpu.enqueue_dma source(%arg10 : memref<128x128xf32, #tpu.memory_space<vmem>>) target(%dma_start3A_49 : memref<128x128xf32, #tpu.memory_space<vmem_shared>>) target_semaphore(%run_scoped3A : memref<!tpu.dma_semaphore, #tpu.memory_space<semaphore_mem>>)
      %dma_wait3A = arith.constant 0 : i32
      %dma_wait3A_50 = tpu.memref_slice %arg11[%add3A_8, %dma_wait3A] : memref<10240x128xf32, #tpu.memory_space<vmem_shared>> -> memref<128x128xf32, #tpu.memory_space<vmem_shared>>
      %dma_wait3A_51 = arith.constant 0 : i32
      %dma_wait3A_52 = tpu.memref_slice %arg11[%add3A_8, %dma_wait3A_51] : memref<10240x128xf32, #tpu.memory_space<vmem_shared>> -> memref<128x128xf32, #tpu.memory_space<vmem_shared>>
      tpu.wait_dma2 semaphore(%run_scoped3A : memref<!tpu.dma_semaphore, #tpu.memory_space<semaphore_mem>>) src(%arg10 : memref<128x128xf32, #tpu.memory_space<vmem>>) dst(%dma_wait3A_52 : memref<128x128xf32, #tpu.memory_space<vmem_shared>>)
      tpu.yield
    }) : () -> ()
    %mul3A_9 = arith.constant 640 : i32
    %mul3A_10 = arith.muli %arg1, %mul3A_9 : i32
    %add3A_11 = arith.constant 256 : i32
    %add3A_12 = arith.addi %mul3A_10, %add3A_11 : i32
    "tpu.region"() ({
      %run_scoped3A = tpu.sem_alloc : memref<!tpu.dma_semaphore, #tpu.memory_space<semaphore_mem>>
      %dma_start3A = arith.constant 0 : i32
      %dma_start3A_47 = tpu.memref_slice %arg11[%add3A_12, %dma_start3A] : memref<10240x128xf32, #tpu.memory_space<vmem_shared>> -> memref<128x128xf32, #tpu.memory_space<vmem_shared>>
      %dma_start3A_48 = arith.constant 0 : i32
      %dma_start3A_49 = tpu.memref_slice %arg11[%add3A_12, %dma_start3A_48] : memref<10240x128xf32, #tpu.memory_space<vmem_shared>> -> memref<128x128xf32, #tpu.memory_space<vmem_shared>>
      tpu.enqueue_dma source(%arg10 : memref<128x128xf32, #tpu.memory_space<vmem>>) target(%dma_start3A_49 : memref<128x128xf32, #tpu.memory_space<vmem_shared>>) target_semaphore(%run_scoped3A : memref<!tpu.dma_semaphore, #tpu.memory_space<semaphore_mem>>)
      %dma_wait3A = arith.constant 0 : i32
      %dma_wait3A_50 = tpu.memref_slice %arg11[%add3A_12, %dma_wait3A] : memref<10240x128xf32, #tpu.memory_space<vmem_shared>> -> memref<128x128xf32, #tpu.memory_space<vmem_shared>>
      %dma_wait3A_51 = arith.constant 0 : i32
      %dma_wait3A_52 = tpu.memref_slice %arg11[%add3A_12, %dma_wait3A_51] : memref<10240x128xf32, #tpu.memory_space<vmem_shared>> -> memref<128x128xf32, #tpu.memory_space<vmem_shared>>
      tpu.wait_dma2 semaphore(%run_scoped3A : memref<!tpu.dma_semaphore, #tpu.memory_space<semaphore_mem>>) src(%arg10 : memref<128x128xf32, #tpu.memory_space<vmem>>) dst(%dma_wait3A_52 : memref<128x128xf32, #tpu.memory_space<vmem_shared>>)
      tpu.yield
    }) : () -> ()
    %mul3A_13 = arith.constant 640 : i32
    %mul3A_14 = arith.muli %arg1, %mul3A_13 : i32
    %add3A_15 = arith.constant 384 : i32
    %add3A_16 = arith.addi %mul3A_14, %add3A_15 : i32
    "tpu.region"() ({
      %run_scoped3A = tpu.sem_alloc : memref<!tpu.dma_semaphore, #tpu.memory_space<semaphore_mem>>
      %dma_start3A = arith.constant 0 : i32
      %dma_start3A_47 = tpu.memref_slice %arg11[%add3A_16, %dma_start3A] : memref<10240x128xf32, #tpu.memory_space<vmem_shared>> -> memref<128x128xf32, #tpu.memory_space<vmem_shared>>
      %dma_start3A_48 = arith.constant 0 : i32
      %dma_start3A_49 = tpu.memref_slice %arg11[%add3A_16, %dma_start3A_48] : memref<10240x128xf32, #tpu.memory_space<vmem_shared>> -> memref<128x128xf32, #tpu.memory_space<vmem_shared>>
      tpu.enqueue_dma source(%arg10 : memref<128x128xf32, #tpu.memory_space<vmem>>) target(%dma_start3A_49 : memref<128x128xf32, #tpu.memory_space<vmem_shared>>) target_semaphore(%run_scoped3A : memref<!tpu.dma_semaphore, #tpu.memory_space<semaphore_mem>>)
      %dma_wait3A = arith.constant 0 : i32
      %dma_wait3A_50 = tpu.memref_slice %arg11[%add3A_16, %dma_wait3A] : memref<10240x128xf32, #tpu.memory_space<vmem_shared>> -> memref<128x128xf32, #tpu.memory_space<vmem_shared>>
      %dma_wait3A_51 = arith.constant 0 : i32
      %dma_wait3A_52 = tpu.memref_slice %arg11[%add3A_16, %dma_wait3A_51] : memref<10240x128xf32, #tpu.memory_space<vmem_shared>> -> memref<128x128xf32, #tpu.memory_space<vmem_shared>>
      tpu.wait_dma2 semaphore(%run_scoped3A : memref<!tpu.dma_semaphore, #tpu.memory_space<semaphore_mem>>) src(%arg10 : memref<128x128xf32, #tpu.memory_space<vmem>>) dst(%dma_wait3A_52 : memref<128x128xf32, #tpu.memory_space<vmem_shared>>)
      tpu.yield
    }) : () -> ()
    %mul3A_17 = arith.constant 640 : i32
    %mul3A_18 = arith.muli %arg1, %mul3A_17 : i32
    %add3A_19 = arith.constant 512 : i32
    %add3A_20 = arith.addi %mul3A_18, %add3A_19 : i32
    "tpu.region"() ({
      %run_scoped3A = tpu.sem_alloc : memref<!tpu.dma_semaphore, #tpu.memory_space<semaphore_mem>>
      %dma_start3A = arith.constant 0 : i32
      %dma_start3A_47 = tpu.memref_slice %arg11[%add3A_20, %dma_start3A] : memref<10240x128xf32, #tpu.memory_space<vmem_shared>> -> memref<128x128xf32, #tpu.memory_space<vmem_shared>>
      %dma_start3A_48 = arith.constant 0 : i32
      %dma_start3A_49 = tpu.memref_slice %arg11[%add3A_20, %dma_start3A_48] : memref<10240x128xf32, #tpu.memory_space<vmem_shared>> -> memref<128x128xf32, #tpu.memory_space<vmem_shared>>
      tpu.enqueue_dma source(%arg10 : memref<128x128xf32, #tpu.memory_space<vmem>>) target(%dma_start3A_49 : memref<128x128xf32, #tpu.memory_space<vmem_shared>>) target_semaphore(%run_scoped3A : memref<!tpu.dma_semaphore, #tpu.memory_space<semaphore_mem>>)
      %dma_wait3A = arith.constant 0 : i32
      %dma_wait3A_50 = tpu.memref_slice %arg11[%add3A_20, %dma_wait3A] : memref<10240x128xf32, #tpu.memory_space<vmem_shared>> -> memref<128x128xf32, #tpu.memory_space<vmem_shared>>
      %dma_wait3A_51 = arith.constant 0 : i32
      %dma_wait3A_52 = tpu.memref_slice %arg11[%add3A_20, %dma_wait3A_51] : memref<10240x128xf32, #tpu.memory_space<vmem_shared>> -> memref<128x128xf32, #tpu.memory_space<vmem_shared>>
      tpu.wait_dma2 semaphore(%run_scoped3A : memref<!tpu.dma_semaphore, #tpu.memory_space<semaphore_mem>>) src(%arg10 : memref<128x128xf32, #tpu.memory_space<vmem>>) dst(%dma_wait3A_52 : memref<128x128xf32, #tpu.memory_space<vmem_shared>>)
      tpu.yield
    }) : () -> ()
    %barrier3A = arith.constant 0 : index
    tpu.barrier barrier_id(%barrier3A)
    %scan3A = arith.constant 0 : i32
    %scan3A_21 = arith.constant 0 : i32
    %scan3A_22 = arith.constant 79 : i32
    %scan3A_23 = arith.addi %scan3A_21, %scan3A_22 : i32
    %scan3A_24 = arith.constant 1 : i32
    scf.for %scan3A_47 = %scan3A_21 to %scan3A_23 step %scan3A_24  : i32 {
      %mul3A_48 = arith.constant 10112 : i32
      %mul3A_49 = arith.muli %add3A, %mul3A_48 : i32
      %mul3A_50 = arith.constant 128 : i32
      %mul3A_51 = arith.muli %scan3A_47, %mul3A_50 : i32
      %add3A_52 = arith.addi %mul3A_49, %mul3A_51 : i32
      "tpu.region"() ({
        %run_scoped3A = tpu.sem_alloc : memref<!tpu.dma_semaphore, #tpu.memory_space<semaphore_mem>>
        %dma_start3A_57 = tpu.memref_slice %arg3[%add3A_52] : memref<323584xi32, #tpu.memory_space<hbm>> -> memref<128xi32, #tpu.memory_space<hbm>>
        %dma_start3A_58 = tpu.memref_slice %arg3[%add3A_52] : memref<323584xi32, #tpu.memory_space<hbm>> -> memref<128xi32, #tpu.memory_space<hbm>>
        tpu.enqueue_dma source(%dma_start3A_58 : memref<128xi32, #tpu.memory_space<hbm>>) target(%arg7 : memref<128xi32, #tpu.memory_space<vmem>>) target_semaphore(%run_scoped3A : memref<!tpu.dma_semaphore, #tpu.memory_space<semaphore_mem>>)
        %dma_wait3A_59 = tpu.memref_slice %arg3[%add3A_52] : memref<323584xi32, #tpu.memory_space<hbm>> -> memref<128xi32, #tpu.memory_space<hbm>>
        %dma_wait3A_60 = tpu.memref_slice %arg3[%add3A_52] : memref<323584xi32, #tpu.memory_space<hbm>> -> memref<128xi32, #tpu.memory_space<hbm>>
        tpu.wait_dma2 semaphore(%run_scoped3A : memref<!tpu.dma_semaphore, #tpu.memory_space<semaphore_mem>>) src(%dma_wait3A_60 : memref<128xi32, #tpu.memory_space<hbm>>) dst(%arg7 : memref<128xi32, #tpu.memory_space<vmem>>)
        tpu.yield
      }) : () -> ()
      "tpu.region"() ({
        %run_scoped3A = tpu.sem_alloc : memref<!tpu.dma_semaphore, #tpu.memory_space<semaphore_mem>>
        %dma_start3A_57 = tpu.memref_slice %arg4[%add3A_52] : memref<323584xi32, #tpu.memory_space<hbm>> -> memref<128xi32, #tpu.memory_space<hbm>>
        %dma_start3A_58 = tpu.memref_slice %arg4[%add3A_52] : memref<323584xi32, #tpu.memory_space<hbm>> -> memref<128xi32, #tpu.memory_space<hbm>>
        tpu.enqueue_dma source(%dma_start3A_58 : memref<128xi32, #tpu.memory_space<hbm>>) target(%arg8 : memref<128xi32, #tpu.memory_space<vmem>>) target_semaphore(%run_scoped3A : memref<!tpu.dma_semaphore, #tpu.memory_space<semaphore_mem>>)
        %dma_wait3A_59 = tpu.memref_slice %arg4[%add3A_52] : memref<323584xi32, #tpu.memory_space<hbm>> -> memref<128xi32, #tpu.memory_space<hbm>>
        %dma_wait3A_60 = tpu.memref_slice %arg4[%add3A_52] : memref<323584xi32, #tpu.memory_space<hbm>> -> memref<128xi32, #tpu.memory_space<hbm>>
        tpu.wait_dma2 semaphore(%run_scoped3A : memref<!tpu.dma_semaphore, #tpu.memory_space<semaphore_mem>>) src(%dma_wait3A_60 : memref<128xi32, #tpu.memory_space<hbm>>) dst(%arg8 : memref<128xi32, #tpu.memory_space<vmem>>)
        tpu.yield
      }) : () -> ()
      %dma_start3A = arith.constant 0 : i32
      %dma_start3A_53 = arith.constant 0 : i32
      %dma_start3A_54 = tpu.memref_slice %arg2[%dma_start3A, %dma_start3A_53] : memref<10240x128xf32, #tpu.memory_space<hbm>> -> memref<10240x128xf32, #tpu.memory_space<hbm>>
      tpu.enqueue_indirect_dma source(%dma_start3A_54 : memref<10240x128xf32, #tpu.memory_space<hbm>>) target(%arg9 : memref<128x128xf32, #tpu.memory_space<vmem>>) offsets(%arg7 : memref<128xi32, #tpu.memory_space<vmem>>) semaphore(%arg12 : memref<!tpu.dma_semaphore, #tpu.memory_space<semaphore_mem>>)
      %dma_wait3A = arith.constant 0 : i32
      %dma_wait3A_55 = arith.constant 0 : i32
      %dma_wait3A_56 = tpu.memref_slice %arg2[%dma_wait3A, %dma_wait3A_55] : memref<10240x128xf32, #tpu.memory_space<hbm>> -> memref<10240x128xf32, #tpu.memory_space<hbm>>
      tpu.wait_indirect_dma semaphore(%arg12 : memref<!tpu.dma_semaphore, #tpu.memory_space<semaphore_mem>>) src(%dma_wait3A_56 : memref<10240x128xf32, #tpu.memory_space<hbm>>) dst(%arg9 : memref<128x128xf32, #tpu.memory_space<vmem>>)
      "tpu.region"() ({
        %run_scoped3A = tpu.sem_alloc : memref<!tpu.dma_semaphore, #tpu.memory_space<semaphore_mem>>
        %dma_start3A_57 = arith.constant 0 : i32
        %dma_start3A_58 = arith.constant 0 : i32
        %dma_start3A_59 = tpu.memref_slice %arg11[%dma_start3A_57, %dma_start3A_58] : memref<10240x128xf32, #tpu.memory_space<vmem_shared>> -> memref<10240x128xf32, #tpu.memory_space<vmem_shared>>
        tpu.enqueue_indirect_dma source(%arg9 : memref<128x128xf32, #tpu.memory_space<vmem>>) target(%dma_start3A_59 : memref<10240x128xf32, #tpu.memory_space<vmem_shared>>) offsets(%arg8 : memref<128xi32, #tpu.memory_space<vmem>>) semaphore(%run_scoped3A : memref<!tpu.dma_semaphore, #tpu.memory_space<semaphore_mem>>) {add = true}
        %dma_wait3A_60 = arith.constant 0 : i32
        %dma_wait3A_61 = arith.constant 0 : i32
        %dma_wait3A_62 = tpu.memref_slice %arg11[%dma_wait3A_60, %dma_wait3A_61] : memref<10240x128xf32, #tpu.memory_space<vmem_shared>> -> memref<10240x128xf32, #tpu.memory_space<vmem_shared>>
        tpu.wait_indirect_dma semaphore(%run_scoped3A : memref<!tpu.dma_semaphore, #tpu.memory_space<semaphore_mem>>) src(%arg9 : memref<128x128xf32, #tpu.memory_space<vmem>>) dst(%dma_wait3A_62 : memref<10240x128xf32, #tpu.memory_space<vmem_shared>>)
        tpu.yield
      }) : () -> ()
    }
    %scan3A_25 = arith.constant 79 : i32
    %barrier3A_26 = arith.constant 0 : index
    tpu.barrier barrier_id(%barrier3A_26)
    %mul3A_27 = arith.constant 640 : i32
    %mul3A_28 = arith.muli %arg1, %mul3A_27 : i32
    %add3A_29 = arith.constant 0 : i32
    %add3A_30 = arith.addi %mul3A_28, %add3A_29 : i32
    "tpu.region"() ({
      %run_scoped3A = tpu.sem_alloc : memref<!tpu.dma_semaphore, #tpu.memory_space<semaphore_mem>>
      %dma_start3A = arith.constant 0 : i32
      %dma_start3A_47 = tpu.memref_slice %arg11[%add3A_30, %dma_start3A] : memref<10240x128xf32, #tpu.memory_space<vmem_shared>> -> memref<128x128xf32, #tpu.memory_space<vmem_shared>>
      %dma_start3A_48 = arith.constant 0 : i32
      %dma_start3A_49 = tpu.memref_slice %arg11[%add3A_30, %dma_start3A_48] : memref<10240x128xf32, #tpu.memory_space<vmem_shared>> -> memref<128x128xf32, #tpu.memory_space<vmem_shared>>
      tpu.enqueue_dma source(%dma_start3A_49 : memref<128x128xf32, #tpu.memory_space<vmem_shared>>) target(%arg9 : memref<128x128xf32, #tpu.memory_space<vmem>>) target_semaphore(%run_scoped3A : memref<!tpu.dma_semaphore, #tpu.memory_space<semaphore_mem>>)
      %dma_wait3A = arith.constant 0 : i32
      %dma_wait3A_50 = tpu.memref_slice %arg11[%add3A_30, %dma_wait3A] : memref<10240x128xf32, #tpu.memory_space<vmem_shared>> -> memref<128x128xf32, #tpu.memory_space<vmem_shared>>
      %dma_wait3A_51 = arith.constant 0 : i32
      %dma_wait3A_52 = tpu.memref_slice %arg11[%add3A_30, %dma_wait3A_51] : memref<10240x128xf32, #tpu.memory_space<vmem_shared>> -> memref<128x128xf32, #tpu.memory_space<vmem_shared>>
      tpu.wait_dma2 semaphore(%run_scoped3A : memref<!tpu.dma_semaphore, #tpu.memory_space<semaphore_mem>>) src(%dma_wait3A_52 : memref<128x128xf32, #tpu.memory_space<vmem_shared>>) dst(%arg9 : memref<128x128xf32, #tpu.memory_space<vmem>>)
      tpu.yield
    }) : () -> ()
    "tpu.region"() ({
      %run_scoped3A = tpu.sem_alloc : memref<!tpu.dma_semaphore, #tpu.memory_space<semaphore_mem>>
      %dma_start3A = arith.constant 0 : i32
      %dma_start3A_47 = tpu.memref_slice %arg6[%arg0, %add3A_30, %dma_start3A] : memref<2x10240x128xf32, #tpu.memory_space<hbm>> -> memref<1x128x128xf32, #tpu.memory_space<hbm>>
      %dma_start3A_48 = tpu.memref_squeeze %dma_start3A_47 : memref<1x128x128xf32, #tpu.memory_space<hbm>> -> memref<128x128xf32, #tpu.memory_space<hbm>>
      %dma_start3A_49 = arith.constant 0 : i32
      %dma_start3A_50 = tpu.memref_slice %arg6[%arg0, %add3A_30, %dma_start3A_49] : memref<2x10240x128xf32, #tpu.memory_space<hbm>> -> memref<1x128x128xf32, #tpu.memory_space<hbm>>
      %dma_start3A_51 = tpu.memref_squeeze %dma_start3A_50 : memref<1x128x128xf32, #tpu.memory_space<hbm>> -> memref<128x128xf32, #tpu.memory_space<hbm>>
      tpu.enqueue_dma source(%arg9 : memref<128x128xf32, #tpu.memory_space<vmem>>) target(%dma_start3A_51 : memref<128x128xf32, #tpu.memory_space<hbm>>) target_semaphore(%run_scoped3A : memref<!tpu.dma_semaphore, #tpu.memory_space<semaphore_mem>>)
      %dma_wait3A = arith.constant 0 : i32
      %dma_wait3A_52 = tpu.memref_slice %arg6[%arg0, %add3A_30, %dma_wait3A] : memref<2x10240x128xf32, #tpu.memory_space<hbm>> -> memref<1x128x128xf32, #tpu.memory_space<hbm>>
      %dma_wait3A_53 = tpu.memref_squeeze %dma_wait3A_52 : memref<1x128x128xf32, #tpu.memory_space<hbm>> -> memref<128x128xf32, #tpu.memory_space<hbm>>
      %dma_wait3A_54 = arith.constant 0 : i32
      %dma_wait3A_55 = tpu.memref_slice %arg6[%arg0, %add3A_30, %dma_wait3A_54] : memref<2x10240x128xf32, #tpu.memory_space<hbm>> -> memref<1x128x128xf32, #tpu.memory_space<hbm>>
      %dma_wait3A_56 = tpu.memref_squeeze %dma_wait3A_55 : memref<1x128x128xf32, #tpu.memory_space<hbm>> -> memref<128x128xf32, #tpu.memory_space<hbm>>
      tpu.wait_dma2 semaphore(%run_scoped3A : memref<!tpu.dma_semaphore, #tpu.memory_space<semaphore_mem>>) src(%arg9 : memref<128x128xf32, #tpu.memory_space<vmem>>) dst(%dma_wait3A_56 : memref<128x128xf32, #tpu.memory_space<hbm>>)
      tpu.yield
    }) : () -> ()
    %mul3A_31 = arith.constant 640 : i32
    %mul3A_32 = arith.muli %arg1, %mul3A_31 : i32
    %add3A_33 = arith.constant 128 : i32
    %add3A_34 = arith.addi %mul3A_32, %add3A_33 : i32
    "tpu.region"() ({
      %run_scoped3A = tpu.sem_alloc : memref<!tpu.dma_semaphore, #tpu.memory_space<semaphore_mem>>
      %dma_start3A = arith.constant 0 : i32
      %dma_start3A_47 = tpu.memref_slice %arg11[%add3A_34, %dma_start3A] : memref<10240x128xf32, #tpu.memory_space<vmem_shared>> -> memref<128x128xf32, #tpu.memory_space<vmem_shared>>
      %dma_start3A_48 = arith.constant 0 : i32
      %dma_start3A_49 = tpu.memref_slice %arg11[%add3A_34, %dma_start3A_48] : memref<10240x128xf32, #tpu.memory_space<vmem_shared>> -> memref<128x128xf32, #tpu.memory_space<vmem_shared>>
      tpu.enqueue_dma source(%dma_start3A_49 : memref<128x128xf32, #tpu.memory_space<vmem_shared>>) target(%arg9 : memref<128x128xf32, #tpu.memory_space<vmem>>) target_semaphore(%run_scoped3A : memref<!tpu.dma_semaphore, #tpu.memory_space<semaphore_mem>>)
      %dma_wait3A = arith.constant 0 : i32
      %dma_wait3A_50 = tpu.memref_slice %arg11[%add3A_34, %dma_wait3A] : memref<10240x128xf32, #tpu.memory_space<vmem_shared>> -> memref<128x128xf32, #tpu.memory_space<vmem_shared>>
      %dma_wait3A_51 = arith.constant 0 : i32
      %dma_wait3A_52 = tpu.memref_slice %arg11[%add3A_34, %dma_wait3A_51] : memref<10240x128xf32, #tpu.memory_space<vmem_shared>> -> memref<128x128xf32, #tpu.memory_space<vmem_shared>>
      tpu.wait_dma2 semaphore(%run_scoped3A : memref<!tpu.dma_semaphore, #tpu.memory_space<semaphore_mem>>) src(%dma_wait3A_52 : memref<128x128xf32, #tpu.memory_space<vmem_shared>>) dst(%arg9 : memref<128x128xf32, #tpu.memory_space<vmem>>)
      tpu.yield
    }) : () -> ()
    "tpu.region"() ({
      %run_scoped3A = tpu.sem_alloc : memref<!tpu.dma_semaphore, #tpu.memory_space<semaphore_mem>>
      %dma_start3A = arith.constant 0 : i32
      %dma_start3A_47 = tpu.memref_slice %arg6[%arg0, %add3A_34, %dma_start3A] : memref<2x10240x128xf32, #tpu.memory_space<hbm>> -> memref<1x128x128xf32, #tpu.memory_space<hbm>>
      %dma_start3A_48 = tpu.memref_squeeze %dma_start3A_47 : memref<1x128x128xf32, #tpu.memory_space<hbm>> -> memref<128x128xf32, #tpu.memory_space<hbm>>
      %dma_start3A_49 = arith.constant 0 : i32
      %dma_start3A_50 = tpu.memref_slice %arg6[%arg0, %add3A_34, %dma_start3A_49] : memref<2x10240x128xf32, #tpu.memory_space<hbm>> -> memref<1x128x128xf32, #tpu.memory_space<hbm>>
      %dma_start3A_51 = tpu.memref_squeeze %dma_start3A_50 : memref<1x128x128xf32, #tpu.memory_space<hbm>> -> memref<128x128xf32, #tpu.memory_space<hbm>>
      tpu.enqueue_dma source(%arg9 : memref<128x128xf32, #tpu.memory_space<vmem>>) target(%dma_start3A_51 : memref<128x128xf32, #tpu.memory_space<hbm>>) target_semaphore(%run_scoped3A : memref<!tpu.dma_semaphore, #tpu.memory_space<semaphore_mem>>)
      %dma_wait3A = arith.constant 0 : i32
      %dma_wait3A_52 = tpu.memref_slice %arg6[%arg0, %add3A_34, %dma_wait3A] : memref<2x10240x128xf32, #tpu.memory_space<hbm>> -> memref<1x128x128xf32, #tpu.memory_space<hbm>>
      %dma_wait3A_53 = tpu.memref_squeeze %dma_wait3A_52 : memref<1x128x128xf32, #tpu.memory_space<hbm>> -> memref<128x128xf32, #tpu.memory_space<hbm>>
      %dma_wait3A_54 = arith.constant 0 : i32
      %dma_wait3A_55 = tpu.memref_slice %arg6[%arg0, %add3A_34, %dma_wait3A_54] : memref<2x10240x128xf32, #tpu.memory_space<hbm>> -> memref<1x128x128xf32, #tpu.memory_space<hbm>>
      %dma_wait3A_56 = tpu.memref_squeeze %dma_wait3A_55 : memref<1x128x128xf32, #tpu.memory_space<hbm>> -> memref<128x128xf32, #tpu.memory_space<hbm>>
      tpu.wait_dma2 semaphore(%run_scoped3A : memref<!tpu.dma_semaphore, #tpu.memory_space<semaphore_mem>>) src(%arg9 : memref<128x128xf32, #tpu.memory_space<vmem>>) dst(%dma_wait3A_56 : memref<128x128xf32, #tpu.memory_space<hbm>>)
      tpu.yield
    }) : () -> ()
    %mul3A_35 = arith.constant 640 : i32
    %mul3A_36 = arith.muli %arg1, %mul3A_35 : i32
    %add3A_37 = arith.constant 256 : i32
    %add3A_38 = arith.addi %mul3A_36, %add3A_37 : i32
    "tpu.region"() ({
      %run_scoped3A = tpu.sem_alloc : memref<!tpu.dma_semaphore, #tpu.memory_space<semaphore_mem>>
      %dma_start3A = arith.constant 0 : i32
      %dma_start3A_47 = tpu.memref_slice %arg11[%add3A_38, %dma_start3A] : memref<10240x128xf32, #tpu.memory_space<vmem_shared>> -> memref<128x128xf32, #tpu.memory_space<vmem_shared>>
      %dma_start3A_48 = arith.constant 0 : i32
      %dma_start3A_49 = tpu.memref_slice %arg11[%add3A_38, %dma_start3A_48] : memref<10240x128xf32, #tpu.memory_space<vmem_shared>> -> memref<128x128xf32, #tpu.memory_space<vmem_shared>>
      tpu.enqueue_dma source(%dma_start3A_49 : memref<128x128xf32, #tpu.memory_space<vmem_shared>>) target(%arg9 : memref<128x128xf32, #tpu.memory_space<vmem>>) target_semaphore(%run_scoped3A : memref<!tpu.dma_semaphore, #tpu.memory_space<semaphore_mem>>)
      %dma_wait3A = arith.constant 0 : i32
      %dma_wait3A_50 = tpu.memref_slice %arg11[%add3A_38, %dma_wait3A] : memref<10240x128xf32, #tpu.memory_space<vmem_shared>> -> memref<128x128xf32, #tpu.memory_space<vmem_shared>>
      %dma_wait3A_51 = arith.constant 0 : i32
      %dma_wait3A_52 = tpu.memref_slice %arg11[%add3A_38, %dma_wait3A_51] : memref<10240x128xf32, #tpu.memory_space<vmem_shared>> -> memref<128x128xf32, #tpu.memory_space<vmem_shared>>
      tpu.wait_dma2 semaphore(%run_scoped3A : memref<!tpu.dma_semaphore, #tpu.memory_space<semaphore_mem>>) src(%dma_wait3A_52 : memref<128x128xf32, #tpu.memory_space<vmem_shared>>) dst(%arg9 : memref<128x128xf32, #tpu.memory_space<vmem>>)
      tpu.yield
    }) : () -> ()
    "tpu.region"() ({
      %run_scoped3A = tpu.sem_alloc : memref<!tpu.dma_semaphore, #tpu.memory_space<semaphore_mem>>
      %dma_start3A = arith.constant 0 : i32
      %dma_start3A_47 = tpu.memref_slice %arg6[%arg0, %add3A_38, %dma_start3A] : memref<2x10240x128xf32, #tpu.memory_space<hbm>> -> memref<1x128x128xf32, #tpu.memory_space<hbm>>
      %dma_start3A_48 = tpu.memref_squeeze %dma_start3A_47 : memref<1x128x128xf32, #tpu.memory_space<hbm>> -> memref<128x128xf32, #tpu.memory_space<hbm>>
      %dma_start3A_49 = arith.constant 0 : i32
      %dma_start3A_50 = tpu.memref_slice %arg6[%arg0, %add3A_38, %dma_start3A_49] : memref<2x10240x128xf32, #tpu.memory_space<hbm>> -> memref<1x128x128xf32, #tpu.memory_space<hbm>>
      %dma_start3A_51 = tpu.memref_squeeze %dma_start3A_50 : memref<1x128x128xf32, #tpu.memory_space<hbm>> -> memref<128x128xf32, #tpu.memory_space<hbm>>
      tpu.enqueue_dma source(%arg9 : memref<128x128xf32, #tpu.memory_space<vmem>>) target(%dma_start3A_51 : memref<128x128xf32, #tpu.memory_space<hbm>>) target_semaphore(%run_scoped3A : memref<!tpu.dma_semaphore, #tpu.memory_space<semaphore_mem>>)
      %dma_wait3A = arith.constant 0 : i32
      %dma_wait3A_52 = tpu.memref_slice %arg6[%arg0, %add3A_38, %dma_wait3A] : memref<2x10240x128xf32, #tpu.memory_space<hbm>> -> memref<1x128x128xf32, #tpu.memory_space<hbm>>
      %dma_wait3A_53 = tpu.memref_squeeze %dma_wait3A_52 : memref<1x128x128xf32, #tpu.memory_space<hbm>> -> memref<128x128xf32, #tpu.memory_space<hbm>>
      %dma_wait3A_54 = arith.constant 0 : i32
      %dma_wait3A_55 = tpu.memref_slice %arg6[%arg0, %add3A_38, %dma_wait3A_54] : memref<2x10240x128xf32, #tpu.memory_space<hbm>> -> memref<1x128x128xf32, #tpu.memory_space<hbm>>
      %dma_wait3A_56 = tpu.memref_squeeze %dma_wait3A_55 : memref<1x128x128xf32, #tpu.memory_space<hbm>> -> memref<128x128xf32, #tpu.memory_space<hbm>>
      tpu.wait_dma2 semaphore(%run_scoped3A : memref<!tpu.dma_semaphore, #tpu.memory_space<semaphore_mem>>) src(%arg9 : memref<128x128xf32, #tpu.memory_space<vmem>>) dst(%dma_wait3A_56 : memref<128x128xf32, #tpu.memory_space<hbm>>)
      tpu.yield
    }) : () -> ()
    %mul3A_39 = arith.constant 640 : i32
    %mul3A_40 = arith.muli %arg1, %mul3A_39 : i32
    %add3A_41 = arith.constant 384 : i32
    %add3A_42 = arith.addi %mul3A_40, %add3A_41 : i32
    "tpu.region"() ({
      %run_scoped3A = tpu.sem_alloc : memref<!tpu.dma_semaphore, #tpu.memory_space<semaphore_mem>>
      %dma_start3A = arith.constant 0 : i32
      %dma_start3A_47 = tpu.memref_slice %arg11[%add3A_42, %dma_start3A] : memref<10240x128xf32, #tpu.memory_space<vmem_shared>> -> memref<128x128xf32, #tpu.memory_space<vmem_shared>>
      %dma_start3A_48 = arith.constant 0 : i32
      %dma_start3A_49 = tpu.memref_slice %arg11[%add3A_42, %dma_start3A_48] : memref<10240x128xf32, #tpu.memory_space<vmem_shared>> -> memref<128x128xf32, #tpu.memory_space<vmem_shared>>
      tpu.enqueue_dma source(%dma_start3A_49 : memref<128x128xf32, #tpu.memory_space<vmem_shared>>) target(%arg9 : memref<128x128xf32, #tpu.memory_space<vmem>>) target_semaphore(%run_scoped3A : memref<!tpu.dma_semaphore, #tpu.memory_space<semaphore_mem>>)
      %dma_wait3A = arith.constant 0 : i32
      %dma_wait3A_50 = tpu.memref_slice %arg11[%add3A_42, %dma_wait3A] : memref<10240x128xf32, #tpu.memory_space<vmem_shared>> -> memref<128x128xf32, #tpu.memory_space<vmem_shared>>
      %dma_wait3A_51 = arith.constant 0 : i32
      %dma_wait3A_52 = tpu.memref_slice %arg11[%add3A_42, %dma_wait3A_51] : memref<10240x128xf32, #tpu.memory_space<vmem_shared>> -> memref<128x128xf32, #tpu.memory_space<vmem_shared>>
      tpu.wait_dma2 semaphore(%run_scoped3A : memref<!tpu.dma_semaphore, #tpu.memory_space<semaphore_mem>>) src(%dma_wait3A_52 : memref<128x128xf32, #tpu.memory_space<vmem_shared>>) dst(%arg9 : memref<128x128xf32, #tpu.memory_space<vmem>>)
      tpu.yield
    }) : () -> ()
    "tpu.region"() ({
      %run_scoped3A = tpu.sem_alloc : memref<!tpu.dma_semaphore, #tpu.memory_space<semaphore_mem>>
      %dma_start3A = arith.constant 0 : i32
      %dma_start3A_47 = tpu.memref_slice %arg6[%arg0, %add3A_42, %dma_start3A] : memref<2x10240x128xf32, #tpu.memory_space<hbm>> -> memref<1x128x128xf32, #tpu.memory_space<hbm>>
      %dma_start3A_48 = tpu.memref_squeeze %dma_start3A_47 : memref<1x128x128xf32, #tpu.memory_space<hbm>> -> memref<128x128xf32, #tpu.memory_space<hbm>>
      %dma_start3A_49 = arith.constant 0 : i32
      %dma_start3A_50 = tpu.memref_slice %arg6[%arg0, %add3A_42, %dma_start3A_49] : memref<2x10240x128xf32, #tpu.memory_space<hbm>> -> memref<1x128x128xf32, #tpu.memory_space<hbm>>
      %dma_start3A_51 = tpu.memref_squeeze %dma_start3A_50 : memref<1x128x128xf32, #tpu.memory_space<hbm>> -> memref<128x128xf32, #tpu.memory_space<hbm>>
      tpu.enqueue_dma source(%arg9 : memref<128x128xf32, #tpu.memory_space<vmem>>) target(%dma_start3A_51 : memref<128x128xf32, #tpu.memory_space<hbm>>) target_semaphore(%run_scoped3A : memref<!tpu.dma_semaphore, #tpu.memory_space<semaphore_mem>>)
      %dma_wait3A = arith.constant 0 : i32
      %dma_wait3A_52 = tpu.memref_slice %arg6[%arg0, %add3A_42, %dma_wait3A] : memref<2x10240x128xf32, #tpu.memory_space<hbm>> -> memref<1x128x128xf32, #tpu.memory_space<hbm>>
      %dma_wait3A_53 = tpu.memref_squeeze %dma_wait3A_52 : memref<1x128x128xf32, #tpu.memory_space<hbm>> -> memref<128x128xf32, #tpu.memory_space<hbm>>
      %dma_wait3A_54 = arith.constant 0 : i32
      %dma_wait3A_55 = tpu.memref_slice %arg6[%arg0, %add3A_42, %dma_wait3A_54] : memref<2x10240x128xf32, #tpu.memory_space<hbm>> -> memref<1x128x128xf32, #tpu.memory_space<hbm>>
      %dma_wait3A_56 = tpu.memref_squeeze %dma_wait3A_55 : memref<1x128x128xf32, #tpu.memory_space<hbm>> -> memref<128x128xf32, #tpu.memory_space<hbm>>
      tpu.wait_dma2 semaphore(%run_scoped3A : memref<!tpu.dma_semaphore, #tpu.memory_space<semaphore_mem>>) src(%arg9 : memref<128x128xf32, #tpu.memory_space<vmem>>) dst(%dma_wait3A_56 : memref<128x128xf32, #tpu.memory_space<hbm>>)
      tpu.yield
    }) : () -> ()
    %mul3A_43 = arith.constant 640 : i32
    %mul3A_44 = arith.muli %arg1, %mul3A_43 : i32
    %add3A_45 = arith.constant 512 : i32
    %add3A_46 = arith.addi %mul3A_44, %add3A_45 : i32
    "tpu.region"() ({
      %run_scoped3A = tpu.sem_alloc : memref<!tpu.dma_semaphore, #tpu.memory_space<semaphore_mem>>
      %dma_start3A = arith.constant 0 : i32
      %dma_start3A_47 = tpu.memref_slice %arg11[%add3A_46, %dma_start3A] : memref<10240x128xf32, #tpu.memory_space<vmem_shared>> -> memref<128x128xf32, #tpu.memory_space<vmem_shared>>
      %dma_start3A_48 = arith.constant 0 : i32
      %dma_start3A_49 = tpu.memref_slice %arg11[%add3A_46, %dma_start3A_48] : memref<10240x128xf32, #tpu.memory_space<vmem_shared>> -> memref<128x128xf32, #tpu.memory_space<vmem_shared>>
      tpu.enqueue_dma source(%dma_start3A_49 : memref<128x128xf32, #tpu.memory_space<vmem_shared>>) target(%arg9 : memref<128x128xf32, #tpu.memory_space<vmem>>) target_semaphore(%run_scoped3A : memref<!tpu.dma_semaphore, #tpu.memory_space<semaphore_mem>>)
      %dma_wait3A = arith.constant 0 : i32
      %dma_wait3A_50 = tpu.memref_slice %arg11[%add3A_46, %dma_wait3A] : memref<10240x128xf32, #tpu.memory_space<vmem_shared>> -> memref<128x128xf32, #tpu.memory_space<vmem_shared>>
      %dma_wait3A_51 = arith.constant 0 : i32
      %dma_wait3A_52 = tpu.memref_slice %arg11[%add3A_46, %dma_wait3A_51] : memref<10240x128xf32, #tpu.memory_space<vmem_shared>> -> memref<128x128xf32, #tpu.memory_space<vmem_shared>>
      tpu.wait_dma2 semaphore(%run_scoped3A : memref<!tpu.dma_semaphore, #tpu.memory_space<semaphore_mem>>) src(%dma_wait3A_52 : memref<128x128xf32, #tpu.memory_space<vmem_shared>>) dst(%arg9 : memref<128x128xf32, #tpu.memory_space<vmem>>)
      tpu.yield
    }) : () -> ()
    "tpu.region"() ({
      %run_scoped3A = tpu.sem_alloc : memref<!tpu.dma_semaphore, #tpu.memory_space<semaphore_mem>>
      %dma_start3A = arith.constant 0 : i32
      %dma_start3A_47 = tpu.memref_slice %arg6[%arg0, %add3A_46, %dma_start3A] : memref<2x10240x128xf32, #tpu.memory_space<hbm>> -> memref<1x128x128xf32, #tpu.memory_space<hbm>>
      %dma_start3A_48 = tpu.memref_squeeze %dma_start3A_47 : memref<1x128x128xf32, #tpu.memory_space<hbm>> -> memref<128x128xf32, #tpu.memory_space<hbm>>
      %dma_start3A_49 = arith.constant 0 : i32
      %dma_start3A_50 = tpu.memref_slice %arg6[%arg0, %add3A_46, %dma_start3A_49] : memref<2x10240x128xf32, #tpu.memory_space<hbm>> -> memref<1x128x128xf32, #tpu.memory_space<hbm>>
      %dma_start3A_51 = tpu.memref_squeeze %dma_start3A_50 : memref<1x128x128xf32, #tpu.memory_space<hbm>> -> memref<128x128xf32, #tpu.memory_space<hbm>>
      tpu.enqueue_dma source(%arg9 : memref<128x128xf32, #tpu.memory_space<vmem>>) target(%dma_start3A_51 : memref<128x128xf32, #tpu.memory_space<hbm>>) target_semaphore(%run_scoped3A : memref<!tpu.dma_semaphore, #tpu.memory_space<semaphore_mem>>)
      %dma_wait3A = arith.constant 0 : i32
      %dma_wait3A_52 = tpu.memref_slice %arg6[%arg0, %add3A_46, %dma_wait3A] : memref<2x10240x128xf32, #tpu.memory_space<hbm>> -> memref<1x128x128xf32, #tpu.memory_space<hbm>>
      %dma_wait3A_53 = tpu.memref_squeeze %dma_wait3A_52 : memref<1x128x128xf32, #tpu.memory_space<hbm>> -> memref<128x128xf32, #tpu.memory_space<hbm>>
      %dma_wait3A_54 = arith.constant 0 : i32
      %dma_wait3A_55 = tpu.memref_slice %arg6[%arg0, %add3A_46, %dma_wait3A_54] : memref<2x10240x128xf32, #tpu.memory_space<hbm>> -> memref<1x128x128xf32, #tpu.memory_space<hbm>>
      %dma_wait3A_56 = tpu.memref_squeeze %dma_wait3A_55 : memref<1x128x128xf32, #tpu.memory_space<hbm>> -> memref<128x128xf32, #tpu.memory_space<hbm>>
      tpu.wait_dma2 semaphore(%run_scoped3A : memref<!tpu.dma_semaphore, #tpu.memory_space<semaphore_mem>>) src(%arg9 : memref<128x128xf32, #tpu.memory_space<vmem>>) dst(%dma_wait3A_56 : memref<128x128xf32, #tpu.memory_space<hbm>>)
      tpu.yield
    }) : () -> ()
    return
  }
}

#map = affine_map<(d0, d1) -> (0, 0)>
#map1 = affine_map<(d0, d1) -> (0)>
#map2 = affine_map<(d0, d1) -> (0, 0, 0)>
module attributes {stable_mosaic.version = 14 : i64} {
  func.func @_mp_kernel(%arg0: i32, %arg1: i32, %arg2: memref<10240x128xf32, #tpu.memory_space<hbm>>, %arg3: memref<323584xi32, #tpu.memory_space<hbm>>, %arg4: memref<323584xi32, #tpu.memory_space<hbm>>, %arg5: memref<128x128xf32, #tpu.memory_space<hbm>>, %arg6: memref<2x10240x128xf32, #tpu.memory_space<hbm>>, %arg7: memref<128xi32, #tpu.memory_space<vmem>>, %arg8: memref<128xi32, #tpu.memory_space<vmem>>, %arg9: memref<128x128xf32, #tpu.memory_space<vmem>>, %arg10: memref<128x128xf32, #tpu.memory_space<vmem>>, %arg11: memref<10240x128xf32, #tpu.memory_space<vmem_shared>>, %arg12: memref<!tpu.dma_semaphore, #tpu.memory_space<semaphore_mem>>) attributes {dimension_semantics = [#tpu.dimension_semantics<core_parallel>, #tpu.dimension_semantics<subcore_parallel>], iteration_bounds = array<i64: 2, 16>, scalar_prefetch = 0 : i64, scratch_operands = 6 : i64, tpu.core_type = #tpu.core_type<sc_vector_subcore>, window_params = [{transform_indices = #map}, {transform_indices = #map1}, {transform_indices = #map1}, {transform_indices = #map}, {transform_indices = #map2}]} {
    %mul3A = arith.constant 16 : i32
    %mul3A_0 = arith.muli %arg0, %mul3A : i32
    %add3A = arith.addi %mul3A_0, %arg1 : i32
    "tpu.region"() ({
      %run_scoped3A = tpu.sem_alloc : memref<!tpu.dma_semaphore, #tpu.memory_space<semaphore_mem>>
      tpu.enqueue_dma source(%arg5 : memref<128x128xf32, #tpu.memory_space<hbm>>) target(%arg10 : memref<128x128xf32, #tpu.memory_space<vmem>>) target_semaphore(%run_scoped3A : memref<!tpu.dma_semaphore, #tpu.memory_space<semaphore_mem>>)
      tpu.wait_dma2 semaphore(%run_scoped3A : memref<!tpu.dma_semaphore, #tpu.memory_space<semaphore_mem>>) src(%arg5 : memref<128x128xf32, #tpu.memory_space<hbm>>) dst(%arg10 : memref<128x128xf32, #tpu.memory_space<vmem>>)
      tpu.yield
    }) : () -> ()
    %mul3A_1 = arith.constant 640 : i32
    %mul3A_2 = arith.muli %arg1, %mul3A_1 : i32
    %add3A_3 = arith.constant 0 : i32
    %add3A_4 = arith.addi %mul3A_2, %add3A_3 : i32
    "tpu.region"() ({
      %run_scoped3A = tpu.sem_alloc : memref<!tpu.dma_semaphore, #tpu.memory_space<semaphore_mem>>
      %dma_start3A = arith.constant 0 : i32
      %dma_start3A_47 = tpu.memref_slice %arg11[%add3A_4, %dma_start3A] : memref<10240x128xf32, #tpu.memory_space<vmem_shared>> -> memref<128x128xf32, #tpu.memory_space<vmem_shared>>
      %dma_start3A_48 = arith.constant 0 : i32
      %dma_start3A_49 = tpu.memref_slice %arg11[%add3A_4, %dma_start3A_48] : memref<10240x128xf32, #tpu.memory_space<vmem_shared>> -> memref<128x128xf32, #tpu.memory_space<vmem_shared>>
      tpu.enqueue_dma source(%arg10 : memref<128x128xf32, #tpu.memory_space<vmem>>) target(%dma_start3A_49 : memref<128x128xf32, #tpu.memory_space<vmem_shared>>) target_semaphore(%run_scoped3A : memref<!tpu.dma_semaphore, #tpu.memory_space<semaphore_mem>>)
      %dma_wait3A = arith.constant 0 : i32
      %dma_wait3A_50 = tpu.memref_slice %arg11[%add3A_4, %dma_wait3A] : memref<10240x128xf32, #tpu.memory_space<vmem_shared>> -> memref<128x128xf32, #tpu.memory_space<vmem_shared>>
      %dma_wait3A_51 = arith.constant 0 : i32
      %dma_wait3A_52 = tpu.memref_slice %arg11[%add3A_4, %dma_wait3A_51] : memref<10240x128xf32, #tpu.memory_space<vmem_shared>> -> memref<128x128xf32, #tpu.memory_space<vmem_shared>>
      tpu.wait_dma2 semaphore(%run_scoped3A : memref<!tpu.dma_semaphore, #tpu.memory_space<semaphore_mem>>) src(%arg10 : memref<128x128xf32, #tpu.memory_space<vmem>>) dst(%dma_wait3A_52 : memref<128x128xf32, #tpu.memory_space<vmem_shared>>)
      tpu.yield
    }) : () -> ()
    %mul3A_5 = arith.constant 640 : i32
    %mul3A_6 = arith.muli %arg1, %mul3A_5 : i32
    %add3A_7 = arith.constant 128 : i32
    %add3A_8 = arith.addi %mul3A_6, %add3A_7 : i32
    "tpu.region"() ({
      %run_scoped3A = tpu.sem_alloc : memref<!tpu.dma_semaphore, #tpu.memory_space<semaphore_mem>>
      %dma_start3A = arith.constant 0 : i32
      %dma_start3A_47 = tpu.memref_slice %arg11[%add3A_8, %dma_start3A] : memref<10240x128xf32, #tpu.memory_space<vmem_shared>> -> memref<128x128xf32, #tpu.memory_space<vmem_shared>>
      %dma_start3A_48 = arith.constant 0 : i32
      %dma_start3A_49 = tpu.memref_slice %arg11[%add3A_8, %dma_start3A_48] : memref<10240x128xf32, #tpu.memory_space<vmem_shared>> -> memref<128x128xf32, #tpu.memory_space<vmem_shared>>
      tpu.enqueue_dma source(%arg10 : memref<128x128xf32, #tpu.memory_space<vmem>>) target(%dma_start3A_49 : memref<128x128xf32, #tpu.memory_space<vmem_shared>>) target_semaphore(%run_scoped3A : memref<!tpu.dma_semaphore, #tpu.memory_space<semaphore_mem>>)
      %dma_wait3A = arith.constant 0 : i32
      %dma_wait3A_50 = tpu.memref_slice %arg11[%add3A_8, %dma_wait3A] : memref<10240x128xf32, #tpu.memory_space<vmem_shared>> -> memref<128x128xf32, #tpu.memory_space<vmem_shared>>
      %dma_wait3A_51 = arith.constant 0 : i32
      %dma_wait3A_52 = tpu.memref_slice %arg11[%add3A_8, %dma_wait3A_51] : memref<10240x128xf32, #tpu.memory_space<vmem_shared>> -> memref<128x128xf32, #tpu.memory_space<vmem_shared>>
      tpu.wait_dma2 semaphore(%run_scoped3A : memref<!tpu.dma_semaphore, #tpu.memory_space<semaphore_mem>>) src(%arg10 : memref<128x128xf32, #tpu.memory_space<vmem>>) dst(%dma_wait3A_52 : memref<128x128xf32, #tpu.memory_space<vmem_shared>>)
      tpu.yield
    }) : () -> ()
    %mul3A_9 = arith.constant 640 : i32
    %mul3A_10 = arith.muli %arg1, %mul3A_9 : i32
    %add3A_11 = arith.constant 256 : i32
    %add3A_12 = arith.addi %mul3A_10, %add3A_11 : i32
    "tpu.region"() ({
      %run_scoped3A = tpu.sem_alloc : memref<!tpu.dma_semaphore, #tpu.memory_space<semaphore_mem>>
      %dma_start3A = arith.constant 0 : i32
      %dma_start3A_47 = tpu.memref_slice %arg11[%add3A_12, %dma_start3A] : memref<10240x128xf32, #tpu.memory_space<vmem_shared>> -> memref<128x128xf32, #tpu.memory_space<vmem_shared>>
      %dma_start3A_48 = arith.constant 0 : i32
      %dma_start3A_49 = tpu.memref_slice %arg11[%add3A_12, %dma_start3A_48] : memref<10240x128xf32, #tpu.memory_space<vmem_shared>> -> memref<128x128xf32, #tpu.memory_space<vmem_shared>>
      tpu.enqueue_dma source(%arg10 : memref<128x128xf32, #tpu.memory_space<vmem>>) target(%dma_start3A_49 : memref<128x128xf32, #tpu.memory_space<vmem_shared>>) target_semaphore(%run_scoped3A : memref<!tpu.dma_semaphore, #tpu.memory_space<semaphore_mem>>)
      %dma_wait3A = arith.constant 0 : i32
      %dma_wait3A_50 = tpu.memref_slice %arg11[%add3A_12, %dma_wait3A] : memref<10240x128xf32, #tpu.memory_space<vmem_shared>> -> memref<128x128xf32, #tpu.memory_space<vmem_shared>>
      %dma_wait3A_51 = arith.constant 0 : i32
      %dma_wait3A_52 = tpu.memref_slice %arg11[%add3A_12, %dma_wait3A_51] : memref<10240x128xf32, #tpu.memory_space<vmem_shared>> -> memref<128x128xf32, #tpu.memory_space<vmem_shared>>
      tpu.wait_dma2 semaphore(%run_scoped3A : memref<!tpu.dma_semaphore, #tpu.memory_space<semaphore_mem>>) src(%arg10 : memref<128x128xf32, #tpu.memory_space<vmem>>) dst(%dma_wait3A_52 : memref<128x128xf32, #tpu.memory_space<vmem_shared>>)
      tpu.yield
    }) : () -> ()
    %mul3A_13 = arith.constant 640 : i32
    %mul3A_14 = arith.muli %arg1, %mul3A_13 : i32
    %add3A_15 = arith.constant 384 : i32
    %add3A_16 = arith.addi %mul3A_14, %add3A_15 : i32
    "tpu.region"() ({
      %run_scoped3A = tpu.sem_alloc : memref<!tpu.dma_semaphore, #tpu.memory_space<semaphore_mem>>
      %dma_start3A = arith.constant 0 : i32
      %dma_start3A_47 = tpu.memref_slice %arg11[%add3A_16, %dma_start3A] : memref<10240x128xf32, #tpu.memory_space<vmem_shared>> -> memref<128x128xf32, #tpu.memory_space<vmem_shared>>
      %dma_start3A_48 = arith.constant 0 : i32
      %dma_start3A_49 = tpu.memref_slice %arg11[%add3A_16, %dma_start3A_48] : memref<10240x128xf32, #tpu.memory_space<vmem_shared>> -> memref<128x128xf32, #tpu.memory_space<vmem_shared>>
      tpu.enqueue_dma source(%arg10 : memref<128x128xf32, #tpu.memory_space<vmem>>) target(%dma_start3A_49 : memref<128x128xf32, #tpu.memory_space<vmem_shared>>) target_semaphore(%run_scoped3A : memref<!tpu.dma_semaphore, #tpu.memory_space<semaphore_mem>>)
      %dma_wait3A = arith.constant 0 : i32
      %dma_wait3A_50 = tpu.memref_slice %arg11[%add3A_16, %dma_wait3A] : memref<10240x128xf32, #tpu.memory_space<vmem_shared>> -> memref<128x128xf32, #tpu.memory_space<vmem_shared>>
      %dma_wait3A_51 = arith.constant 0 : i32
      %dma_wait3A_52 = tpu.memref_slice %arg11[%add3A_16, %dma_wait3A_51] : memref<10240x128xf32, #tpu.memory_space<vmem_shared>> -> memref<128x128xf32, #tpu.memory_space<vmem_shared>>
      tpu.wait_dma2 semaphore(%run_scoped3A : memref<!tpu.dma_semaphore, #tpu.memory_space<semaphore_mem>>) src(%arg10 : memref<128x128xf32, #tpu.memory_space<vmem>>) dst(%dma_wait3A_52 : memref<128x128xf32, #tpu.memory_space<vmem_shared>>)
      tpu.yield
    }) : () -> ()
    %mul3A_17 = arith.constant 640 : i32
    %mul3A_18 = arith.muli %arg1, %mul3A_17 : i32
    %add3A_19 = arith.constant 512 : i32
    %add3A_20 = arith.addi %mul3A_18, %add3A_19 : i32
    "tpu.region"() ({
      %run_scoped3A = tpu.sem_alloc : memref<!tpu.dma_semaphore, #tpu.memory_space<semaphore_mem>>
      %dma_start3A = arith.constant 0 : i32
      %dma_start3A_47 = tpu.memref_slice %arg11[%add3A_20, %dma_start3A] : memref<10240x128xf32, #tpu.memory_space<vmem_shared>> -> memref<128x128xf32, #tpu.memory_space<vmem_shared>>
      %dma_start3A_48 = arith.constant 0 : i32
      %dma_start3A_49 = tpu.memref_slice %arg11[%add3A_20, %dma_start3A_48] : memref<10240x128xf32, #tpu.memory_space<vmem_shared>> -> memref<128x128xf32, #tpu.memory_space<vmem_shared>>
      tpu.enqueue_dma source(%arg10 : memref<128x128xf32, #tpu.memory_space<vmem>>) target(%dma_start3A_49 : memref<128x128xf32, #tpu.memory_space<vmem_shared>>) target_semaphore(%run_scoped3A : memref<!tpu.dma_semaphore, #tpu.memory_space<semaphore_mem>>)
      %dma_wait3A = arith.constant 0 : i32
      %dma_wait3A_50 = tpu.memref_slice %arg11[%add3A_20, %dma_wait3A] : memref<10240x128xf32, #tpu.memory_space<vmem_shared>> -> memref<128x128xf32, #tpu.memory_space<vmem_shared>>
      %dma_wait3A_51 = arith.constant 0 : i32
      %dma_wait3A_52 = tpu.memref_slice %arg11[%add3A_20, %dma_wait3A_51] : memref<10240x128xf32, #tpu.memory_space<vmem_shared>> -> memref<128x128xf32, #tpu.memory_space<vmem_shared>>
      tpu.wait_dma2 semaphore(%run_scoped3A : memref<!tpu.dma_semaphore, #tpu.memory_space<semaphore_mem>>) src(%arg10 : memref<128x128xf32, #tpu.memory_space<vmem>>) dst(%dma_wait3A_52 : memref<128x128xf32, #tpu.memory_space<vmem_shared>>)
      tpu.yield
    }) : () -> ()
    %barrier3A = arith.constant 0 : index
    tpu.barrier barrier_id(%barrier3A)
    %scan3A = arith.constant 0 : i32
    %scan3A_21 = arith.constant 0 : i32
    %scan3A_22 = arith.constant 79 : i32
    %scan3A_23 = arith.addi %scan3A_21, %scan3A_22 : i32
    %scan3A_24 = arith.constant 1 : i32
    scf.for %scan3A_47 = %scan3A_21 to %scan3A_23 step %scan3A_24  : i32 {
      %mul3A_48 = arith.constant 10112 : i32
      %mul3A_49 = arith.muli %add3A, %mul3A_48 : i32
      %mul3A_50 = arith.constant 128 : i32
      %mul3A_51 = arith.muli %scan3A_47, %mul3A_50 : i32
      %add3A_52 = arith.addi %mul3A_49, %mul3A_51 : i32
      "tpu.region"() ({
        %run_scoped3A = tpu.sem_alloc : memref<!tpu.dma_semaphore, #tpu.memory_space<semaphore_mem>>
        %dma_start3A_57 = tpu.memref_slice %arg3[%add3A_52] : memref<323584xi32, #tpu.memory_space<hbm>> -> memref<128xi32, #tpu.memory_space<hbm>>
        %dma_start3A_58 = tpu.memref_slice %arg3[%add3A_52] : memref<323584xi32, #tpu.memory_space<hbm>> -> memref<128xi32, #tpu.memory_space<hbm>>
        tpu.enqueue_dma source(%dma_start3A_58 : memref<128xi32, #tpu.memory_space<hbm>>) target(%arg7 : memref<128xi32, #tpu.memory_space<vmem>>) target_semaphore(%run_scoped3A : memref<!tpu.dma_semaphore, #tpu.memory_space<semaphore_mem>>)
        %dma_wait3A_59 = tpu.memref_slice %arg3[%add3A_52] : memref<323584xi32, #tpu.memory_space<hbm>> -> memref<128xi32, #tpu.memory_space<hbm>>
        %dma_wait3A_60 = tpu.memref_slice %arg3[%add3A_52] : memref<323584xi32, #tpu.memory_space<hbm>> -> memref<128xi32, #tpu.memory_space<hbm>>
        tpu.wait_dma2 semaphore(%run_scoped3A : memref<!tpu.dma_semaphore, #tpu.memory_space<semaphore_mem>>) src(%dma_wait3A_60 : memref<128xi32, #tpu.memory_space<hbm>>) dst(%arg7 : memref<128xi32, #tpu.memory_space<vmem>>)
        tpu.yield
      }) : () -> ()
      "tpu.region"() ({
        %run_scoped3A = tpu.sem_alloc : memref<!tpu.dma_semaphore, #tpu.memory_space<semaphore_mem>>
        %dma_start3A_57 = tpu.memref_slice %arg4[%add3A_52] : memref<323584xi32, #tpu.memory_space<hbm>> -> memref<128xi32, #tpu.memory_space<hbm>>
        %dma_start3A_58 = tpu.memref_slice %arg4[%add3A_52] : memref<323584xi32, #tpu.memory_space<hbm>> -> memref<128xi32, #tpu.memory_space<hbm>>
        tpu.enqueue_dma source(%dma_start3A_58 : memref<128xi32, #tpu.memory_space<hbm>>) target(%arg8 : memref<128xi32, #tpu.memory_space<vmem>>) target_semaphore(%run_scoped3A : memref<!tpu.dma_semaphore, #tpu.memory_space<semaphore_mem>>)
        %dma_wait3A_59 = tpu.memref_slice %arg4[%add3A_52] : memref<323584xi32, #tpu.memory_space<hbm>> -> memref<128xi32, #tpu.memory_space<hbm>>
        %dma_wait3A_60 = tpu.memref_slice %arg4[%add3A_52] : memref<323584xi32, #tpu.memory_space<hbm>> -> memref<128xi32, #tpu.memory_space<hbm>>
        tpu.wait_dma2 semaphore(%run_scoped3A : memref<!tpu.dma_semaphore, #tpu.memory_space<semaphore_mem>>) src(%dma_wait3A_60 : memref<128xi32, #tpu.memory_space<hbm>>) dst(%arg8 : memref<128xi32, #tpu.memory_space<vmem>>)
        tpu.yield
      }) : () -> ()
      %dma_start3A = arith.constant 0 : i32
      %dma_start3A_53 = arith.constant 0 : i32
      %dma_start3A_54 = tpu.memref_slice %arg2[%dma_start3A, %dma_start3A_53] : memref<10240x128xf32, #tpu.memory_space<hbm>> -> memref<10240x128xf32, #tpu.memory_space<hbm>>
      tpu.enqueue_indirect_dma source(%dma_start3A_54 : memref<10240x128xf32, #tpu.memory_space<hbm>>) target(%arg9 : memref<128x128xf32, #tpu.memory_space<vmem>>) offsets(%arg7 : memref<128xi32, #tpu.memory_space<vmem>>) semaphore(%arg12 : memref<!tpu.dma_semaphore, #tpu.memory_space<semaphore_mem>>)
      %dma_wait3A = arith.constant 0 : i32
      %dma_wait3A_55 = arith.constant 0 : i32
      %dma_wait3A_56 = tpu.memref_slice %arg2[%dma_wait3A, %dma_wait3A_55] : memref<10240x128xf32, #tpu.memory_space<hbm>> -> memref<10240x128xf32, #tpu.memory_space<hbm>>
      tpu.wait_indirect_dma semaphore(%arg12 : memref<!tpu.dma_semaphore, #tpu.memory_space<semaphore_mem>>) src(%dma_wait3A_56 : memref<10240x128xf32, #tpu.memory_space<hbm>>) dst(%arg9 : memref<128x128xf32, #tpu.memory_space<vmem>>)
      "tpu.region"() ({
        %run_scoped3A = tpu.sem_alloc : memref<!tpu.dma_semaphore, #tpu.memory_space<semaphore_mem>>
        %dma_start3A_57 = arith.constant 0 : i32
        %dma_start3A_58 = arith.constant 0 : i32
        %dma_start3A_59 = tpu.memref_slice %arg11[%dma_start3A_57, %dma_start3A_58] : memref<10240x128xf32, #tpu.memory_space<vmem_shared>> -> memref<10240x128xf32, #tpu.memory_space<vmem_shared>>
        tpu.enqueue_indirect_dma source(%arg9 : memref<128x128xf32, #tpu.memory_space<vmem>>) target(%dma_start3A_59 : memref<10240x128xf32, #tpu.memory_space<vmem_shared>>) offsets(%arg8 : memref<128xi32, #tpu.memory_space<vmem>>) semaphore(%run_scoped3A : memref<!tpu.dma_semaphore, #tpu.memory_space<semaphore_mem>>) {add = true}
        %dma_wait3A_60 = arith.constant 0 : i32
        %dma_wait3A_61 = arith.constant 0 : i32
        %dma_wait3A_62 = tpu.memref_slice %arg11[%dma_wait3A_60, %dma_wait3A_61] : memref<10240x128xf32, #tpu.memory_space<vmem_shared>> -> memref<10240x128xf32, #tpu.memory_space<vmem_shared>>
        tpu.wait_indirect_dma semaphore(%run_scoped3A : memref<!tpu.dma_semaphore, #tpu.memory_space<semaphore_mem>>) src(%arg9 : memref<128x128xf32, #tpu.memory_space<vmem>>) dst(%dma_wait3A_62 : memref<10240x128xf32, #tpu.memory_space<vmem_shared>>)
        tpu.yield
      }) : () -> ()
    }
    %scan3A_25 = arith.constant 79 : i32
    %barrier3A_26 = arith.constant 0 : index
    tpu.barrier barrier_id(%barrier3A_26)
    %mul3A_27 = arith.constant 640 : i32
    %mul3A_28 = arith.muli %arg1, %mul3A_27 : i32
    %add3A_29 = arith.constant 0 : i32
    %add3A_30 = arith.addi %mul3A_28, %add3A_29 : i32
    "tpu.region"() ({
      %run_scoped3A = tpu.sem_alloc : memref<!tpu.dma_semaphore, #tpu.memory_space<semaphore_mem>>
      %dma_start3A = arith.constant 0 : i32
      %dma_start3A_47 = tpu.memref_slice %arg11[%add3A_30, %dma_start3A] : memref<10240x128xf32, #tpu.memory_space<vmem_shared>> -> memref<128x128xf32, #tpu.memory_space<vmem_shared>>
      %dma_start3A_48 = arith.constant 0 : i32
      %dma_start3A_49 = tpu.memref_slice %arg11[%add3A_30, %dma_start3A_48] : memref<10240x128xf32, #tpu.memory_space<vmem_shared>> -> memref<128x128xf32, #tpu.memory_space<vmem_shared>>
      tpu.enqueue_dma source(%dma_start3A_49 : memref<128x128xf32, #tpu.memory_space<vmem_shared>>) target(%arg9 : memref<128x128xf32, #tpu.memory_space<vmem>>) target_semaphore(%run_scoped3A : memref<!tpu.dma_semaphore, #tpu.memory_space<semaphore_mem>>)
      %dma_wait3A = arith.constant 0 : i32
      %dma_wait3A_50 = tpu.memref_slice %arg11[%add3A_30, %dma_wait3A] : memref<10240x128xf32, #tpu.memory_space<vmem_shared>> -> memref<128x128xf32, #tpu.memory_space<vmem_shared>>
      %dma_wait3A_51 = arith.constant 0 : i32
      %dma_wait3A_52 = tpu.memref_slice %arg11[%add3A_30, %dma_wait3A_51] : memref<10240x128xf32, #tpu.memory_space<vmem_shared>> -> memref<128x128xf32, #tpu.memory_space<vmem_shared>>
      tpu.wait_dma2 semaphore(%run_scoped3A : memref<!tpu.dma_semaphore, #tpu.memory_space<semaphore_mem>>) src(%dma_wait3A_52 : memref<128x128xf32, #tpu.memory_space<vmem_shared>>) dst(%arg9 : memref<128x128xf32, #tpu.memory_space<vmem>>)
      tpu.yield
    }) : () -> ()
    "tpu.region"() ({
      %run_scoped3A = tpu.sem_alloc : memref<!tpu.dma_semaphore, #tpu.memory_space<semaphore_mem>>
      %dma_start3A = arith.constant 0 : i32
      %dma_start3A_47 = tpu.memref_slice %arg6[%arg0, %add3A_30, %dma_start3A] : memref<2x10240x128xf32, #tpu.memory_space<hbm>> -> memref<1x128x128xf32, #tpu.memory_space<hbm>>
      %dma_start3A_48 = tpu.memref_squeeze %dma_start3A_47 : memref<1x128x128xf32, #tpu.memory_space<hbm>> -> memref<128x128xf32, #tpu.memory_space<hbm>>
      %dma_start3A_49 = arith.constant 0 : i32
      %dma_start3A_50 = tpu.memref_slice %arg6[%arg0, %add3A_30, %dma_start3A_49] : memref<2x10240x128xf32, #tpu.memory_space<hbm>> -> memref<1x128x128xf32, #tpu.memory_space<hbm>>
      %dma_start3A_51 = tpu.memref_squeeze %dma_start3A_50 : memref<1x128x128xf32, #tpu.memory_space<hbm>> -> memref<128x128xf32, #tpu.memory_space<hbm>>
      tpu.enqueue_dma source(%arg9 : memref<128x128xf32, #tpu.memory_space<vmem>>) target(%dma_start3A_51 : memref<128x128xf32, #tpu.memory_space<hbm>>) target_semaphore(%run_scoped3A : memref<!tpu.dma_semaphore, #tpu.memory_space<semaphore_mem>>)
      %dma_wait3A = arith.constant 0 : i32
      %dma_wait3A_52 = tpu.memref_slice %arg6[%arg0, %add3A_30, %dma_wait3A] : memref<2x10240x128xf32, #tpu.memory_space<hbm>> -> memref<1x128x128xf32, #tpu.memory_space<hbm>>
      %dma_wait3A_53 = tpu.memref_squeeze %dma_wait3A_52 : memref<1x128x128xf32, #tpu.memory_space<hbm>> -> memref<128x128xf32, #tpu.memory_space<hbm>>
      %dma_wait3A_54 = arith.constant 0 : i32
      %dma_wait3A_55 = tpu.memref_slice %arg6[%arg0, %add3A_30, %dma_wait3A_54] : memref<2x10240x128xf32, #tpu.memory_space<hbm>> -> memref<1x128x128xf32, #tpu.memory_space<hbm>>
      %dma_wait3A_56 = tpu.memref_squeeze %dma_wait3A_55 : memref<1x128x128xf32, #tpu.memory_space<hbm>> -> memref<128x128xf32, #tpu.memory_space<hbm>>
      tpu.wait_dma2 semaphore(%run_scoped3A : memref<!tpu.dma_semaphore, #tpu.memory_space<semaphore_mem>>) src(%arg9 : memref<128x128xf32, #tpu.memory_space<vmem>>) dst(%dma_wait3A_56 : memref<128x128xf32, #tpu.memory_space<hbm>>)
      tpu.yield
    }) : () -> ()
    %mul3A_31 = arith.constant 640 : i32
    %mul3A_32 = arith.muli %arg1, %mul3A_31 : i32
    %add3A_33 = arith.constant 128 : i32
    %add3A_34 = arith.addi %mul3A_32, %add3A_33 : i32
    "tpu.region"() ({
      %run_scoped3A = tpu.sem_alloc : memref<!tpu.dma_semaphore, #tpu.memory_space<semaphore_mem>>
      %dma_start3A = arith.constant 0 : i32
      %dma_start3A_47 = tpu.memref_slice %arg11[%add3A_34, %dma_start3A] : memref<10240x128xf32, #tpu.memory_space<vmem_shared>> -> memref<128x128xf32, #tpu.memory_space<vmem_shared>>
      %dma_start3A_48 = arith.constant 0 : i32
      %dma_start3A_49 = tpu.memref_slice %arg11[%add3A_34, %dma_start3A_48] : memref<10240x128xf32, #tpu.memory_space<vmem_shared>> -> memref<128x128xf32, #tpu.memory_space<vmem_shared>>
      tpu.enqueue_dma source(%dma_start3A_49 : memref<128x128xf32, #tpu.memory_space<vmem_shared>>) target(%arg9 : memref<128x128xf32, #tpu.memory_space<vmem>>) target_semaphore(%run_scoped3A : memref<!tpu.dma_semaphore, #tpu.memory_space<semaphore_mem>>)
      %dma_wait3A = arith.constant 0 : i32
      %dma_wait3A_50 = tpu.memref_slice %arg11[%add3A_34, %dma_wait3A] : memref<10240x128xf32, #tpu.memory_space<vmem_shared>> -> memref<128x128xf32, #tpu.memory_space<vmem_shared>>
      %dma_wait3A_51 = arith.constant 0 : i32
      %dma_wait3A_52 = tpu.memref_slice %arg11[%add3A_34, %dma_wait3A_51] : memref<10240x128xf32, #tpu.memory_space<vmem_shared>> -> memref<128x128xf32, #tpu.memory_space<vmem_shared>>
      tpu.wait_dma2 semaphore(%run_scoped3A : memref<!tpu.dma_semaphore, #tpu.memory_space<semaphore_mem>>) src(%dma_wait3A_52 : memref<128x128xf32, #tpu.memory_space<vmem_shared>>) dst(%arg9 : memref<128x128xf32, #tpu.memory_space<vmem>>)
      tpu.yield
    }) : () -> ()
    "tpu.region"() ({
      %run_scoped3A = tpu.sem_alloc : memref<!tpu.dma_semaphore, #tpu.memory_space<semaphore_mem>>
      %dma_start3A = arith.constant 0 : i32
      %dma_start3A_47 = tpu.memref_slice %arg6[%arg0, %add3A_34, %dma_start3A] : memref<2x10240x128xf32, #tpu.memory_space<hbm>> -> memref<1x128x128xf32, #tpu.memory_space<hbm>>
      %dma_start3A_48 = tpu.memref_squeeze %dma_start3A_47 : memref<1x128x128xf32, #tpu.memory_space<hbm>> -> memref<128x128xf32, #tpu.memory_space<hbm>>
      %dma_start3A_49 = arith.constant 0 : i32
      %dma_start3A_50 = tpu.memref_slice %arg6[%arg0, %add3A_34, %dma_start3A_49] : memref<2x10240x128xf32, #tpu.memory_space<hbm>> -> memref<1x128x128xf32, #tpu.memory_space<hbm>>
      %dma_start3A_51 = tpu.memref_squeeze %dma_start3A_50 : memref<1x128x128xf32, #tpu.memory_space<hbm>> -> memref<128x128xf32, #tpu.memory_space<hbm>>
      tpu.enqueue_dma source(%arg9 : memref<128x128xf32, #tpu.memory_space<vmem>>) target(%dma_start3A_51 : memref<128x128xf32, #tpu.memory_space<hbm>>) target_semaphore(%run_scoped3A : memref<!tpu.dma_semaphore, #tpu.memory_space<semaphore_mem>>)
      %dma_wait3A = arith.constant 0 : i32
      %dma_wait3A_52 = tpu.memref_slice %arg6[%arg0, %add3A_34, %dma_wait3A] : memref<2x10240x128xf32, #tpu.memory_space<hbm>> -> memref<1x128x128xf32, #tpu.memory_space<hbm>>
      %dma_wait3A_53 = tpu.memref_squeeze %dma_wait3A_52 : memref<1x128x128xf32, #tpu.memory_space<hbm>> -> memref<128x128xf32, #tpu.memory_space<hbm>>
      %dma_wait3A_54 = arith.constant 0 : i32
      %dma_wait3A_55 = tpu.memref_slice %arg6[%arg0, %add3A_34, %dma_wait3A_54] : memref<2x10240x128xf32, #tpu.memory_space<hbm>> -> memref<1x128x128xf32, #tpu.memory_space<hbm>>
      %dma_wait3A_56 = tpu.memref_squeeze %dma_wait3A_55 : memref<1x128x128xf32, #tpu.memory_space<hbm>> -> memref<128x128xf32, #tpu.memory_space<hbm>>
      tpu.wait_dma2 semaphore(%run_scoped3A : memref<!tpu.dma_semaphore, #tpu.memory_space<semaphore_mem>>) src(%arg9 : memref<128x128xf32, #tpu.memory_space<vmem>>) dst(%dma_wait3A_56 : memref<128x128xf32, #tpu.memory_space<hbm>>)
      tpu.yield
    }) : () -> ()
    %mul3A_35 = arith.constant 640 : i32
    %mul3A_36 = arith.muli %arg1, %mul3A_35 : i32
    %add3A_37 = arith.constant 256 : i32
    %add3A_38 = arith.addi %mul3A_36, %add3A_37 : i32
    "tpu.region"() ({
      %run_scoped3A = tpu.sem_alloc : memref<!tpu.dma_semaphore, #tpu.memory_space<semaphore_mem>>
      %dma_start3A = arith.constant 0 : i32
      %dma_start3A_47 = tpu.memref_slice %arg11[%add3A_38, %dma_start3A] : memref<10240x128xf32, #tpu.memory_space<vmem_shared>> -> memref<128x128xf32, #tpu.memory_space<vmem_shared>>
      %dma_start3A_48 = arith.constant 0 : i32
      %dma_start3A_49 = tpu.memref_slice %arg11[%add3A_38, %dma_start3A_48] : memref<10240x128xf32, #tpu.memory_space<vmem_shared>> -> memref<128x128xf32, #tpu.memory_space<vmem_shared>>
      tpu.enqueue_dma source(%dma_start3A_49 : memref<128x128xf32, #tpu.memory_space<vmem_shared>>) target(%arg9 : memref<128x128xf32, #tpu.memory_space<vmem>>) target_semaphore(%run_scoped3A : memref<!tpu.dma_semaphore, #tpu.memory_space<semaphore_mem>>)
      %dma_wait3A = arith.constant 0 : i32
      %dma_wait3A_50 = tpu.memref_slice %arg11[%add3A_38, %dma_wait3A] : memref<10240x128xf32, #tpu.memory_space<vmem_shared>> -> memref<128x128xf32, #tpu.memory_space<vmem_shared>>
      %dma_wait3A_51 = arith.constant 0 : i32
      %dma_wait3A_52 = tpu.memref_slice %arg11[%add3A_38, %dma_wait3A_51] : memref<10240x128xf32, #tpu.memory_space<vmem_shared>> -> memref<128x128xf32, #tpu.memory_space<vmem_shared>>
      tpu.wait_dma2 semaphore(%run_scoped3A : memref<!tpu.dma_semaphore, #tpu.memory_space<semaphore_mem>>) src(%dma_wait3A_52 : memref<128x128xf32, #tpu.memory_space<vmem_shared>>) dst(%arg9 : memref<128x128xf32, #tpu.memory_space<vmem>>)
      tpu.yield
    }) : () -> ()
    "tpu.region"() ({
      %run_scoped3A = tpu.sem_alloc : memref<!tpu.dma_semaphore, #tpu.memory_space<semaphore_mem>>
      %dma_start3A = arith.constant 0 : i32
      %dma_start3A_47 = tpu.memref_slice %arg6[%arg0, %add3A_38, %dma_start3A] : memref<2x10240x128xf32, #tpu.memory_space<hbm>> -> memref<1x128x128xf32, #tpu.memory_space<hbm>>
      %dma_start3A_48 = tpu.memref_squeeze %dma_start3A_47 : memref<1x128x128xf32, #tpu.memory_space<hbm>> -> memref<128x128xf32, #tpu.memory_space<hbm>>
      %dma_start3A_49 = arith.constant 0 : i32
      %dma_start3A_50 = tpu.memref_slice %arg6[%arg0, %add3A_38, %dma_start3A_49] : memref<2x10240x128xf32, #tpu.memory_space<hbm>> -> memref<1x128x128xf32, #tpu.memory_space<hbm>>
      %dma_start3A_51 = tpu.memref_squeeze %dma_start3A_50 : memref<1x128x128xf32, #tpu.memory_space<hbm>> -> memref<128x128xf32, #tpu.memory_space<hbm>>
      tpu.enqueue_dma source(%arg9 : memref<128x128xf32, #tpu.memory_space<vmem>>) target(%dma_start3A_51 : memref<128x128xf32, #tpu.memory_space<hbm>>) target_semaphore(%run_scoped3A : memref<!tpu.dma_semaphore, #tpu.memory_space<semaphore_mem>>)
      %dma_wait3A = arith.constant 0 : i32
      %dma_wait3A_52 = tpu.memref_slice %arg6[%arg0, %add3A_38, %dma_wait3A] : memref<2x10240x128xf32, #tpu.memory_space<hbm>> -> memref<1x128x128xf32, #tpu.memory_space<hbm>>
      %dma_wait3A_53 = tpu.memref_squeeze %dma_wait3A_52 : memref<1x128x128xf32, #tpu.memory_space<hbm>> -> memref<128x128xf32, #tpu.memory_space<hbm>>
      %dma_wait3A_54 = arith.constant 0 : i32
      %dma_wait3A_55 = tpu.memref_slice %arg6[%arg0, %add3A_38, %dma_wait3A_54] : memref<2x10240x128xf32, #tpu.memory_space<hbm>> -> memref<1x128x128xf32, #tpu.memory_space<hbm>>
      %dma_wait3A_56 = tpu.memref_squeeze %dma_wait3A_55 : memref<1x128x128xf32, #tpu.memory_space<hbm>> -> memref<128x128xf32, #tpu.memory_space<hbm>>
      tpu.wait_dma2 semaphore(%run_scoped3A : memref<!tpu.dma_semaphore, #tpu.memory_space<semaphore_mem>>) src(%arg9 : memref<128x128xf32, #tpu.memory_space<vmem>>) dst(%dma_wait3A_56 : memref<128x128xf32, #tpu.memory_space<hbm>>)
      tpu.yield
    }) : () -> ()
    %mul3A_39 = arith.constant 640 : i32
    %mul3A_40 = arith.muli %arg1, %mul3A_39 : i32
    %add3A_41 = arith.constant 384 : i32
    %add3A_42 = arith.addi %mul3A_40, %add3A_41 : i32
    "tpu.region"() ({
      %run_scoped3A = tpu.sem_alloc : memref<!tpu.dma_semaphore, #tpu.memory_space<semaphore_mem>>
      %dma_start3A = arith.constant 0 : i32
      %dma_start3A_47 = tpu.memref_slice %arg11[%add3A_42, %dma_start3A] : memref<10240x128xf32, #tpu.memory_space<vmem_shared>> -> memref<128x128xf32, #tpu.memory_space<vmem_shared>>
      %dma_start3A_48 = arith.constant 0 : i32
      %dma_start3A_49 = tpu.memref_slice %arg11[%add3A_42, %dma_start3A_48] : memref<10240x128xf32, #tpu.memory_space<vmem_shared>> -> memref<128x128xf32, #tpu.memory_space<vmem_shared>>
      tpu.enqueue_dma source(%dma_start3A_49 : memref<128x128xf32, #tpu.memory_space<vmem_shared>>) target(%arg9 : memref<128x128xf32, #tpu.memory_space<vmem>>) target_semaphore(%run_scoped3A : memref<!tpu.dma_semaphore, #tpu.memory_space<semaphore_mem>>)
      %dma_wait3A = arith.constant 0 : i32
      %dma_wait3A_50 = tpu.memref_slice %arg11[%add3A_42, %dma_wait3A] : memref<10240x128xf32, #tpu.memory_space<vmem_shared>> -> memref<128x128xf32, #tpu.memory_space<vmem_shared>>
      %dma_wait3A_51 = arith.constant 0 : i32
      %dma_wait3A_52 = tpu.memref_slice %arg11[%add3A_42, %dma_wait3A_51] : memref<10240x128xf32, #tpu.memory_space<vmem_shared>> -> memref<128x128xf32, #tpu.memory_space<vmem_shared>>
      tpu.wait_dma2 semaphore(%run_scoped3A : memref<!tpu.dma_semaphore, #tpu.memory_space<semaphore_mem>>) src(%dma_wait3A_52 : memref<128x128xf32, #tpu.memory_space<vmem_shared>>) dst(%arg9 : memref<128x128xf32, #tpu.memory_space<vmem>>)
      tpu.yield
    }) : () -> ()
    "tpu.region"() ({
      %run_scoped3A = tpu.sem_alloc : memref<!tpu.dma_semaphore, #tpu.memory_space<semaphore_mem>>
      %dma_start3A = arith.constant 0 : i32
      %dma_start3A_47 = tpu.memref_slice %arg6[%arg0, %add3A_42, %dma_start3A] : memref<2x10240x128xf32, #tpu.memory_space<hbm>> -> memref<1x128x128xf32, #tpu.memory_space<hbm>>
      %dma_start3A_48 = tpu.memref_squeeze %dma_start3A_47 : memref<1x128x128xf32, #tpu.memory_space<hbm>> -> memref<128x128xf32, #tpu.memory_space<hbm>>
      %dma_start3A_49 = arith.constant 0 : i32
      %dma_start3A_50 = tpu.memref_slice %arg6[%arg0, %add3A_42, %dma_start3A_49] : memref<2x10240x128xf32, #tpu.memory_space<hbm>> -> memref<1x128x128xf32, #tpu.memory_space<hbm>>
      %dma_start3A_51 = tpu.memref_squeeze %dma_start3A_50 : memref<1x128x128xf32, #tpu.memory_space<hbm>> -> memref<128x128xf32, #tpu.memory_space<hbm>>
      tpu.enqueue_dma source(%arg9 : memref<128x128xf32, #tpu.memory_space<vmem>>) target(%dma_start3A_51 : memref<128x128xf32, #tpu.memory_space<hbm>>) target_semaphore(%run_scoped3A : memref<!tpu.dma_semaphore, #tpu.memory_space<semaphore_mem>>)
      %dma_wait3A = arith.constant 0 : i32
      %dma_wait3A_52 = tpu.memref_slice %arg6[%arg0, %add3A_42, %dma_wait3A] : memref<2x10240x128xf32, #tpu.memory_space<hbm>> -> memref<1x128x128xf32, #tpu.memory_space<hbm>>
      %dma_wait3A_53 = tpu.memref_squeeze %dma_wait3A_52 : memref<1x128x128xf32, #tpu.memory_space<hbm>> -> memref<128x128xf32, #tpu.memory_space<hbm>>
      %dma_wait3A_54 = arith.constant 0 : i32
      %dma_wait3A_55 = tpu.memref_slice %arg6[%arg0, %add3A_42, %dma_wait3A_54] : memref<2x10240x128xf32, #tpu.memory_space<hbm>> -> memref<1x128x128xf32, #tpu.memory_space<hbm>>
      %dma_wait3A_56 = tpu.memref_squeeze %dma_wait3A_55 : memref<1x128x128xf32, #tpu.memory_space<hbm>> -> memref<128x128xf32, #tpu.memory_space<hbm>>
      tpu.wait_dma2 semaphore(%run_scoped3A : memref<!tpu.dma_semaphore, #tpu.memory_space<semaphore_mem>>) src(%arg9 : memref<128x128xf32, #tpu.memory_space<vmem>>) dst(%dma_wait3A_56 : memref<128x128xf32, #tpu.memory_space<hbm>>)
      tpu.yield
    }) : () -> ()
    %mul3A_43 = arith.constant 640 : i32
    %mul3A_44 = arith.muli %arg1, %mul3A_43 : i32
    %add3A_45 = arith.constant 512 : i32
    %add3A_46 = arith.addi %mul3A_44, %add3A_45 : i32
    "tpu.region"() ({
      %run_scoped3A = tpu.sem_alloc : memref<!tpu.dma_semaphore, #tpu.memory_space<semaphore_mem>>
      %dma_start3A = arith.constant 0 : i32
      %dma_start3A_47 = tpu.memref_slice %arg11[%add3A_46, %dma_start3A] : memref<10240x128xf32, #tpu.memory_space<vmem_shared>> -> memref<128x128xf32, #tpu.memory_space<vmem_shared>>
      %dma_start3A_48 = arith.constant 0 : i32
      %dma_start3A_49 = tpu.memref_slice %arg11[%add3A_46, %dma_start3A_48] : memref<10240x128xf32, #tpu.memory_space<vmem_shared>> -> memref<128x128xf32, #tpu.memory_space<vmem_shared>>
      tpu.enqueue_dma source(%dma_start3A_49 : memref<128x128xf32, #tpu.memory_space<vmem_shared>>) target(%arg9 : memref<128x128xf32, #tpu.memory_space<vmem>>) target_semaphore(%run_scoped3A : memref<!tpu.dma_semaphore, #tpu.memory_space<semaphore_mem>>)
      %dma_wait3A = arith.constant 0 : i32
      %dma_wait3A_50 = tpu.memref_slice %arg11[%add3A_46, %dma_wait3A] : memref<10240x128xf32, #tpu.memory_space<vmem_shared>> -> memref<128x128xf32, #tpu.memory_space<vmem_shared>>
      %dma_wait3A_51 = arith.constant 0 : i32
      %dma_wait3A_52 = tpu.memref_slice %arg11[%add3A_46, %dma_wait3A_51] : memref<10240x128xf32, #tpu.memory_space<vmem_shared>> -> memref<128x128xf32, #tpu.memory_space<vmem_shared>>
      tpu.wait_dma2 semaphore(%run_scoped3A : memref<!tpu.dma_semaphore, #tpu.memory_space<semaphore_mem>>) src(%dma_wait3A_52 : memref<128x128xf32, #tpu.memory_space<vmem_shared>>) dst(%arg9 : memref<128x128xf32, #tpu.memory_space<vmem>>)
      tpu.yield
    }) : () -> ()
    "tpu.region"() ({
      %run_scoped3A = tpu.sem_alloc : memref<!tpu.dma_semaphore, #tpu.memory_space<semaphore_mem>>
      %dma_start3A = arith.constant 0 : i32
      %dma_start3A_47 = tpu.memref_slice %arg6[%arg0, %add3A_46, %dma_start3A] : memref<2x10240x128xf32, #tpu.memory_space<hbm>> -> memref<1x128x128xf32, #tpu.memory_space<hbm>>
      %dma_start3A_48 = tpu.memref_squeeze %dma_start3A_47 : memref<1x128x128xf32, #tpu.memory_space<hbm>> -> memref<128x128xf32, #tpu.memory_space<hbm>>
      %dma_start3A_49 = arith.constant 0 : i32
      %dma_start3A_50 = tpu.memref_slice %arg6[%arg0, %add3A_46, %dma_start3A_49] : memref<2x10240x128xf32, #tpu.memory_space<hbm>> -> memref<1x128x128xf32, #tpu.memory_space<hbm>>
      %dma_start3A_51 = tpu.memref_squeeze %dma_start3A_50 : memref<1x128x128xf32, #tpu.memory_space<hbm>> -> memref<128x128xf32, #tpu.memory_space<hbm>>
      tpu.enqueue_dma source(%arg9 : memref<128x128xf32, #tpu.memory_space<vmem>>) target(%dma_start3A_51 : memref<128x128xf32, #tpu.memory_space<hbm>>) target_semaphore(%run_scoped3A : memref<!tpu.dma_semaphore, #tpu.memory_space<semaphore_mem>>)
      %dma_wait3A = arith.constant 0 : i32
      %dma_wait3A_52 = tpu.memref_slice %arg6[%arg0, %add3A_46, %dma_wait3A] : memref<2x10240x128xf32, #tpu.memory_space<hbm>> -> memref<1x128x128xf32, #tpu.memory_space<hbm>>
      %dma_wait3A_53 = tpu.memref_squeeze %dma_wait3A_52 : memref<1x128x128xf32, #tpu.memory_space<hbm>> -> memref<128x128xf32, #tpu.memory_space<hbm>>
      %dma_wait3A_54 = arith.constant 0 : i32
      %dma_wait3A_55 = tpu.memref_slice %arg6[%arg0, %add3A_46, %dma_wait3A_54] : memref<2x10240x128xf32, #tpu.memory_space<hbm>> -> memref<1x128x128xf32, #tpu.memory_space<hbm>>
      %dma_wait3A_56 = tpu.memref_squeeze %dma_wait3A_55 : memref<1x128x128xf32, #tpu.memory_space<hbm>> -> memref<128x128xf32, #tpu.memory_space<hbm>>
      tpu.wait_dma2 semaphore(%run_scoped3A : memref<!tpu.dma_semaphore, #tpu.memory_space<semaphore_mem>>) src(%arg9 : memref<128x128xf32, #tpu.memory_space<vmem>>) dst(%dma_wait3A_56 : memref<128x128xf32, #tpu.memory_space<hbm>>)
      tpu.yield
    }) : () -> ()
    return
  }
}

module attributes {stable_mosaic.version = 14 : i64} {
  func.func @_proj_body(%arg0: i32, %arg1: memref<2048x128xf32, #tpu.memory_space<vmem>>, %arg2: memref<2x2048x1xf32, #tpu.memory_space<vmem>>, %arg3: memref<128x128xf32, #tpu.memory_space<vmem>>, %arg4: memref<1x128xf32, #tpu.memory_space<vmem>>, %arg5: memref<128x128xf32, #tpu.memory_space<vmem>>, %arg6: memref<2048x128xf32, #tpu.memory_space<vmem>>, %arg7: memref<2048x1xf32, #tpu.memory_space<vmem>>) attributes {dimension_semantics = [#tpu.dimension_semantics<arbitrary>], iteration_bounds = array<i64: 5>, scalar_prefetch = 0 : i64, scratch_operands = 0 : i64, tpu.core_type = #tpu.core_type<tc>, window_params = [{transform_indices = @transform_0, window_bounds = array<i64: 2048, 128>}, {transform_indices = @transform_1, window_bounds = array<i64: 2, 2048, 1>}, {pipeline_mode = #tpu.pipeline_mode<synchronous>, transform_indices = @transform_2, window_bounds = array<i64: 128, 128>}, {pipeline_mode = #tpu.pipeline_mode<synchronous>, transform_indices = @transform_3, window_bounds = array<i64: 1, 128>}, {pipeline_mode = #tpu.pipeline_mode<synchronous>, transform_indices = @transform_4, window_bounds = array<i64: 128, 128>}, {transform_indices = @transform_5, window_bounds = array<i64: 2048, 128>}, {transform_indices = @transform_6, window_bounds = array<i64: 2048, 1>}]} {
    %get3A = arith.constant 0 : index
    %get3A_0 = arith.constant 0 : index
    %get3A_1 = arith.constant 0 : index
    %get3A_2 = vector.load %arg2[%get3A, %get3A_0, %get3A_1] : memref<2x2048x1xf32, #tpu.memory_space<vmem>>, vector<1x2048x1xf32>
    %get3A_3 = vector.shape_cast %get3A_2 : vector<1x2048x1xf32> to vector<2048x1xf32>
    %get3A_4 = arith.constant 1 : index
    %get3A_5 = arith.constant 0 : index
    %get3A_6 = arith.constant 0 : index
    %get3A_7 = vector.load %arg2[%get3A_4, %get3A_5, %get3A_6] : memref<2x2048x1xf32, #tpu.memory_space<vmem>>, vector<1x2048x1xf32>
    %get3A_8 = vector.shape_cast %get3A_7 : vector<1x2048x1xf32> to vector<2048x1xf32>
    %add3A = arith.addf %get3A_3, %get3A_8 : vector<2048x1xf32>
    %add3A_9 = arith.constant 1.000000e+00 : f32
    %add3A_10 = vector.broadcast %add3A_9 : f32 to vector<2048x1xf32>
    %add3A_11 = arith.addf %add3A, %add3A_10 : vector<2048x1xf32>
    %max3A = arith.constant 1.000000e+00 : f32
    %max3A_12 = vector.broadcast %max3A : f32 to vector<2048x1xf32>
    %max3A_13 = arith.maximumf %add3A_11, %max3A_12 : vector<2048x1xf32>
    %rsqrt3A = math.rsqrt %max3A_13 : vector<2048x1xf32>
    %get3A_14 = arith.constant 0 : index
    %get3A_15 = arith.constant 0 : index
    %get3A_16 = vector.load %arg1[%get3A_14, %get3A_15] : memref<2048x128xf32, #tpu.memory_space<vmem>>, vector<2048x128xf32>
    %get3A_17 = arith.constant 0 : index
    %get3A_18 = arith.constant 0 : index
    %get3A_19 = vector.load %arg3[%get3A_17, %get3A_18] : memref<128x128xf32, #tpu.memory_space<vmem>>, vector<128x128xf32>
    %dot_general3A = arith.constant dense<0.000000e+00> : vector<2048x128xf32>
    %dot_general3A_20 = tpu.matmul %get3A_16, %get3A_19, %dot_general3A {dimension_numbers = #tpu.dot_dimension_numbers<[1], [0], [0], [1], [0, 0, 1, 1], [], []>, transpose_lhs_hint = false} : vector<2048x128xf32>, vector<128x128xf32>, vector<2048x128xf32> -> vector<2048x128xf32>
    %get3A_21 = arith.constant 0 : index
    %get3A_22 = arith.constant 0 : index
    %get3A_23 = vector.load %arg4[%get3A_21, %get3A_22] : memref<1x128xf32, #tpu.memory_space<vmem>>, vector<1x128xf32>
    %add3A_24 = vector.broadcast %get3A_23 : vector<1x128xf32> to vector<2048x128xf32>
    %add3A_25 = arith.addf %dot_general3A_20, %add3A_24 : vector<2048x128xf32>
    %max3A_26 = arith.constant 0.000000e+00 : f32
    %max3A_27 = vector.broadcast %max3A_26 : f32 to vector<2048x128xf32>
    %max3A_28 = arith.maximumf %add3A_25, %max3A_27 : vector<2048x128xf32>
    %get3A_29 = arith.constant 0 : index
    %get3A_30 = arith.constant 0 : index
    %get3A_31 = vector.load %arg5[%get3A_29, %get3A_30] : memref<128x128xf32, #tpu.memory_space<vmem>>, vector<128x128xf32>
    %dot_general3A_32 = arith.constant dense<0.000000e+00> : vector<2048x128xf32>
    %dot_general3A_33 = tpu.matmul %max3A_28, %get3A_31, %dot_general3A_32 {dimension_numbers = #tpu.dot_dimension_numbers<[1], [0], [0], [1], [0, 0, 1, 1], [], []>, transpose_lhs_hint = false} : vector<2048x128xf32>, vector<128x128xf32>, vector<2048x128xf32> -> vector<2048x128xf32>
    %mul3A = vector.broadcast %rsqrt3A : vector<2048x1xf32> to vector<2048x128xf32>
    %mul3A_34 = arith.mulf %dot_general3A_33, %mul3A : vector<2048x128xf32>
    %swap3A = arith.constant 0 : index
    %swap3A_35 = arith.constant 0 : index
    %swap3A_36 = vector.load %arg6[%swap3A, %swap3A_35] : memref<2048x128xf32, #tpu.memory_space<vmem>>, vector<2048x128xf32>
    tpu.vector_store %arg6[%swap3A, %swap3A_35], %mul3A_34 {strides = array<i32>} : memref<2048x128xf32, #tpu.memory_space<vmem>>, vector<2048x128xf32>,
    %swap3A_37 = arith.constant 0 : index
    %swap3A_38 = arith.constant 0 : index
    %swap3A_39 = vector.load %arg7[%swap3A_37, %swap3A_38] : memref<2048x1xf32, #tpu.memory_space<vmem>>, vector<2048x1xf32>
    tpu.vector_store %arg7[%swap3A_37, %swap3A_38], %rsqrt3A {strides = array<i32>} : memref<2048x1xf32, #tpu.memory_space<vmem>>, vector<2048x1xf32>,
    return
  }
  func.func @transform_0(%arg0: i32) -> (i32, i32) {
    %c0_i32 = arith.constant 0 : i32
    %c0_i32_0 = arith.constant 0 : i32
    return %arg0, %c0_i32 : i32, i32
  }
  func.func @transform_1(%arg0: i32) -> (i32, i32, i32) {
    %c0_i32 = arith.constant 0 : i32
    %c0_i32_0 = arith.constant 0 : i32
    %c0_i32_1 = arith.constant 0 : i32
    return %c0_i32, %arg0, %c0_i32_0 : i32, i32, i32
  }
  func.func @transform_2(%arg0: i32) -> (i32, i32) {
    %c0_i32 = arith.constant 0 : i32
    %c0_i32_0 = arith.constant 0 : i32
    %c0_i32_1 = arith.constant 0 : i32
    return %c0_i32, %c0_i32_0 : i32, i32
  }
  func.func @transform_3(%arg0: i32) -> (i32, i32) {
    %c0_i32 = arith.constant 0 : i32
    %c0_i32_0 = arith.constant 0 : i32
    %c0_i32_1 = arith.constant 0 : i32
    return %c0_i32, %c0_i32_0 : i32, i32
  }
  func.func @transform_4(%arg0: i32) -> (i32, i32) {
    %c0_i32 = arith.constant 0 : i32
    %c0_i32_0 = arith.constant 0 : i32
    %c0_i32_1 = arith.constant 0 : i32
    return %c0_i32, %c0_i32_0 : i32, i32
  }
  func.func @transform_5(%arg0: i32) -> (i32, i32) {
    %c0_i32 = arith.constant 0 : i32
    %c0_i32_0 = arith.constant 0 : i32
    return %arg0, %c0_i32 : i32, i32
  }
  func.func @transform_6(%arg0: i32) -> (i32, i32) {
    %c0_i32 = arith.constant 0 : i32
    %c0_i32_0 = arith.constant 0 : i32
    return %arg0, %c0_i32 : i32, i32
  }
}

module attributes {stable_mosaic.version = 14 : i64} {
  func.func @_layer_body(%arg0: i32, %arg1: memref<2x2048x128xf32, #tpu.memory_space<vmem>>, %arg2: memref<2048x128xf32, #tpu.memory_space<vmem>>, %arg3: memref<2048x1xf32, #tpu.memory_space<vmem>>, %arg4: memref<1x128xf32, #tpu.memory_space<vmem>>, %arg5: memref<128x128xf32, #tpu.memory_space<vmem>>, %arg6: memref<2048x128xf32, #tpu.memory_space<vmem>>) attributes {dimension_semantics = [#tpu.dimension_semantics<arbitrary>], iteration_bounds = array<i64: 5>, scalar_prefetch = 0 : i64, scratch_operands = 0 : i64, tpu.core_type = #tpu.core_type<tc>, window_params = [{transform_indices = @transform_0, window_bounds = array<i64: 2, 2048, 128>}, {transform_indices = @transform_1, window_bounds = array<i64: 2048, 128>}, {transform_indices = @transform_2, window_bounds = array<i64: 2048, 1>}, {pipeline_mode = #tpu.pipeline_mode<synchronous>, transform_indices = @transform_3, window_bounds = array<i64: 1, 128>}, {pipeline_mode = #tpu.pipeline_mode<synchronous>, transform_indices = @transform_4, window_bounds = array<i64: 128, 128>}, {transform_indices = @transform_5, window_bounds = array<i64: 2048, 128>}]} {
    %get3A = arith.constant 0 : index
    %get3A_0 = arith.constant 0 : index
    %get3A_1 = vector.load %arg3[%get3A, %get3A_0] : memref<2048x1xf32, #tpu.memory_space<vmem>>, vector<2048x1xf32>
    %get3A_2 = arith.constant 0 : index
    %get3A_3 = arith.constant 0 : index
    %get3A_4 = arith.constant 0 : index
    %get3A_5 = vector.load %arg1[%get3A_2, %get3A_3, %get3A_4] : memref<2x2048x128xf32, #tpu.memory_space<vmem>>, vector<1x2048x128xf32>
    %get3A_6 = vector.shape_cast %get3A_5 : vector<1x2048x128xf32> to vector<2048x128xf32>
    %get3A_7 = arith.constant 1 : index
    %get3A_8 = arith.constant 0 : index
    %get3A_9 = arith.constant 0 : index
    %get3A_10 = vector.load %arg1[%get3A_7, %get3A_8, %get3A_9] : memref<2x2048x128xf32, #tpu.memory_space<vmem>>, vector<1x2048x128xf32>
    %get3A_11 = vector.shape_cast %get3A_10 : vector<1x2048x128xf32> to vector<2048x128xf32>
    %add3A = arith.addf %get3A_6, %get3A_11 : vector<2048x128xf32>
    %get3A_12 = arith.constant 0 : index
    %get3A_13 = arith.constant 0 : index
    %get3A_14 = vector.load %arg2[%get3A_12, %get3A_13] : memref<2048x128xf32, #tpu.memory_space<vmem>>, vector<2048x128xf32>
    %add3A_15 = arith.addf %add3A, %get3A_14 : vector<2048x128xf32>
    %mul3A = vector.broadcast %get3A_1 : vector<2048x1xf32> to vector<2048x128xf32>
    %mul3A_16 = arith.mulf %add3A_15, %mul3A : vector<2048x128xf32>
    %get3A_17 = arith.constant 0 : index
    %get3A_18 = arith.constant 0 : index
    %get3A_19 = vector.load %arg4[%get3A_17, %get3A_18] : memref<1x128xf32, #tpu.memory_space<vmem>>, vector<1x128xf32>
    %add3A_20 = vector.broadcast %get3A_19 : vector<1x128xf32> to vector<2048x128xf32>
    %add3A_21 = arith.addf %mul3A_16, %add3A_20 : vector<2048x128xf32>
    %max3A = arith.constant 0.000000e+00 : f32
    %max3A_22 = vector.broadcast %max3A : f32 to vector<2048x128xf32>
    %max3A_23 = arith.maximumf %add3A_21, %max3A_22 : vector<2048x128xf32>
    %get3A_24 = arith.constant 0 : index
    %get3A_25 = arith.constant 0 : index
    %get3A_26 = vector.load %arg5[%get3A_24, %get3A_25] : memref<128x128xf32, #tpu.memory_space<vmem>>, vector<128x128xf32>
    %dot_general3A = arith.constant dense<0.000000e+00> : vector<2048x128xf32>
    %dot_general3A_27 = tpu.matmul %max3A_23, %get3A_26, %dot_general3A {dimension_numbers = #tpu.dot_dimension_numbers<[1], [0], [0], [1], [0, 0, 1, 1], [], []>, transpose_lhs_hint = false} : vector<2048x128xf32>, vector<128x128xf32>, vector<2048x128xf32> -> vector<2048x128xf32>
    %mul3A_28 = vector.broadcast %get3A_1 : vector<2048x1xf32> to vector<2048x128xf32>
    %mul3A_29 = arith.mulf %dot_general3A_27, %mul3A_28 : vector<2048x128xf32>
    %swap3A = arith.constant 0 : index
    %swap3A_30 = arith.constant 0 : index
    %swap3A_31 = vector.load %arg6[%swap3A, %swap3A_30] : memref<2048x128xf32, #tpu.memory_space<vmem>>, vector<2048x128xf32>
    tpu.vector_store %arg6[%swap3A, %swap3A_30], %mul3A_29 {strides = array<i32>} : memref<2048x128xf32, #tpu.memory_space<vmem>>, vector<2048x128xf32>,
    return
  }
  func.func @transform_0(%arg0: i32) -> (i32, i32, i32) {
    %c0_i32 = arith.constant 0 : i32
    %c0_i32_0 = arith.constant 0 : i32
    %c0_i32_1 = arith.constant 0 : i32
    return %c0_i32, %arg0, %c0_i32_0 : i32, i32, i32
  }
  func.func @transform_1(%arg0: i32) -> (i32, i32) {
    %c0_i32 = arith.constant 0 : i32
    %c0_i32_0 = arith.constant 0 : i32
    return %arg0, %c0_i32 : i32, i32
  }
  func.func @transform_2(%arg0: i32) -> (i32, i32) {
    %c0_i32 = arith.constant 0 : i32
    %c0_i32_0 = arith.constant 0 : i32
    return %arg0, %c0_i32 : i32, i32
  }
  func.func @transform_3(%arg0: i32) -> (i32, i32) {
    %c0_i32 = arith.constant 0 : i32
    %c0_i32_0 = arith.constant 0 : i32
    %c0_i32_1 = arith.constant 0 : i32
    return %c0_i32, %c0_i32_0 : i32, i32
  }
  func.func @transform_4(%arg0: i32) -> (i32, i32) {
    %c0_i32 = arith.constant 0 : i32
    %c0_i32_0 = arith.constant 0 : i32
    %c0_i32_1 = arith.constant 0 : i32
    return %c0_i32, %c0_i32_0 : i32, i32
  }
  func.func @transform_5(%arg0: i32) -> (i32, i32) {
    %c0_i32 = arith.constant 0 : i32
    %c0_i32_0 = arith.constant 0 : i32
    return %arg0, %c0_i32 : i32, i32
  }
}

module attributes {stable_mosaic.version = 14 : i64} {
  func.func @_pool_body(%arg0: i32, %arg1: memref<2x2048x128xf32, #tpu.memory_space<vmem>>, %arg2: memref<2048x128xf32, #tpu.memory_space<vmem>>, %arg3: memref<2048x1xf32, #tpu.memory_space<vmem>>, %arg4: memref<1x128xf32, #tpu.memory_space<vmem>>, %arg5: memref<2048x1xi32, #tpu.memory_space<vmem>>, %arg6: memref<128x64xf32, #tpu.memory_space<vmem>>, %arg7: memref<1x64xf32, #tpu.memory_space<vmem>>, %arg8: memref<64x16xf32, #tpu.memory_space<vmem>>, %arg9: memref<1x16xf32, #tpu.memory_space<vmem>>, %arg10: memref<64x16xf32, #tpu.memory_space<vmem>>, %arg11: memref<64x128xf32, #tpu.memory_space<vmem>>, %arg12: memref<64x1xf32, #tpu.memory_space<vmem>>) attributes {dimension_semantics = [#tpu.dimension_semantics<arbitrary>], iteration_bounds = array<i64: 5>, scalar_prefetch = 0 : i64, scratch_operands = 2 : i64, tpu.core_type = #tpu.core_type<tc>, window_params = [{transform_indices = @transform_0, window_bounds = array<i64: 2, 2048, 128>}, {transform_indices = @transform_1, window_bounds = array<i64: 2048, 128>}, {transform_indices = @transform_2, window_bounds = array<i64: 2048, 1>}, {pipeline_mode = #tpu.pipeline_mode<synchronous>, transform_indices = @transform_3, window_bounds = array<i64: 1, 128>}, {transform_indices = @transform_4, window_bounds = array<i64: 2048, 1>}, {pipeline_mode = #tpu.pipeline_mode<synchronous>, transform_indices = @transform_5, window_bounds = array<i64: 128, 64>}, {pipeline_mode = #tpu.pipeline_mode<synchronous>, transform_indices = @transform_6, window_bounds = array<i64: 1, 64>}, {pipeline_mode = #tpu.pipeline_mode<synchronous>, transform_indices = @transform_7, window_bounds = array<i64: 64, 16>}, {pipeline_mode = #tpu.pipeline_mode<synchronous>, transform_indices = @transform_8, window_bounds = array<i64: 1, 16>}, {pipeline_mode = #tpu.pipeline_mode<synchronous>, transform_indices = @transform_9, window_bounds = array<i64: 64, 16>}]} {
    %eq3A = arith.constant 0 : i32
    %eq3A_0 = arith.cmpi eq, %arg0, %eq3A : i32
    %convert_element_type3A = arith.extui %eq3A_0 : i1 to i32
    %cond3A = arith.constant 0 : i32
    %cond3A_1 = arith.cmpi ne, %convert_element_type3A, %cond3A : i32
    scf.if %cond3A_1 {
      %broadcast_in_dim3A_56 = arith.constant 0.000000e+00 : f32
      %broadcast_in_dim3A_57 = vector.broadcast %broadcast_in_dim3A_56 : f32 to vector<64x128xf32>
      %swap3A_58 = arith.constant 0 : index
      %swap3A_59 = arith.constant 0 : index
      %swap3A_60 = vector.load %arg11[%swap3A_58, %swap3A_59] : memref<64x128xf32, #tpu.memory_space<vmem>>, vector<64x128xf32>
      tpu.vector_store %arg11[%swap3A_58, %swap3A_59], %broadcast_in_dim3A_57 {strides = array<i32>} : memref<64x128xf32, #tpu.memory_space<vmem>>, vector<64x128xf32>,
      %broadcast_in_dim3A_61 = arith.constant 0.000000e+00 : f32
      %broadcast_in_dim3A_62 = vector.broadcast %broadcast_in_dim3A_61 : f32 to vector<64x1xf32>
      %swap3A_63 = arith.constant 0 : index
      %swap3A_64 = arith.constant 0 : index
      %swap3A_65 = vector.load %arg12[%swap3A_63, %swap3A_64] : memref<64x1xf32, #tpu.memory_space<vmem>>, vector<64x1xf32>
      tpu.vector_store %arg12[%swap3A_63, %swap3A_64], %broadcast_in_dim3A_62 {strides = array<i32>} : memref<64x1xf32, #tpu.memory_space<vmem>>, vector<64x1xf32>,
      %broadcast_in_dim3A_66 = arith.constant 0.000000e+00 : f32
      %broadcast_in_dim3A_67 = vector.broadcast %broadcast_in_dim3A_66 : f32 to vector<64x16xf32>
      %swap3A_68 = arith.constant 0 : index
      %swap3A_69 = arith.constant 0 : index
      %swap3A_70 = vector.load %arg10[%swap3A_68, %swap3A_69] : memref<64x16xf32, #tpu.memory_space<vmem>>, vector<64x16xf32>
      tpu.vector_store %arg10[%swap3A_68, %swap3A_69], %broadcast_in_dim3A_67 {strides = array<i32>} : memref<64x16xf32, #tpu.memory_space<vmem>>, vector<64x16xf32>,
    } else {
    }
    %get3A = arith.constant 0 : index
    %get3A_2 = arith.constant 0 : index
    %get3A_3 = vector.load %arg3[%get3A, %get3A_2] : memref<2048x1xf32, #tpu.memory_space<vmem>>, vector<2048x1xf32>
    %get3A_4 = arith.constant 0 : index
    %get3A_5 = arith.constant 0 : index
    %get3A_6 = arith.constant 0 : index
    %get3A_7 = vector.load %arg1[%get3A_4, %get3A_5, %get3A_6] : memref<2x2048x128xf32, #tpu.memory_space<vmem>>, vector<1x2048x128xf32>
    %get3A_8 = vector.shape_cast %get3A_7 : vector<1x2048x128xf32> to vector<2048x128xf32>
    %get3A_9 = arith.constant 1 : index
    %get3A_10 = arith.constant 0 : index
    %get3A_11 = arith.constant 0 : index
    %get3A_12 = vector.load %arg1[%get3A_9, %get3A_10, %get3A_11] : memref<2x2048x128xf32, #tpu.memory_space<vmem>>, vector<1x2048x128xf32>
    %get3A_13 = vector.shape_cast %get3A_12 : vector<1x2048x128xf32> to vector<2048x128xf32>
    %add3A = arith.addf %get3A_8, %get3A_13 : vector<2048x128xf32>
    %get3A_14 = arith.constant 0 : index
    %get3A_15 = arith.constant 0 : index
    %get3A_16 = vector.load %arg2[%get3A_14, %get3A_15] : memref<2048x128xf32, #tpu.memory_space<vmem>>, vector<2048x128xf32>
    %add3A_17 = arith.addf %add3A, %get3A_16 : vector<2048x128xf32>
    %mul3A = vector.broadcast %get3A_3 : vector<2048x1xf32> to vector<2048x128xf32>
    %mul3A_18 = arith.mulf %add3A_17, %mul3A : vector<2048x128xf32>
    %get3A_19 = arith.constant 0 : index
    %get3A_20 = arith.constant 0 : index
    %get3A_21 = vector.load %arg4[%get3A_19, %get3A_20] : memref<1x128xf32, #tpu.memory_space<vmem>>, vector<1x128xf32>
    %add3A_22 = vector.broadcast %get3A_21 : vector<1x128xf32> to vector<2048x128xf32>
    %add3A_23 = arith.addf %mul3A_18, %add3A_22 : vector<2048x128xf32>
    %max3A = arith.constant 0.000000e+00 : f32
    %max3A_24 = vector.broadcast %max3A : f32 to vector<2048x128xf32>
    %max3A_25 = arith.maximumf %add3A_23, %max3A_24 : vector<2048x128xf32>
    %iota3A = tpu.iota {dimensions = array<i32: 1>} : vector<1x64xi32>
    %get3A_26 = arith.constant 0 : index
    %get3A_27 = arith.constant 0 : index
    %get3A_28 = vector.load %arg5[%get3A_26, %get3A_27] : memref<2048x1xi32, #tpu.memory_space<vmem>>, vector<2048x1xi32>
    %eq3A_29 = vector.broadcast %get3A_28 : vector<2048x1xi32> to vector<2048x64xi32>
    %eq3A_30 = vector.broadcast %iota3A : vector<1x64xi32> to vector<2048x64xi32>
    %eq3A_31 = arith.cmpi eq, %eq3A_29, %eq3A_30 : vector<2048x64xi32>
    %convert_element_type3A_32 = arith.extui %eq3A_31 : vector<2048x64xi1> to vector<2048x64xi32>
    %convert_element_type3A_33 = arith.sitofp %convert_element_type3A_32 : vector<2048x64xi32> to vector<2048x64xf32>
    %get3A_34 = arith.constant 0 : index
    %get3A_35 = arith.constant 0 : index
    %get3A_36 = vector.load %arg11[%get3A_34, %get3A_35] : memref<64x128xf32, #tpu.memory_space<vmem>>, vector<64x128xf32>
    %dot_general3A = arith.constant dense<0.000000e+00> : vector<64x128xf32>
    %dot_general3A_37 = tpu.matmul %convert_element_type3A_33, %max3A_25, %dot_general3A {dimension_numbers = #tpu.dot_dimension_numbers<[0], [0], [1], [1], [0, 1, 1, 1], [], []>, transpose_lhs_hint = false} : vector<2048x64xf32>, vector<2048x128xf32>, vector<64x128xf32> -> vector<64x128xf32>
    %add3A_38 = arith.addf %get3A_36, %dot_general3A_37 : vector<64x128xf32>
    %swap3A = arith.constant 0 : index
    %swap3A_39 = arith.constant 0 : index
    %swap3A_40 = vector.load %arg11[%swap3A, %swap3A_39] : memref<64x128xf32, #tpu.memory_space<vmem>>, vector<64x128xf32>
    tpu.vector_store %arg11[%swap3A, %swap3A_39], %add3A_38 {strides = array<i32>} : memref<64x128xf32, #tpu.memory_space<vmem>>, vector<64x128xf32>,
    %get3A_41 = arith.constant 0 : index
    %get3A_42 = arith.constant 0 : index
    %get3A_43 = vector.load %arg12[%get3A_41, %get3A_42] : memref<64x1xf32, #tpu.memory_space<vmem>>, vector<64x1xf32>
    %broadcast_in_dim3A = arith.constant 1.000000e+00 : f32
    %broadcast_in_dim3A_44 = vector.broadcast %broadcast_in_dim3A : f32 to vector<2048x1xf32>
    %dot_general3A_45 = arith.constant dense<0.000000e+00> : vector<64x1xf32>
    %dot_general3A_46 = tpu.matmul %convert_element_type3A_33, %broadcast_in_dim3A_44, %dot_general3A_45 {dimension_numbers = #tpu.dot_dimension_numbers<[0], [0], [1], [1], [0, 1, 1, 1], [], []>, transpose_lhs_hint = false} : vector<2048x64xf32>, vector<2048x1xf32>, vector<64x1xf32> -> vector<64x1xf32>
    %add3A_47 = arith.addf %get3A_43, %dot_general3A_46 : vector<64x1xf32>
    %swap3A_48 = arith.constant 0 : index
    %swap3A_49 = arith.constant 0 : index
    %swap3A_50 = vector.load %arg12[%swap3A_48, %swap3A_49] : memref<64x1xf32, #tpu.memory_space<vmem>>, vector<64x1xf32>
    tpu.vector_store %arg12[%swap3A_48, %swap3A_49], %add3A_47 {strides = array<i32>} : memref<64x1xf32, #tpu.memory_space<vmem>>, vector<64x1xf32>,
    %eq3A_51 = arith.constant 4 : i32
    %eq3A_52 = arith.cmpi eq, %arg0, %eq3A_51 : i32
    %convert_element_type3A_53 = arith.extui %eq3A_52 : i1 to i32
    %cond3A_54 = arith.constant 0 : i32
    %cond3A_55 = arith.cmpi ne, %convert_element_type3A_53, %cond3A_54 : i32
    scf.if %cond3A_55 {
      %get3A_56 = arith.constant 0 : index
      %get3A_57 = arith.constant 0 : index
      %get3A_58 = vector.load %arg11[%get3A_56, %get3A_57] : memref<64x128xf32, #tpu.memory_space<vmem>>, vector<64x128xf32>
      %get3A_59 = arith.constant 0 : index
      %get3A_60 = arith.constant 0 : index
      %get3A_61 = vector.load %arg12[%get3A_59, %get3A_60] : memref<64x1xf32, #tpu.memory_space<vmem>>, vector<64x1xf32>
      %max3A_62 = arith.constant 1.000000e+00 : f32
      %max3A_63 = vector.broadcast %max3A_62 : f32 to vector<64x1xf32>
      %max3A_64 = arith.maximumf %get3A_61, %max3A_63 : vector<64x1xf32>
      %div3A = vector.broadcast %max3A_64 : vector<64x1xf32> to vector<64x128xf32>
      %div3A_65 = arith.divf %get3A_58, %div3A : vector<64x128xf32>
      %get3A_66 = arith.constant 0 : index
      %get3A_67 = arith.constant 0 : index
      %get3A_68 = vector.load %arg6[%get3A_66, %get3A_67] : memref<128x64xf32, #tpu.memory_space<vmem>>, vector<128x64xf32>
      %dot_general3A_69 = arith.constant dense<0.000000e+00> : vector<64x64xf32>
      %dot_general3A_70 = tpu.matmul %div3A_65, %get3A_68, %dot_general3A_69 {dimension_numbers = #tpu.dot_dimension_numbers<[1], [0], [0], [1], [0, 0, 1, 1], [], []>, transpose_lhs_hint = false} : vector<64x128xf32>, vector<128x64xf32>, vector<64x64xf32> -> vector<64x64xf32>
      %get3A_71 = arith.constant 0 : index
      %get3A_72 = arith.constant 0 : index
      %get3A_73 = vector.load %arg7[%get3A_71, %get3A_72] : memref<1x64xf32, #tpu.memory_space<vmem>>, vector<1x64xf32>
      %add3A_74 = vector.broadcast %get3A_73 : vector<1x64xf32> to vector<64x64xf32>
      %add3A_75 = arith.addf %dot_general3A_70, %add3A_74 : vector<64x64xf32>
      %max3A_76 = arith.constant 0.000000e+00 : f32
      %max3A_77 = vector.broadcast %max3A_76 : f32 to vector<64x64xf32>
      %max3A_78 = arith.maximumf %add3A_75, %max3A_77 : vector<64x64xf32>
      %get3A_79 = arith.constant 0 : index
      %get3A_80 = arith.constant 0 : index
      %get3A_81 = vector.load %arg8[%get3A_79, %get3A_80] : memref<64x16xf32, #tpu.memory_space<vmem>>, vector<64x16xf32>
      %dot_general3A_82 = arith.constant dense<0.000000e+00> : vector<64x16xf32>
      %dot_general3A_83 = tpu.matmul %max3A_78, %get3A_81, %dot_general3A_82 {dimension_numbers = #tpu.dot_dimension_numbers<[1], [0], [0], [1], [0, 0, 1, 1], [], []>, transpose_lhs_hint = false} : vector<64x64xf32>, vector<64x16xf32>, vector<64x16xf32> -> vector<64x16xf32>
      %get3A_84 = arith.constant 0 : index
      %get3A_85 = arith.constant 0 : index
      %get3A_86 = vector.load %arg9[%get3A_84, %get3A_85] : memref<1x16xf32, #tpu.memory_space<vmem>>, vector<1x16xf32>
      %add3A_87 = vector.broadcast %get3A_86 : vector<1x16xf32> to vector<64x16xf32>
      %add3A_88 = arith.addf %dot_general3A_83, %add3A_87 : vector<64x16xf32>
      %swap3A_89 = arith.constant 0 : index
      %swap3A_90 = arith.constant 0 : index
      %swap3A_91 = vector.load %arg10[%swap3A_89, %swap3A_90] : memref<64x16xf32, #tpu.memory_space<vmem>>, vector<64x16xf32>
      tpu.vector_store %arg10[%swap3A_89, %swap3A_90], %add3A_88 {strides = array<i32>} : memref<64x16xf32, #tpu.memory_space<vmem>>, vector<64x16xf32>,
    } else {
    }
    return
  }
  func.func @transform_0(%arg0: i32) -> (i32, i32, i32) {
    %c0_i32 = arith.constant 0 : i32
    %c0_i32_0 = arith.constant 0 : i32
    %c0_i32_1 = arith.constant 0 : i32
    return %c0_i32, %arg0, %c0_i32_0 : i32, i32, i32
  }
  func.func @transform_1(%arg0: i32) -> (i32, i32) {
    %c0_i32 = arith.constant 0 : i32
    %c0_i32_0 = arith.constant 0 : i32
    return %arg0, %c0_i32 : i32, i32
  }
  func.func @transform_2(%arg0: i32) -> (i32, i32) {
    %c0_i32 = arith.constant 0 : i32
    %c0_i32_0 = arith.constant 0 : i32
    return %arg0, %c0_i32 : i32, i32
  }
  func.func @transform_3(%arg0: i32) -> (i32, i32) {
    %c0_i32 = arith.constant 0 : i32
    %c0_i32_0 = arith.constant 0 : i32
    %c0_i32_1 = arith.constant 0 : i32
    return %c0_i32, %c0_i32_0 : i32, i32
  }
  func.func @transform_4(%arg0: i32) -> (i32, i32) {
    %c0_i32 = arith.constant 0 : i32
    %c0_i32_0 = arith.constant 0 : i32
    return %arg0, %c0_i32 : i32, i32
  }
  func.func @transform_5(%arg0: i32) -> (i32, i32) {
    %c0_i32 = arith.constant 0 : i32
    %c0_i32_0 = arith.constant 0 : i32
    %c0_i32_1 = arith.constant 0 : i32
    return %c0_i32, %c0_i32_0 : i32, i32
  }
  func.func @transform_6(%arg0: i32) -> (i32, i32) {
    %c0_i32 = arith.constant 0 : i32
    %c0_i32_0 = arith.constant 0 : i32
    %c0_i32_1 = arith.constant 0 : i32
    return %c0_i32, %c0_i32_0 : i32, i32
  }
  func.func @transform_7(%arg0: i32) -> (i32, i32) {
    %c0_i32 = arith.constant 0 : i32
    %c0_i32_0 = arith.constant 0 : i32
    %c0_i32_1 = arith.constant 0 : i32
    return %c0_i32, %c0_i32_0 : i32, i32
  }
  func.func @transform_8(%arg0: i32) -> (i32, i32) {
    %c0_i32 = arith.constant 0 : i32
    %c0_i32_0 = arith.constant 0 : i32
    %c0_i32_1 = arith.constant 0 : i32
    return %c0_i32, %c0_i32_0 : i32, i32
  }
  func.func @transform_9(%arg0: i32) -> (i32, i32) {
    %c0_i32 = arith.constant 0 : i32
    %c0_i32_0 = arith.constant 0 : i32
    %c0_i32_1 = arith.constant 0 : i32
    return %c0_i32, %c0_i32_0 : i32, i32
  }
}

</mosaic_0001>

<sc_bundles>
// kernel: kernel.12.cloned.1.call-start
scs
__scs_entry_jumppad:
0x0: {  	(pc) =	sbr.rel $0x88, $3  }
0x1: {  	(tag) =	ssettag $0x0;
	lr =	simm.s32 $0x1  }
0x2: {  	[smem:$0x3F92] =	sst lr;
	_ =	strace $0xD0000000  }
0x3: {  	_ = 	snop  }
0x4: {  	_ = 	snop  }
0x5: {  	_ = 	snop  }
0x6: {  	_ = 	snop  }
0x7: {  	_ = 	snop  }
__scs_overlays_trampoline_lowered:
0x8: {  	[smem:$0x3FA1] =	sst s0  }
0x9: {  	[smem:$0x3FA2] =	sst s1  }
0xa: {  	[smem:$0x3FA3] =	sst s2  }
0xb: {  	[smem:$0x3FA4] =	sst s3  }
0xc: {  	[smem:$0x3FA5] =	sst s4  }
0xd: {  	[smem:$0x3FA6] =	sst s5  }
0xe: {  	[smem:$0x3FA7] =	sst s6  }
0xf: {  	[smem:$0x3FA8] =	sst s7  }
0x10: {  	[smem:$0x3FA9] =	sst s8  }
0x11: {  	[smem:$0x3FAA] =	sst s9;
	s0 =	simm.s32 @!p0 $0x0  }
0x12: {  	s1 =	sld [smem:$0x3F90];
	s0 =	simm.s32 @p0 $0x1  }
0x13: {  	[smem:$0x3FAB] =	sst s0;
	s0 =	simm.s32 @!p1 $0x0  }
0x14: {  	s2 =	sld [smem:$0x3F8F];
	s0 =	simm.s32 @p1 $0x1  }
0x15: {  	[smem:$0x3FAC] =	sst s0;
	s0 =	simm.s32 @!p2 $0x0  }
0x16: {  	s3 =	sld [smem:$0x3FDB];
	s0 =	simm.s32 @p2 $0x1  }
0x17: {  	s4 =	simm.s32 $0x1BF5;
	[smem:$0x3FAE] =	sst s0  }
0x18: {  	s0 =	sld [smem:$0x3F91];
	_ =	swait.ge [sflag:s4], $0x0  }
0x19: {  	s7 =	sld [smem:$0x3F92]  }
0x1a: {  	s8 =	sadd.s32 $0xFFFFE003, lr  }
0x1b: {  	s9 =	sadd.s32 $0xFFFFFEF7, lr;
	s5 =	simm.s32 $0xFFFFFFFF;
	p2 =	slt.u32 s8, $0xFFFFF086  }
0x1c: {  	p1 =	slt.u32 s9, $0xF7A;
	s5 =	simm.s32 @!p2 $0x0  }
0x1d: {  	s5 =	simm.s32 @p1 $0x1;
	p0 =	seq.s32 s7, s2  }
0x1e: {  	s7 =	smul.u32 @!p0 $0xF7A, s2;
	p2 =	seq.s32 @!p0 s5, $0x0  }
0x1f: {  	s9 =	smul.u32 $0xF7A, s1;
	s8 =	simm.s32 @!p0 $0x1BF5;
	p2 =	por !p2, p0  }
0x20: {  	[sflag:s8] =	ssyncset.s32 @!p0 $0xFFFFF086;
	s6 =	sadd.s32 @!p0 s3, s7;
	s7 =	simm.s32 @!p0 $0x108  }
0x21: {  	s3 =	sadd.s32 s3, s9;
	s6 =	sadd.s32 @!p0 $0x88, s6;
	s7 =	simm.s32 @p2 $0x1082  }
0x22: {  	[simem:s7], [sflag:s8] =	dma.local @!p0 [hbm:s6], $0xF7A  }
0x23: {  	s9 =	sor.u32 $0xD0000000, s2;
	s6 =	simm.s32 $0x108;
	_ =	swait.ge @!p0 [sflag:s8], $0x0  }
0x24: {  	s3 =	sadd.s32 $0x88, s3;
	s6 =	simm.s32 @!p1 $0x1082;
	[sflag:s4] =	ssyncset.s32 $0xFFFFF086  }
0x25: {  	[simem:s6], [sflag:s4] =	dma.local [hbm:s3], $0xF7A  }
0x26: {  	[smem:$0x3F92] =	sst s1;
	(tag) =	ssettag s2;
	_ =	strace s9  }
0x27: {  	s1 =	sld [smem:$0x3FA2]  }
0x28: {  	s2 =	sld [smem:$0x3FA3]  }
0x29: {  	s4 =	sld [smem:$0x3FA5]  }
0x2a: {  	p0 =	seq.s32 s5, $0x0;
	s5 =	sld [smem:$0x3FA6]  }
0x2b: {  	s6 =	sld [smem:$0x3FA7]  }
0x2c: {  	s7 =	sld [smem:$0x3FA8]  }
0x2d: {  	s3 =	simm.s32 $0x108;
	s8 =	sld [smem:$0x3FA9]  }
0x2e: {  	s3 =	simm.s32 @!p0 $0x1082;
	s9 =	sld [smem:$0x3FAA]  }
0x2f: {  	lr =	sadd.s32 s0, s3;
	s0 =	sld [smem:$0x3FA1]  }
0x30: {  	s3 =	sld [smem:$0x3FA4]  }
0x31: {  	[smem:$0x3FAD] =	sst s10  }
0x32: {  	s10 =	sld [smem:$0x3FAB];
	_ =	sdelay $0x3  }
0x33: {  	p0 =	seq.s32 s10, $0x1;
	s10 =	sld [smem:$0x3FAD];
	_ =	sdelay $0x3  }
0x34: {  	[smem:$0x3FAD] =	sst s10  }
0x35: {  	s10 =	sld [smem:$0x3FAC];
	_ =	sdelay $0x3  }
0x36: {  	p1 =	seq.s32 s10, $0x1;
	s10 =	sld [smem:$0x3FAD];
	_ =	sdelay $0x3  }
0x37: {  	[smem:$0x3FAD] =	sst s10  }
0x38: {  	s10 =	sld [smem:$0x3FAE]  }
0x39: {  	_ = 	snop;
	(pc) =	sbr.ind lr, $3  }
0x3a: {  	_ = 	snop  }
0x3b: {  	_ = 	snop  }
0x3c: {  	p2 =	seq.s32 s10, $0x1;
	s10 =	sld [smem:$0x3FAD]  }
0x3d: {  	_ =	shalt  }
0x3e: {  	_ =	shalt  }
0x3f: {  	_ =	shalt  }
0x40: {  	_ =	shalt  }
0x41: {  	_ =	shalt  }
0x42: {  	_ =	shalt  }
0x43: {  	_ =	shalt  }
0x44: {  	_ =	shalt  }
0x45: {  	_ =	shalt  }
0x46: {  	_ =	shalt  }
0x47: {  	_ =	shalt  }
0x48: {  	_ =	shalt  }
0x49: {  	_ =	shalt  }
0x4a: {  	_ =	shalt  }
0x4b: {  	_ =	shalt  }
0x4c: {  	_ =	shalt  }
0x4d: {  	_ =	shalt  }
0x4e: {  	_ =	shalt  }
0x4f: {  	_ =	shalt  }
0x50: {  	_ =	shalt  }
0x51: {  	_ =	shalt  }
0x52: {  	_ =	shalt  }
0x53: {  	_ =	shalt  }
0x54: {  	_ =	shalt  }
0x55: {  	_ =	shalt  }
0x56: {  	_ =	shalt  }
0x57: {  	_ =	shalt  }
0x58: {  	_ =	shalt  }
0x59: {  	_ =	shalt  }
0x5a: {  	_ =	shalt  }
0x5b: {  	_ =	shalt  }
0x5c: {  	_ =	shalt  }
0x5d: {  	_ =	shalt  }
0x5e: {  	_ =	shalt  }
0x5f: {  	_ =	shalt  }
0x60: {  	_ =	shalt  }
0x61: {  	_ =	shalt  }
0x62: {  	_ =	shalt  }
0x63: {  	_ =	shalt  }
0x64: {  	_ =	shalt  }
0x65: {  	_ =	shalt  }
0x66: {  	_ =	shalt  }
0x67: {  	_ =	shalt  }
0x68: {  	_ =	shalt  }
0x69: {  	_ =	shalt  }
0x6a: {  	_ =	shalt  }
0x6b: {  	_ =	shalt  }
0x6c: {  	_ =	shalt  }
0x6d: {  	_ =	shalt  }
0x6e: {  	_ =	shalt  }
0x6f: {  	_ =	shalt  }
0x70: {  	_ =	shalt  }
0x71: {  	_ =	shalt  }
0x72: {  	_ =	shalt  }
0x73: {  	_ =	shalt  }
0x74: {  	_ =	shalt  }
0x75: {  	_ =	shalt  }
0x76: {  	_ =	shalt  }
0x77: {  	_ =	shalt  }
0x78: {  	_ =	shalt  }
0x79: {  	_ =	shalt  }
0x7a: {  	_ =	shalt  }
0x7b: {  	_ =	shalt  }
0x7c: {  	_ =	shalt  }
0x7d: {  	_ =	shalt  }
0x7e: {  	_ =	shalt  }
0x7f: {  	_ =	shalt  }
0x80: {  	_ =	shalt  }
0x81: {  	_ =	shalt  }
0x82: {  	_ =	shalt  }
0x83: {  	_ =	shalt  }
0x84: {  	_ =	shalt  }
0x85: {  	_ =	shalt  }
0x86: {  	_ =	shalt  }
0x87: {  	_ =	shalt  }
.Lfunc_end0:
.L_simem_size_0:
called_computation_lowered:
.L_overlay_start_0:
0x88: {  	s2 =	sld [smem:$0x3FD9]  }
0x89: {  	s3 =	sld [smem:$0x3FFE];
	_ =	sdelay $0x1  }
0x8a: {  	s1 =	srdreg.scid  }
0x8b: {  	s0 =	sand.u32 $0x1, s1  }
0x8c: {  	s14 =	sshll.u32 s0, $0xA;
	s2 =	sadd.s32 s3, s2  }
0x8d: {  	s2 =	sadd.s32 s2, s14  }
0x8e: {  	[smem:$0x3FB9] =	sst s2  }
0x8f: {  	_ = 	snop  }
0x90: {  	s2 =	sld [smem:$0x3FD0];
	_ =	sdelay $0x2  }
0x91: {  	s15 =	simm.s32 $0xA;
	s4 =	simm.s32 $0x10  }
0x92: {  	[smem:s4], [sflag:s15] =	dma.local [hbm:s2], $0x1  }
0x93: {  	_ =	swait.eq [sflag:s15], $0x1  }
0x94: {  	[sflag:s15] =	ssyncset.done $0x0  }
0x95: {  	s16 =	sld [smem:$0x10];
	[sflag:s15] =	ssyncadd.s32 $0xFFFFFFFF  }
0x96: {  	s17 =	sld [smem:$0x11];
	(tm) =	ssettm $0x1  }
0x97: {  	s18 =	sld [smem:$0x3FFB];
	_ =	sdelay $0x3  }
0x98: {  	_ =	strace s18  }
0x99: {  	s4 =	sld [smem:$0x3FFC];
	_ =	sdelay $0x3  }
0x9a: {  	_ =	strace s4  }
0x9b: {  	s4 =	sld [smem:$0x3FFD];
	_ =	sdelay $0x3  }
0x9c: {  	_ =	strace s4  }
0x9d: {  	_ =	strace $0x8FFFFFFF  }
0x9e: {  	s19 =	sld [smem:$0x3FDB];
	_ =	sdelay $0x1  }
0x9f: {  	s5 =	simm.s32 $_scs_section_size  }
0xa0: {  	s6 =	simm.s32 $_size__tile_overlayer_lowered;
	s7 =	simm.s32 $_tile_overlayer_lowered  }
0xa1: {  	s22 =	simm.s32 $0x1BFF;
	s21 =	sshll.u32 s7, $0x1;
	s4 =	sadd.s32 s5, s19  }
0xa2: {  	s8 =	simm.s32 $0x0;
	s20 =	sshll.u32 s6, $0x1;
	s6 =	sadd.s32 s21, s4  }
0xa3: {  	[timem:s8], [sflag:s22] =	dma.local [hbm:s6], s20  }
0xa4: {  	_ =	swait.ge [sflag:s22], s20  }
0xa5: {  	s5 =	ssub.s32 $0x0, s20;
	[sflag:s22] =	ssyncset.done $0x0  }
0xa6: {  	[sflag:s22] =	ssyncadd.s32 s5;
	_ =	sdelay $0x1  }
0xa7: {  	s23 =	simm.s32 $0x1B8B  }
0xa8: {  	_ =	swait.ge [sflag:s23], $0x1  }
0xa9: {  	[sflag:s23] =	ssyncset.done $0x0  }
0xaa: {  	s25 =	simm.s32 $0x1B8E;
	s24 =	sld [smem:$0x3FFE];
	[sflag:s23] =	ssyncadd.s32 $0xFFFFFFFF  }
0xab: {  	s26 =	simm.s32 $execute0_lowered;
	[smem:$0x3FD2] =	sst s25  }
0xac: {  	s6 =	sshll.u32 s26, $0x1;
	_ =	strace $0x80000046;
	[dreg:$0x1] =	wrdreg $0xFFFFFFFF  }
0xad: {  	s28 =	simm.s32 $_size_execute0_lowered;
	s4 =	sadd.s32 s4, s6;
	[dreg:$0x0] =	wrdreg $0x0  }
0xae: {  	s6 =	sshll.u32 s28, $0x1;
	[dreg:$0x2] =	wrdreg s4  }
0xaf: {  	[dreg:$0x3] =	wrdreg s6  }
0xb0: {  	[dreg:$0x4] =	wrdreg $0xC0  }
0xb1: {  	_ =	task [dreg:s8], $0x5FFFF  }
0xb2: {  	[dreg:$0x1] =	wrdreg $0xFFFFFFFF  }
0xb3: {  	[dreg:$0x0] =	wrdreg $0x60  }
0xb4: {  	[dreg:$0x2] =	wrdreg s24  }
0xb5: {  	[dreg:$0x3] =	wrdreg s17  }
0xb6: {  	[dreg:$0x4] =	wrdreg s16  }
0xb7: {  	[dreg:$0x5] =	wrdreg $0x3800  }
0xb8: {  	[dreg:$0x6] =	wrdreg $0x9  }
0xb9: {  	_ =	task.clear_ibuf [dreg:s8], $0x7FFFF;
	_ =	strace $0x90000046  }
0xba: {  	s29 =	simm.s32 $0x9;
	_ =	strace $0x80000048  }
0xbb: {  	_ =	swait.ge [sflag:s29], $0x1  }
0xbc: {  	[sflag:s29] =	ssyncadd.s32 $0xFFFFFFFF  }
0xbd: {  	_ =	strace $0x90000048  }
0xbe: {  	_ =	sfence  }
0xbf: {  	s30 =	sld [smem:$0x0];
	_ =	sdelay $0x2  }
0xc0: {  	s31 =	sshll.u32 s1, $0xD;
	s1 =	sshrl.u32 s1, $0x2  }
0xc1: {  	s3 =	sand.u32 $0x4000, s31;
	s1 =	sadd.s32 s1, s30  }
0xc2: {  	s0 =	sor.u32 s3, s0;
	s1 =	sshll.u32 s1, $0x11  }
0xc3: {  	s0 =	sor.u32 s1, s0  }
0xc4: {  	s0 =	sadd.s32 $0x8F2B, s0  }
0xc5: {  	[sflag:s0] =	ssyncadd.remote.s32 $0x1  }
0xc6: {  	_ =	sfence.sel $0xFFFF  }
0xc7: {  	[dreg:$0x0] =	wrdreg $0xFFFFFFFF;
	(pc) =	sbr.abs _section_cstart, $3  }
0xc8: {  	[dreg:$0x1] =	wrdreg $0xFFFFFFFF  }
0xc9: {  	_ =	task.clear_ibuf [dreg:s8], $0x2FFFF;
	_ =	strace $0x9FFFFFFF  }
0xca: {  	(tm) =	ssettm $0x7FFFFFFF  }
0xcb: {  	_ =	shalt  }
tec
execute0_lowered:
.L_overlay_start_1:
0x0: {  	(tag) =	ssettag $0x1  }
0x1: {  	s6 =	rddreg [dreg:$0x0]  }
0x2: {  	s1 =	rddreg [dreg:$0x1]  }
0x3: {  	s2 =	rddreg [dreg:$0x2]  }
0x4: {  	s3 =	rddreg [dreg:$0x3];
	s4 =	srdreg.scid  }
0x5: {  	s0 =	rddreg [dreg:$0x4];
	s7 =	sand.u32 $0x1, s4  }
0x6: {  	s5 =	simm.s32 $0x0;
	s4 =	stileid.u32;
	s8 =	smul.u32 $0x4F00, s7  }
0x7: {  	[smem:$0x7FF] =	sst s5;
	s9 =	smul.u32 $0x500, s4  }
0x8: {  	s13 =	simm.s32 $0x0;
	_ =	strace $0x80000047;
	s29 =	smul.u32 $0xA00, s4  }
0x9: {  	s10 =	sshll.u32 s7, $0x7;
	s7 =	ssub.s32 $0x2, s7;
	s12 =	smul.u32 $0x4F0, s4  }
0xa: {  	s11 =	sshrl.u32 s7, $0x1;
	s8 =	sadd.s32 s8, s6;
	s9 =	sor.u32 s10, s9  }
0xb: {  	s11 =	ssub.s32 s7, s11;
	s30 =	sshrl.u32 s29, $0x2;
	s10 =	simm.s32 $0x100  }
0xc: {  	s9 =	sshrl.u32 s9, $0x3;
	s31 =	sadd.s32 s12, s8;
	s8 =	smax.u32 s11, $0x1  }
0xd: {  	s11 =	simm.s32 $0x1;
	s12 =	simm.s32 $0x80;
	s9 =	sadd.s32 s9, s6  }
0xe: {  	s6 =	sadd.s32 s30, s3;
	s7 =	sadd.s32 $0xD800, s9;
	s9 =	sadd.s32 $0x3A00, s31  }
.LBB2_1:
0xf: {  	[tilespmem:s10], [sflag:$0x1] =	stream.linear.gather [hbm4b:s2+s5], $0x280, $0x38;
	[tilespmem:$0x600] =	vst v63  }
0x10: {  	_ =	swait.ge [sflag:s11], $0x280  }
0x11: {  	[sflag:s11] =	ssyncset.done $0x0  }
0x12: {  	[sflag:s11] =	ssyncadd.s32 $0xFFFFFD80  }
0x13: {  	[spmem:s6] =	stream.linear.scatter [tilespmem:s10], [sflag:$0x1], $0x280, $0x38;
	[tilespmem:$0x600] =	vst v63  }
0x14: {  	_ =	swait.ge [sflag:s11], $0x280  }
0x15: {  	[sflag:s11] =	ssyncset.done $0x0  }
0x16: {  	[sflag:s11] =	ssyncadd.s32 $0xFFFFFD80  }
0x17: {  	[tilespmem:s12], [sflag:$0x1] =	stream.linear.gather [hbm4b:s1+s5], $0x80, $0x38;
	[tilespmem:$0x600] =	vst v63  }
0x18: {  	_ =	swait.ge [sflag:s11], $0x80  }
0x19: {  	[sflag:s11] =	ssyncset.done $0x0  }
0x1a: {  	[sflag:s11] =	ssyncadd.s32 $0xFFFFFF80  }
0x1b: {  	s14 =	sadd.s32 $0x0, s9;
	[bflag:$0x0] =	sbarrier.arrive $0xFFFF  }
0x1c: {  	[tilespmem:s5], [sflag:$0x1] =	stream.linear.gather [hbm4b:s14+s5], $0x80, $0x38;
	[tilespmem:$0x600] =	vst v63  }
0x1d: {  	_ =	swait.ge [sflag:s11], $0x80  }
0x1e: {  	[sflag:s11] =	ssyncset.done $0x0  }
0x1f: {  	[sflag:s11] =	ssyncadd.s32 $0xFFFFFF80  }
0x20: {  	[spmem:s3] =	stream.indirect.scatter.add.f32 [tilespmem:s12], [sflag:$0x1], $0x1, s5, s12, $0xb8;
	[tilespmem:$0x600] =	vst v63  }
0x21: {  	_ =	swait.ge [sflag:s11], $0x80  }
0x22: {  	s15 =	simm.s32 $0x20;
	s14 =	simm.s32 $0x10;
	[sflag:s11] =	ssyncset.done $0x0  }
.LBB2_2:
0x23: {  	s16 =	sadd.s32 s14, s9  }
0x24: {  	[sflag:s11] =	ssyncadd.s32 $0xFFFFFF80;
	s14 =	smov.u32 s15;
	s17 =	sadd.s32 $0x10, s15  }
0x25: {  	[tilespmem:s5], [sflag:$0x1] =	stream.linear.gather [hbm4b:s16+s5], $0x80, $0x38;
	[tilespmem:$0x600] =	vst v63  }
0x26: {  	p0 =	sne.s32 s15, $0x4E0;
	_ =	swait.ge [sflag:s11], $0x80  }
.Ltmp0:
0x27: {  	[sflag:s11] =	ssyncset.done $0x0;
	(pc) =	sbr.rel @p0 .LBB2_2-.Ltmp0, $4  }
0x28: {  	[sflag:s11] =	ssyncadd.s32 $0xFFFFFF80  }
0x29: {  	[spmem:s3] =	stream.indirect.scatter.add.f32 [tilespmem:s12], [sflag:$0x1], $0x1, s5, s12, $0xb8;
	[tilespmem:$0x600] =	vst v63  }
0x2a: {  	_ =	swait.ge [sflag:s11], $0x80  }
0x2b: {  	s15 =	smov.u32 s17;
	[sflag:s11] =	ssyncset.done $0x0  }
0x2c: {  	s14 =	sadd.s32 s14, s9;
	[sflag:s11] =	ssyncadd.s32 $0xFFFFFF80  }
0x2d: {  	[tilespmem:s5], [sflag:$0x1] =	stream.linear.gather [hbm4b:s14+s5], $0x80, $0x38;
	[tilespmem:$0x600] =	vst v63  }
0x2e: {  	_ =	swait.ge [sflag:s11], $0x80  }
0x2f: {  	[sflag:s11] =	ssyncset.done $0x0  }
0x30: {  	[sflag:s11] =	ssyncadd.s32 $0xFFFFFF80  }
0x31: {  	[spmem:s3] =	stream.indirect.scatter.add.f32 [tilespmem:s12], [sflag:$0x1], $0x1, s5, s12, $0xb8;
	[tilespmem:$0x600] =	vst v63  }
0x32: {  	_ =	swait.ge [sflag:s11], $0x80  }
0x33: {  	[sflag:s11] =	ssyncset.done $0x0  }
0x34: {  	[sflag:s11] =	ssyncadd.s32 $0xFFFFFF80  }
0x35: {  	[bflag:$0x0] =	sbarrier.arrive $0xFFFF  }
0x36: {  	[tilespmem:s10], [sflag:$0x1] =	stream.linear.gather [spmem:s6], $0x280, $0x38;
	[tilespmem:$0x600] =	vst v63  }
0x37: {  	s13 =	sadd.s32 $0x1, s13;
	_ =	swait.ge [sflag:s11], $0x280  }
0x38: {  	p0 =	sne.s32 s13, s8;
	[sflag:s11] =	ssyncset.done $0x0  }
.Ltmp1:
0x39: {  	[sflag:s11] =	ssyncadd.s32 $0xFFFFFD80;
	(pc) =	sbr.rel @p0 .LBB2_1-.Ltmp1, $4  }
0x3a: {  	[hbm4b:s7+s12] =	stream.strided.scatter [tilespmem:s10], [sflag:$0x1], $0x280, s10, s12, $0x38;
	[tilespmem:$0x600] =	vst v63  }
0x3b: {  	_ =	swait.ge [sflag:s11], $0x280  }
0x3c: {  	[sflag:s11] =	ssyncset.done $0x0  }
0x3d: {  	[sflag:s11] =	ssyncadd.s32 $0xFFFFFD80  }
0x3e: {  	_ =	sfence.sel $0x180000  }
0x3f: {  	[bflag:$0x0] =	sbarrier.arrive $0xFFFF  }
0x40: {  	p0 =	sne.s32 s4, $0x0;
	_ =	strace $0x90000047  }
0x41: {  	s0 =	sadd.s32 @!p0 $0x100000, s0;
	[bflag:$0x2] =	sbarrier.arrive $0xFFFF  }
0x42: {  	[sflag:s0] =	ssyncadd.tile.s32 @!p0 $0x1;
	_ =	shalt  }
.Lfunc_end2:
_tile_overlayer_lowered:
.L_overlay_start_2:
0x43: {  	(tag) =	ssettag $0x2  }
0x44: {  	s0 =	rddreg [dreg:$0x0];
	s2 =	stileid.u32  }
0x45: {  	s1 =	rddreg [dreg:$0x1];
	p0 =	sne.s32 s2, $0x0  }
0x46: {  	s3 =	rddreg [dreg:$0x2];
	[bflag:$0x3] =	sbarrier.arrive $0xFFFF;
	s2 =	simm.s32 @!p0 $0x1C01  }
0x47: {  	[timem:s3], [sflag:s2] =	dma.local @!p0 [hbm:s0], s1  }
0x48: {  	s0 =	simm.s32 @!p0 $0x1  }
0x49: {  	_ =	swait.ge @!p0 [sflag:s0], s1  }
0x4a: {  	s1 =	ssub.s32 @!p0 $0x0, s1;
	[sflag:s0] =	ssyncset.done @!p0 $0x0  }
0x4b: {  	[sflag:s0] =	ssyncadd.s32 @!p0 s1  }
0x4c: {  	[bflag:$0x3] =	sbarrier.arrive $0xFFFF  }
0x4d: {  	_ =	shalt  }

// kernel: kernel.15.cloned.1.call-start
scs
__scs_entry_jumppad:
0x0: {  	(pc) =	sbr.rel $0x88, $3  }
0x1: {  	(tag) =	ssettag $0x0;
	lr =	simm.s32 $0x1  }
0x2: {  	[smem:$0x3F92] =	sst lr;
	_ =	strace $0xD0000000  }
0x3: {  	_ = 	snop  }
0x4: {  	_ = 	snop  }
0x5: {  	_ = 	snop  }
0x6: {  	_ = 	snop  }
0x7: {  	_ = 	snop  }
__scs_overlays_trampoline_lowered:
0x8: {  	[smem:$0x3FA1] =	sst s0  }
0x9: {  	[smem:$0x3FA2] =	sst s1  }
0xa: {  	[smem:$0x3FA3] =	sst s2  }
0xb: {  	[smem:$0x3FA4] =	sst s3  }
0xc: {  	[smem:$0x3FA5] =	sst s4  }
0xd: {  	[smem:$0x3FA6] =	sst s5  }
0xe: {  	[smem:$0x3FA7] =	sst s6  }
0xf: {  	[smem:$0x3FA8] =	sst s7  }
0x10: {  	[smem:$0x3FA9] =	sst s8  }
0x11: {  	[smem:$0x3FAA] =	sst s9;
	s0 =	simm.s32 @!p0 $0x0  }
0x12: {  	s1 =	sld [smem:$0x3F90];
	s0 =	simm.s32 @p0 $0x1  }
0x13: {  	[smem:$0x3FAB] =	sst s0;
	s0 =	simm.s32 @!p1 $0x0  }
0x14: {  	s2 =	sld [smem:$0x3F8F];
	s0 =	simm.s32 @p1 $0x1  }
0x15: {  	[smem:$0x3FAC] =	sst s0;
	s0 =	simm.s32 @!p2 $0x0  }
0x16: {  	s3 =	sld [smem:$0x3FDB];
	s0 =	simm.s32 @p2 $0x1  }
0x17: {  	s4 =	simm.s32 $0x1BF5;
	[smem:$0x3FAE] =	sst s0  }
0x18: {  	s0 =	sld [smem:$0x3F91];
	_ =	swait.ge [sflag:s4], $0x0  }
0x19: {  	s7 =	sld [smem:$0x3F92]  }
0x1a: {  	s8 =	sadd.s32 $0xFFFFE003, lr  }
0x1b: {  	s9 =	sadd.s32 $0xFFFFFEF7, lr;
	s5 =	simm.s32 $0xFFFFFFFF;
	p2 =	slt.u32 s8, $0xFFFFF086  }
0x1c: {  	p1 =	slt.u32 s9, $0xF7A;
	s5 =	simm.s32 @!p2 $0x0  }
0x1d: {  	s5 =	simm.s32 @p1 $0x1;
	p0 =	seq.s32 s7, s2  }
0x1e: {  	s7 =	smul.u32 @!p0 $0xF7A, s2;
	p2 =	seq.s32 @!p0 s5, $0x0  }
0x1f: {  	s9 =	smul.u32 $0xF7A, s1;
	s8 =	simm.s32 @!p0 $0x1BF5;
	p2 =	por !p2, p0  }
0x20: {  	[sflag:s8] =	ssyncset.s32 @!p0 $0xFFFFF086;
	s6 =	sadd.s32 @!p0 s3, s7;
	s7 =	simm.s32 @!p0 $0x108  }
0x21: {  	s3 =	sadd.s32 s3, s9;
	s6 =	sadd.s32 @!p0 $0x88, s6;
	s7 =	simm.s32 @p2 $0x1082  }
0x22: {  	[simem:s7], [sflag:s8] =	dma.local @!p0 [hbm:s6], $0xF7A  }
0x23: {  	s9 =	sor.u32 $0xD0000000, s2;
	s6 =	simm.s32 $0x108;
	_ =	swait.ge @!p0 [sflag:s8], $0x0  }
0x24: {  	s3 =	sadd.s32 $0x88, s3;
	s6 =	simm.s32 @!p1 $0x1082;
	[sflag:s4] =	ssyncset.s32 $0xFFFFF086  }
0x25: {  	[simem:s6], [sflag:s4] =	dma.local [hbm:s3], $0xF7A  }
0x26: {  	[smem:$0x3F92] =	sst s1;
	(tag) =	ssettag s2;
	_ =	strace s9  }
0x27: {  	s1 =	sld [smem:$0x3FA2]  }
0x28: {  	s2 =	sld [smem:$0x3FA3]  }
0x29: {  	s4 =	sld [smem:$0x3FA5]  }
0x2a: {  	p0 =	seq.s32 s5, $0x0;
	s5 =	sld [smem:$0x3FA6]  }
0x2b: {  	s6 =	sld [smem:$0x3FA7]  }
0x2c: {  	s7 =	sld [smem:$0x3FA8]  }
0x2d: {  	s3 =	simm.s32 $0x108;
	s8 =	sld [smem:$0x3FA9]  }
0x2e: {  	s3 =	simm.s32 @!p0 $0x1082;
	s9 =	sld [smem:$0x3FAA]  }
0x2f: {  	lr =	sadd.s32 s0, s3;
	s0 =	sld [smem:$0x3FA1]  }
0x30: {  	s3 =	sld [smem:$0x3FA4]  }
0x31: {  	[smem:$0x3FAD] =	sst s10  }
0x32: {  	s10 =	sld [smem:$0x3FAB];
	_ =	sdelay $0x3  }
0x33: {  	p0 =	seq.s32 s10, $0x1;
	s10 =	sld [smem:$0x3FAD];
	_ =	sdelay $0x3  }
0x34: {  	[smem:$0x3FAD] =	sst s10  }
0x35: {  	s10 =	sld [smem:$0x3FAC];
	_ =	sdelay $0x3  }
0x36: {  	p1 =	seq.s32 s10, $0x1;
	s10 =	sld [smem:$0x3FAD];
	_ =	sdelay $0x3  }
0x37: {  	[smem:$0x3FAD] =	sst s10  }
0x38: {  	s10 =	sld [smem:$0x3FAE]  }
0x39: {  	_ = 	snop;
	(pc) =	sbr.ind lr, $3  }
0x3a: {  	_ = 	snop  }
0x3b: {  	_ = 	snop  }
0x3c: {  	p2 =	seq.s32 s10, $0x1;
	s10 =	sld [smem:$0x3FAD]  }
0x3d: {  	_ =	shalt  }
0x3e: {  	_ =	shalt  }
0x3f: {  	_ =	shalt  }
0x40: {  	_ =	shalt  }
0x41: {  	_ =	shalt  }
0x42: {  	_ =	shalt  }
0x43: {  	_ =	shalt  }
0x44: {  	_ =	shalt  }
0x45: {  	_ =	shalt  }
0x46: {  	_ =	shalt  }
0x47: {  	_ =	shalt  }
0x48: {  	_ =	shalt  }
0x49: {  	_ =	shalt  }
0x4a: {  	_ =	shalt  }
0x4b: {  	_ =	shalt  }
0x4c: {  	_ =	shalt  }
0x4d: {  	_ =	shalt  }
0x4e: {  	_ =	shalt  }
0x4f: {  	_ =	shalt  }
0x50: {  	_ =	shalt  }
0x51: {  	_ =	shalt  }
0x52: {  	_ =	shalt  }
0x53: {  	_ =	shalt  }
0x54: {  	_ =	shalt  }
0x55: {  	_ =	shalt  }
0x56: {  	_ =	shalt  }
0x57: {  	_ =	shalt  }
0x58: {  	_ =	shalt  }
0x59: {  	_ =	shalt  }
0x5a: {  	_ =	shalt  }
0x5b: {  	_ =	shalt  }
0x5c: {  	_ =	shalt  }
0x5d: {  	_ =	shalt  }
0x5e: {  	_ =	shalt  }
0x5f: {  	_ =	shalt  }
0x60: {  	_ =	shalt  }
0x61: {  	_ =	shalt  }
0x62: {  	_ =	shalt  }
0x63: {  	_ =	shalt  }
0x64: {  	_ =	shalt  }
0x65: {  	_ =	shalt  }
0x66: {  	_ =	shalt  }
0x67: {  	_ =	shalt  }
0x68: {  	_ =	shalt  }
0x69: {  	_ =	shalt  }
0x6a: {  	_ =	shalt  }
0x6b: {  	_ =	shalt  }
0x6c: {  	_ =	shalt  }
0x6d: {  	_ =	shalt  }
0x6e: {  	_ =	shalt  }
0x6f: {  	_ =	shalt  }
0x70: {  	_ =	shalt  }
0x71: {  	_ =	shalt  }
0x72: {  	_ =	shalt  }
0x73: {  	_ =	shalt  }
0x74: {  	_ =	shalt  }
0x75: {  	_ =	shalt  }
0x76: {  	_ =	shalt  }
0x77: {  	_ =	shalt  }
0x78: {  	_ =	shalt  }
0x79: {  	_ =	shalt  }
0x7a: {  	_ =	shalt  }
0x7b: {  	_ =	shalt  }
0x7c: {  	_ =	shalt  }
0x7d: {  	_ =	shalt  }
0x7e: {  	_ =	shalt  }
0x7f: {  	_ =	shalt  }
0x80: {  	_ =	shalt  }
0x81: {  	_ =	shalt  }
0x82: {  	_ =	shalt  }
0x83: {  	_ =	shalt  }
0x84: {  	_ =	shalt  }
0x85: {  	_ =	shalt  }
0x86: {  	_ =	shalt  }
0x87: {  	_ =	shalt  }
.Lfunc_end0:
.L_simem_size_0:
called_computation.1_lowered:
.L_overlay_start_0:
0x88: {  	s2 =	sld [smem:$0x3FD9]  }
0x89: {  	s3 =	sld [smem:$0x3FFE];
	_ =	sdelay $0x1  }
0x8a: {  	s1 =	srdreg.scid  }
0x8b: {  	s0 =	sand.u32 $0x1, s1  }
0x8c: {  	s16 =	sshll.u32 s0, $0xA;
	s2 =	sadd.s32 s3, s2  }
0x8d: {  	s2 =	sadd.s32 s2, s16  }
0x8e: {  	[smem:$0x3FB9] =	sst s2  }
0x8f: {  	_ = 	snop  }
0x90: {  	(tm) =	ssettm $0x1  }
0x91: {  	s17 =	sld [smem:$0x3FFB];
	_ =	sdelay $0x3  }
0x92: {  	_ =	strace s17  }
0x93: {  	s2 =	sld [smem:$0x3FFC];
	_ =	sdelay $0x3  }
0x94: {  	_ =	strace s2  }
0x95: {  	s2 =	sld [smem:$0x3FFD];
	_ =	sdelay $0x3  }
0x96: {  	_ =	strace s2  }
0x97: {  	_ =	strace $0x8FFFFFFF  }
0x98: {  	s18 =	sld [smem:$0x3FDB];
	_ =	sdelay $0x1  }
0x99: {  	s19 =	simm.s32 $_scs_section_size  }
0x9a: {  	s4 =	simm.s32 $_size__tile_overlayer_lowered;
	s5 =	simm.s32 $_tile_overlayer_lowered  }
0x9b: {  	s22 =	simm.s32 $0x1BFF;
	s21 =	sshll.u32 s5, $0x1;
	s2 =	sadd.s32 s19, s18  }
0x9c: {  	s6 =	simm.s32 $0x0;
	s20 =	sshll.u32 s4, $0x1;
	s4 =	sadd.s32 s21, s2  }
0x9d: {  	[timem:s6], [sflag:s22] =	dma.local [hbm:s4], s20  }
0x9e: {  	_ =	swait.ge [sflag:s22], s20  }
0x9f: {  	s3 =	ssub.s32 $0x0, s20;
	[sflag:s22] =	ssyncset.done $0x0  }
0xa0: {  	[sflag:s22] =	ssyncadd.s32 s3;
	_ =	sdelay $0x1  }
0xa1: {  	s23 =	simm.s32 $0x1B8B  }
0xa2: {  	_ =	swait.ge [sflag:s23], $0x1  }
0xa3: {  	[sflag:s23] =	ssyncset.done $0x0  }
0xa4: {  	s25 =	simm.s32 $0x1B8E;
	s24 =	sld [smem:$0x3FFE];
	[sflag:s23] =	ssyncadd.s32 $0xFFFFFFFF  }
0xa5: {  	s26 =	simm.s32 $execute0_lowered;
	[smem:$0x3FD2] =	sst s25  }
0xa6: {  	s4 =	sshll.u32 s26, $0x1;
	_ =	strace $0x80000049;
	[dreg:$0x1] =	wrdreg $0xFFFFFFFF  }
0xa7: {  	s28 =	simm.s32 $_size_execute0_lowered;
	s2 =	sadd.s32 s2, s4;
	[dreg:$0x0] =	wrdreg $0x0  }
0xa8: {  	s4 =	sshll.u32 s28, $0x1;
	[dreg:$0x2] =	wrdreg s2  }
0xa9: {  	[dreg:$0x3] =	wrdreg s4  }
0xaa: {  	[dreg:$0x4] =	wrdreg $0xC0  }
0xab: {  	_ =	task [dreg:s6], $0x5FFFF  }
0xac: {  	[dreg:$0x1] =	wrdreg $0xFFFFFFFF  }
0xad: {  	[dreg:$0x0] =	wrdreg $0x60  }
0xae: {  	[dreg:$0x2] =	wrdreg s24  }
0xaf: {  	[dreg:$0x3] =	wrdreg $0x81000  }
0xb0: {  	[dreg:$0x4] =	wrdreg $0x9  }
0xb1: {  	_ =	task.clear_ibuf [dreg:s6], $0x5FFFF;
	_ =	strace $0x90000049  }
0xb2: {  	s29 =	simm.s32 $0x9;
	_ =	strace $0x8000004B  }
0xb3: {  	_ =	swait.ge [sflag:s29], $0x1  }
0xb4: {  	[sflag:s29] =	ssyncadd.s32 $0xFFFFFFFF  }
0xb5: {  	_ =	strace $0x9000004B  }
0xb6: {  	_ =	sfence  }
0xb7: {  	s30 =	sld [smem:$0x0];
	_ =	sdelay $0x2  }
0xb8: {  	s31 =	sshll.u32 s1, $0xD;
	s1 =	sshrl.u32 s1, $0x2  }
0xb9: {  	s3 =	sand.u32 $0x4000, s31;
	s1 =	sadd.s32 s1, s30  }
0xba: {  	s0 =	sor.u32 s3, s0;
	s1 =	sshll.u32 s1, $0x11  }
0xbb: {  	s0 =	sor.u32 s1, s0  }
0xbc: {  	s0 =	sadd.s32 $0x8F2B, s0  }
0xbd: {  	[sflag:s0] =	ssyncadd.remote.s32 $0x1  }
0xbe: {  	_ =	sfence.sel $0xFFFF  }
0xbf: {  	[dreg:$0x0] =	wrdreg $0xFFFFFFFF;
	(pc) =	sbr.abs _section_cstart, $3  }
0xc0: {  	[dreg:$0x1] =	wrdreg $0xFFFFFFFF  }
0xc1: {  	_ =	task.clear_ibuf [dreg:s6], $0x2FFFF;
	_ =	strace $0x9FFFFFFF  }
0xc2: {  	(tm) =	ssettm $0x7FFFFFFF  }
0xc3: {  	_ =	shalt  }
tec
execute0_lowered:
.L_overlay_start_1:
0x0: {  	(tag) =	ssettag $0x1  }
0x1: {  	s6 =	rddreg [dreg:$0x0]  }
0x2: {  	s1 =	rddreg [dreg:$0x1]  }
0x3: {  	s0 =	rddreg [dreg:$0x2];
	s2 =	simm.s32 $0x0;
	s3 =	srdreg.scid  }
0x4: {  	s20 =	simm.s32 $0x2;
	s21 =	simm.s32 $0x80;
	s8 =	sand.u32 $0x1, s3  }
0x5: {  	s22 =	simm.s32 $0x100;
	s3 =	stileid.u32;
	s5 =	smul.u32 $0x4F00, s8  }
0x6: {  	s23 =	simm.s32 $0x1;
	s24 =	simm.s32 $0x0;
	s7 =	smul.u32 $0x50000, s3  }
0x7: {  	[smem:$0x7FF] =	sst s2;
	s4 =	sadd.s32 $0x18000, s6;
	s11 =	smul.u32 $0x14000, s3  }
0x8: {  	s15 =	sadd.s32 $0x40000, s6;
	s29 =	ssub.s32 $0x2, s8;
	s18 =	smul.u32 $0x140000, s8  }
0x9: {  	_ =	strace $0x8000004A;
	s30 =	smul.u32 $0x4F0, s3;
	s9 =	sshrl.u32 s29, $0x1  }
0xa: {  	s16 =	sadd.s32 s5, s6;
	s5 =	sadd.s32 $0xD800, s6;
	s7 =	sshrl.u32 s7, $0x2  }
0xb: {  	s12 =	sadd.s32 $0x4000, s11;
	s17 =	ssub.s32 s29, s9;
	s13 =	sadd.s32 $0x8000, s11  }
0xc: {  	s14 =	sadd.s32 $0xC000, s11;
	s19 =	sadd.s32 $0x10000, s11;
	s11 =	sadd.s32 s11, s18  }
0xd: {  	s6 =	sadd.s32 s7, s1;
	s7 =	sadd.s32 s12, s1;
	s8 =	sadd.s32 s13, s1  }
0xe: {  	s9 =	sadd.s32 s14, s1;
	s10 =	sadd.s32 s19, s1;
	s12 =	sadd.s32 s18, s12  }
0xf: {  	s11 =	sshrl.u32 s11, $0x3;
	s13 =	sadd.s32 s18, s13;
	s14 =	sadd.s32 s18, s14  }
0x10: {  	s18 =	sadd.s32 s18, s19;
	s31 =	sadd.s32 s30, s16;
	s16 =	smax.u32 s17, $0x1  }
0x11: {  	s19 =	simm.s32 $0x4100;
	s12 =	sshrl.u32 s12, $0x3;
	s11 =	sadd.s32 s15, s11  }
0x12: {  	s13 =	sshrl.u32 s13, $0x3;
	s14 =	sshrl.u32 s14, $0x3;
	s18 =	sshrl.u32 s18, $0x3  }
0x13: {  	s17 =	sadd.s32 $0x3A00, s31;
	s12 =	sadd.s32 s15, s12;
	s13 =	sadd.s32 s15, s13  }
0x14: {  	s14 =	sadd.s32 s15, s14;
	s15 =	sadd.s32 s15, s18;
	s18 =	sadd.s32 $0xE200, s31  }
.LBB2_1:
0x15: {  	[tilespmem:s19], [sflag:$0x2] =	stream.linear.gather [hbm4b:s5+s2], $0x4000, $0x38;
	[tilespmem:$0x1C100] =	vst v63  }
0x16: {  	_ =	swait.ge [sflag:s20], $0x4000  }
0x17: {  	[sflag:s20] =	ssyncset.done $0x0  }
0x18: {  	[sflag:s20] =	ssyncadd.s32 $0xFFFFC000  }
0x19: {  	[spmem:s6] =	stream.linear.scatter [tilespmem:s19], [sflag:$0x2], $0x4000, $0x38;
	[tilespmem:$0x1C100] =	vst v63  }
0x1a: {  	_ =	swait.ge [sflag:s20], $0x4000  }
0x1b: {  	[sflag:s20] =	ssyncset.done $0x0  }
0x1c: {  	[sflag:s20] =	ssyncadd.s32 $0xFFFFC000  }
0x1d: {  	[spmem:s7] =	stream.linear.scatter [tilespmem:s19], [sflag:$0x2], $0x4000, $0x38;
	[tilespmem:$0x1C100] =	vst v63  }
0x1e: {  	_ =	swait.ge [sflag:s20], $0x4000  }
0x1f: {  	[sflag:s20] =	ssyncset.done $0x0  }
0x20: {  	[sflag:s20] =	ssyncadd.s32 $0xFFFFC000  }
0x21: {  	[spmem:s8] =	stream.linear.scatter [tilespmem:s19], [sflag:$0x2], $0x4000, $0x38;
	[tilespmem:$0x1C100] =	vst v63  }
0x22: {  	_ =	swait.ge [sflag:s20], $0x4000  }
0x23: {  	[sflag:s20] =	ssyncset.done $0x0  }
0x24: {  	[sflag:s20] =	ssyncadd.s32 $0xFFFFC000  }
0x25: {  	[spmem:s9] =	stream.linear.scatter [tilespmem:s19], [sflag:$0x2], $0x4000, $0x38;
	[tilespmem:$0x1C100] =	vst v63  }
0x26: {  	_ =	swait.ge [sflag:s20], $0x4000  }
0x27: {  	[sflag:s20] =	ssyncset.done $0x0  }
0x28: {  	[sflag:s20] =	ssyncadd.s32 $0xFFFFC000  }
0x29: {  	[spmem:s10] =	stream.linear.scatter [tilespmem:s19], [sflag:$0x2], $0x4000, $0x38;
	[tilespmem:$0x1C100] =	vst v63  }
0x2a: {  	_ =	swait.ge [sflag:s20], $0x4000  }
0x2b: {  	[sflag:s20] =	ssyncset.done $0x0  }
0x2c: {  	[sflag:s20] =	ssyncadd.s32 $0xFFFFC000  }
0x2d: {  	s25 =	sadd.s32 $0x0, s18;
	[bflag:$0x0] =	sbarrier.arrive $0xFFFF  }
0x2e: {  	[tilespmem:s2], [sflag:$0x2] =	stream.linear.gather [hbm4b:s25+s2], $0x80, $0x38;
	[tilespmem:$0x1C100] =	vst v63  }
0x2f: {  	_ =	swait.ge [sflag:s20], $0x80  }
0x30: {  	[sflag:s20] =	ssyncset.done $0x0  }
0x31: {  	s31 =	sadd.s32 $0x0, s17;
	[sflag:s20] =	ssyncadd.s32 $0xFFFFFF80  }
0x32: {  	[tilespmem:s21], [sflag:$0x2] =	stream.linear.gather [hbm4b:s31+s2], $0x80, $0x38;
	[tilespmem:$0x1C100] =	vst v63  }
0x33: {  	_ =	swait.ge [sflag:s20], $0x80  }
0x34: {  	[sflag:s20] =	ssyncset.done $0x0  }
0x35: {  	[sflag:s20] =	ssyncadd.s32 $0xFFFFFF80  }
0x36: {  	[tilespmem:s22], [sflag:$0x1] =	stream.indirect.gather [hbm4b:s4+s21], $0x80, s2, s21, $0xb8;
	[tilespmem:$0x1C100] =	vst v63  }
0x37: {  	_ =	swait.ge [sflag:s23], $0x4000  }
0x38: {  	[sflag:s23] =	ssyncset.done $0x0  }
0x39: {  	[sflag:s23] =	ssyncadd.s32 $0xFFFFC000  }
0x3a: {  	[spmem:s1] =	stream.indirect.scatter.add.f32 [tilespmem:s22], [sflag:$0x2], $0x80, s21, s21, $0xb8;
	[tilespmem:$0x1C100] =	vst v63  }
0x3b: {  	_ =	swait.ge [sflag:s20], $0x4000  }
0x3c: {  	s26 =	simm.s32 $0x20;
	s25 =	simm.s32 $0x10;
	[sflag:s20] =	ssyncset.done $0x0  }
.LBB2_2:
0x3d: {  	s28 =	sadd.s32 s25, s18  }
0x3e: {  	[sflag:s20] =	ssyncadd.s32 $0xFFFFC000;
	s29 =	smov.u32 s26;
	s30 =	sadd.s32 $0x10, s26  }
0x3f: {  	[tilespmem:s2], [sflag:$0x2] =	stream.linear.gather [hbm4b:s28+s2], $0x80, $0x38;
	[tilespmem:$0x1C100] =	vst v63  }
0x40: {  	p0 =	sne.s32 s26, $0x4E0;
	_ =	swait.ge [sflag:s20], $0x80  }
0x41: {  	[sflag:s20] =	ssyncset.done $0x0  }
0x42: {  	s26 =	sadd.s32 s25, s17;
	s25 =	smov.u32 s29;
	[sflag:s20] =	ssyncadd.s32 $0xFFFFFF80  }
0x43: {  	[tilespmem:s21], [sflag:$0x2] =	stream.linear.gather [hbm4b:s26+s2], $0x80, $0x38;
	[tilespmem:$0x1C100] =	vst v63  }
0x44: {  	_ =	swait.ge [sflag:s20], $0x80  }
0x45: {  	[sflag:s20] =	ssyncset.done $0x0  }
0x46: {  	[sflag:s20] =	ssyncadd.s32 $0xFFFFFF80  }
0x47: {  	[tilespmem:s22], [sflag:$0x1] =	stream.indirect.gather [hbm4b:s4+s21], $0x80, s2, s21, $0xb8;
	[tilespmem:$0x1C100] =	vst v63  }
0x48: {  	_ =	swait.ge [sflag:s23], $0x4000  }
.Ltmp0:
0x49: {  	[sflag:s23] =	ssyncset.done $0x0;
	(pc) =	sbr.rel @p0 .LBB2_2-.Ltmp0, $4  }
0x4a: {  	[sflag:s23] =	ssyncadd.s32 $0xFFFFC000  }
0x4b: {  	[spmem:s1] =	stream.indirect.scatter.add.f32 [tilespmem:s22], [sflag:$0x2], $0x80, s21, s21, $0xb8;
	[tilespmem:$0x1C100] =	vst v63  }
0x4c: {  	_ =	swait.ge [sflag:s20], $0x4000  }
0x4d: {  	s26 =	smov.u32 s30;
	[sflag:s20] =	ssyncset.done $0x0  }
0x4e: {  	s26 =	sadd.s32 s25, s18;
	[sflag:s20] =	ssyncadd.s32 $0xFFFFC000  }
0x4f: {  	[tilespmem:s2], [sflag:$0x2] =	stream.linear.gather [hbm4b:s26+s2], $0x80, $0x38;
	[tilespmem:$0x1C100] =	vst v63  }
0x50: {  	_ =	swait.ge [sflag:s20], $0x80  }
0x51: {  	[sflag:s20] =	ssyncset.done $0x0  }
0x52: {  	s31 =	sadd.s32 s25, s17;
	[sflag:s20] =	ssyncadd.s32 $0xFFFFFF80  }
0x53: {  	[tilespmem:s21], [sflag:$0x2] =	stream.linear.gather [hbm4b:s31+s2], $0x80, $0x38;
	[tilespmem:$0x1C100] =	vst v63  }
0x54: {  	_ =	swait.ge [sflag:s20], $0x80  }
0x55: {  	[sflag:s20] =	ssyncset.done $0x0  }
0x56: {  	[sflag:s20] =	ssyncadd.s32 $0xFFFFFF80  }
0x57: {  	[tilespmem:s22], [sflag:$0x1] =	stream.indirect.gather [hbm4b:s4+s21], $0x80, s2, s21, $0xb8;
	[tilespmem:$0x1C100] =	vst v63  }
0x58: {  	_ =	swait.ge [sflag:s23], $0x4000  }
0x59: {  	[sflag:s23] =	ssyncset.done $0x0  }
0x5a: {  	[sflag:s23] =	ssyncadd.s32 $0xFFFFC000  }
0x5b: {  	[spmem:s1] =	stream.indirect.scatter.add.f32 [tilespmem:s22], [sflag:$0x2], $0x80, s21, s21, $0xb8;
	[tilespmem:$0x1C100] =	vst v63  }
0x5c: {  	_ =	swait.ge [sflag:s20], $0x4000  }
0x5d: {  	[sflag:s20] =	ssyncset.done $0x0  }
0x5e: {  	[sflag:s20] =	ssyncadd.s32 $0xFFFFC000  }
0x5f: {  	[bflag:$0x0] =	sbarrier.arrive $0xFFFF  }
0x60: {  	[tilespmem:s22], [sflag:$0x2] =	stream.linear.gather [spmem:s6], $0x4000, $0x38;
	[tilespmem:$0x1C100] =	vst v63  }
0x61: {  	_ =	swait.ge [sflag:s20], $0x4000  }
0x62: {  	[sflag:s20] =	ssyncset.done $0x0  }
0x63: {  	[sflag:s20] =	ssyncadd.s32 $0xFFFFC000  }
0x64: {  	[hbm4b:s11+s2] =	stream.linear.scatter [tilespmem:s22], [sflag:$0x2], $0x4000, $0x38;
	[tilespmem:$0x1C100] =	vst v63  }
0x65: {  	_ =	swait.ge [sflag:s20], $0x4000  }
0x66: {  	[sflag:s20] =	ssyncset.done $0x0  }
0x67: {  	[sflag:s20] =	ssyncadd.s32 $0xFFFFC000  }
0x68: {  	[tilespmem:s22], [sflag:$0x2] =	stream.linear.gather [spmem:s7], $0x4000, $0x38;
	[tilespmem:$0x1C100] =	vst v63  }
0x69: {  	_ =	swait.ge [sflag:s20], $0x4000  }
0x6a: {  	[sflag:s20] =	ssyncset.done $0x0  }
0x6b: {  	[sflag:s20] =	ssyncadd.s32 $0xFFFFC000  }
0x6c: {  	[hbm4b:s12+s2] =	stream.linear.scatter [tilespmem:s22], [sflag:$0x2], $0x4000, $0x38;
	[tilespmem:$0x1C100] =	vst v63  }
0x6d: {  	_ =	swait.ge [sflag:s20], $0x4000  }
0x6e: {  	[sflag:s20] =	ssyncset.done $0x0  }
0x6f: {  	[sflag:s20] =	ssyncadd.s32 $0xFFFFC000  }
0x70: {  	[tilespmem:s22], [sflag:$0x2] =	stream.linear.gather [spmem:s8], $0x4000, $0x38;
	[tilespmem:$0x1C100] =	vst v63  }
0x71: {  	_ =	swait.ge [sflag:s20], $0x4000  }
0x72: {  	[sflag:s20] =	ssyncset.done $0x0  }
0x73: {  	[sflag:s20] =	ssyncadd.s32 $0xFFFFC000  }
0x74: {  	[hbm4b:s13+s2] =	stream.linear.scatter [tilespmem:s22], [sflag:$0x2], $0x4000, $0x38;
	[tilespmem:$0x1C100] =	vst v63  }
0x75: {  	_ =	swait.ge [sflag:s20], $0x4000  }
0x76: {  	[sflag:s20] =	ssyncset.done $0x0  }
0x77: {  	[sflag:s20] =	ssyncadd.s32 $0xFFFFC000  }
0x78: {  	[tilespmem:s22], [sflag:$0x2] =	stream.linear.gather [spmem:s9], $0x4000, $0x38;
	[tilespmem:$0x1C100] =	vst v63  }
0x79: {  	_ =	swait.ge [sflag:s20], $0x4000  }
0x7a: {  	[sflag:s20] =	ssyncset.done $0x0  }
0x7b: {  	[sflag:s20] =	ssyncadd.s32 $0xFFFFC000  }
0x7c: {  	[hbm4b:s14+s2] =	stream.linear.scatter [tilespmem:s22], [sflag:$0x2], $0x4000, $0x38;
	[tilespmem:$0x1C100] =	vst v63  }
0x7d: {  	_ =	swait.ge [sflag:s20], $0x4000  }
0x7e: {  	[sflag:s20] =	ssyncset.done $0x0  }
0x7f: {  	[sflag:s20] =	ssyncadd.s32 $0xFFFFC000  }
0x80: {  	[tilespmem:s22], [sflag:$0x2] =	stream.linear.gather [spmem:s10], $0x4000, $0x38;
	[tilespmem:$0x1C100] =	vst v63  }
0x81: {  	s24 =	sadd.s32 $0x1, s24;
	_ =	swait.ge [sflag:s20], $0x4000  }
0x82: {  	p0 =	sne.s32 s24, s16;
	[sflag:s20] =	ssyncset.done $0x0  }
.Ltmp1:
0x83: {  	[sflag:s20] =	ssyncadd.s32 $0xFFFFC000;
	(pc) =	sbr.rel @p0 .LBB2_1-.Ltmp1, $4  }
0x84: {  	[hbm4b:s15+s2] =	stream.linear.scatter [tilespmem:s22], [sflag:$0x2], $0x4000, $0x38;
	[tilespmem:$0x1C100] =	vst v63  }
0x85: {  	_ =	swait.ge [sflag:s20], $0x4000  }
0x86: {  	[sflag:s20] =	ssyncset.done $0x0  }
0x87: {  	[sflag:s20] =	ssyncadd.s32 $0xFFFFC000  }
0x88: {  	_ =	sfence.sel $0x180000  }
0x89: {  	[bflag:$0x0] =	sbarrier.arrive $0xFFFF  }
0x8a: {  	p0 =	sne.s32 s3, $0x0;
	_ =	strace $0x9000004A  }
0x8b: {  	s0 =	sadd.s32 @!p0 $0x100000, s0;
	[bflag:$0x2] =	sbarrier.arrive $0xFFFF  }
0x8c: {  	[sflag:s0] =	ssyncadd.tile.s32 @!p0 $0x1;
	_ =	shalt  }
.Lfunc_end2:
_tile_overlayer_lowered:
.L_overlay_start_2:
0x8d: {  	(tag) =	ssettag $0x2  }
0x8e: {  	s0 =	rddreg [dreg:$0x0];
	s2 =	stileid.u32  }
0x8f: {  	s1 =	rddreg [dreg:$0x1];
	p0 =	sne.s32 s2, $0x0  }
0x90: {  	s3 =	rddreg [dreg:$0x2];
	[bflag:$0x3] =	sbarrier.arrive $0xFFFF;
	s2 =	simm.s32 @!p0 $0x1C02  }
0x91: {  	[timem:s3], [sflag:s2] =	dma.local @!p0 [hbm:s0], s1  }
0x92: {  	s0 =	simm.s32 @!p0 $0x2  }
0x93: {  	_ =	swait.ge @!p0 [sflag:s0], s1  }
0x94: {  	s1 =	ssub.s32 @!p0 $0x0, s1;
	[sflag:s0] =	ssyncset.done @!p0 $0x0  }
0x95: {  	[sflag:s0] =	ssyncadd.s32 @!p0 s1  }
0x96: {  	[bflag:$0x3] =	sbarrier.arrive $0xFFFF  }
0x97: {  	_ =	shalt  }

// kernel: kernel.18.cloned.1.call-start
scs
__scs_entry_jumppad:
0x0: {  	(pc) =	sbr.rel $0x88, $3  }
0x1: {  	(tag) =	ssettag $0x0;
	lr =	simm.s32 $0x1  }
0x2: {  	[smem:$0x3F92] =	sst lr;
	_ =	strace $0xD0000000  }
0x3: {  	_ = 	snop  }
0x4: {  	_ = 	snop  }
0x5: {  	_ = 	snop  }
0x6: {  	_ = 	snop  }
0x7: {  	_ = 	snop  }
__scs_overlays_trampoline_lowered:
0x8: {  	[smem:$0x3FA1] =	sst s0  }
0x9: {  	[smem:$0x3FA2] =	sst s1  }
0xa: {  	[smem:$0x3FA3] =	sst s2  }
0xb: {  	[smem:$0x3FA4] =	sst s3  }
0xc: {  	[smem:$0x3FA5] =	sst s4  }
0xd: {  	[smem:$0x3FA6] =	sst s5  }
0xe: {  	[smem:$0x3FA7] =	sst s6  }
0xf: {  	[smem:$0x3FA8] =	sst s7  }
0x10: {  	[smem:$0x3FA9] =	sst s8  }
0x11: {  	[smem:$0x3FAA] =	sst s9;
	s0 =	simm.s32 @!p0 $0x0  }
0x12: {  	s1 =	sld [smem:$0x3F90];
	s0 =	simm.s32 @p0 $0x1  }
0x13: {  	[smem:$0x3FAB] =	sst s0;
	s0 =	simm.s32 @!p1 $0x0  }
0x14: {  	s2 =	sld [smem:$0x3F8F];
	s0 =	simm.s32 @p1 $0x1  }
0x15: {  	[smem:$0x3FAC] =	sst s0;
	s0 =	simm.s32 @!p2 $0x0  }
0x16: {  	s3 =	sld [smem:$0x3FDB];
	s0 =	simm.s32 @p2 $0x1  }
0x17: {  	s4 =	simm.s32 $0x1BF5;
	[smem:$0x3FAE] =	sst s0  }
0x18: {  	s0 =	sld [smem:$0x3F91];
	_ =	swait.ge [sflag:s4], $0x0  }
0x19: {  	s7 =	sld [smem:$0x3F92]  }
0x1a: {  	s8 =	sadd.s32 $0xFFFFE003, lr  }
0x1b: {  	s9 =	sadd.s32 $0xFFFFFEF7, lr;
	s5 =	simm.s32 $0xFFFFFFFF;
	p2 =	slt.u32 s8, $0xFFFFF086  }
0x1c: {  	p1 =	slt.u32 s9, $0xF7A;
	s5 =	simm.s32 @!p2 $0x0  }
0x1d: {  	s5 =	simm.s32 @p1 $0x1;
	p0 =	seq.s32 s7, s2  }
0x1e: {  	s7 =	smul.u32 @!p0 $0xF7A, s2;
	p2 =	seq.s32 @!p0 s5, $0x0  }
0x1f: {  	s9 =	smul.u32 $0xF7A, s1;
	s8 =	simm.s32 @!p0 $0x1BF5;
	p2 =	por !p2, p0  }
0x20: {  	[sflag:s8] =	ssyncset.s32 @!p0 $0xFFFFF086;
	s6 =	sadd.s32 @!p0 s3, s7;
	s7 =	simm.s32 @!p0 $0x108  }
0x21: {  	s3 =	sadd.s32 s3, s9;
	s6 =	sadd.s32 @!p0 $0x88, s6;
	s7 =	simm.s32 @p2 $0x1082  }
0x22: {  	[simem:s7], [sflag:s8] =	dma.local @!p0 [hbm:s6], $0xF7A  }
0x23: {  	s9 =	sor.u32 $0xD0000000, s2;
	s6 =	simm.s32 $0x108;
	_ =	swait.ge @!p0 [sflag:s8], $0x0  }
0x24: {  	s3 =	sadd.s32 $0x88, s3;
	s6 =	simm.s32 @!p1 $0x1082;
	[sflag:s4] =	ssyncset.s32 $0xFFFFF086  }
0x25: {  	[simem:s6], [sflag:s4] =	dma.local [hbm:s3], $0xF7A  }
0x26: {  	[smem:$0x3F92] =	sst s1;
	(tag) =	ssettag s2;
	_ =	strace s9  }
0x27: {  	s1 =	sld [smem:$0x3FA2]  }
0x28: {  	s2 =	sld [smem:$0x3FA3]  }
0x29: {  	s4 =	sld [smem:$0x3FA5]  }
0x2a: {  	p0 =	seq.s32 s5, $0x0;
	s5 =	sld [smem:$0x3FA6]  }
0x2b: {  	s6 =	sld [smem:$0x3FA7]  }
0x2c: {  	s7 =	sld [smem:$0x3FA8]  }
0x2d: {  	s3 =	simm.s32 $0x108;
	s8 =	sld [smem:$0x3FA9]  }
0x2e: {  	s3 =	simm.s32 @!p0 $0x1082;
	s9 =	sld [smem:$0x3FAA]  }
0x2f: {  	lr =	sadd.s32 s0, s3;
	s0 =	sld [smem:$0x3FA1]  }
0x30: {  	s3 =	sld [smem:$0x3FA4]  }
0x31: {  	[smem:$0x3FAD] =	sst s10  }
0x32: {  	s10 =	sld [smem:$0x3FAB];
	_ =	sdelay $0x3  }
0x33: {  	p0 =	seq.s32 s10, $0x1;
	s10 =	sld [smem:$0x3FAD];
	_ =	sdelay $0x3  }
0x34: {  	[smem:$0x3FAD] =	sst s10  }
0x35: {  	s10 =	sld [smem:$0x3FAC];
	_ =	sdelay $0x3  }
0x36: {  	p1 =	seq.s32 s10, $0x1;
	s10 =	sld [smem:$0x3FAD];
	_ =	sdelay $0x3  }
0x37: {  	[smem:$0x3FAD] =	sst s10  }
0x38: {  	s10 =	sld [smem:$0x3FAE]  }
0x39: {  	_ = 	snop;
	(pc) =	sbr.ind lr, $3  }
0x3a: {  	_ = 	snop  }
0x3b: {  	_ = 	snop  }
0x3c: {  	p2 =	seq.s32 s10, $0x1;
	s10 =	sld [smem:$0x3FAD]  }
0x3d: {  	_ =	shalt  }
0x3e: {  	_ =	shalt  }
0x3f: {  	_ =	shalt  }
0x40: {  	_ =	shalt  }
0x41: {  	_ =	shalt  }
0x42: {  	_ =	shalt  }
0x43: {  	_ =	shalt  }
0x44: {  	_ =	shalt  }
0x45: {  	_ =	shalt  }
0x46: {  	_ =	shalt  }
0x47: {  	_ =	shalt  }
0x48: {  	_ =	shalt  }
0x49: {  	_ =	shalt  }
0x4a: {  	_ =	shalt  }
0x4b: {  	_ =	shalt  }
0x4c: {  	_ =	shalt  }
0x4d: {  	_ =	shalt  }
0x4e: {  	_ =	shalt  }
0x4f: {  	_ =	shalt  }
0x50: {  	_ =	shalt  }
0x51: {  	_ =	shalt  }
0x52: {  	_ =	shalt  }
0x53: {  	_ =	shalt  }
0x54: {  	_ =	shalt  }
0x55: {  	_ =	shalt  }
0x56: {  	_ =	shalt  }
0x57: {  	_ =	shalt  }
0x58: {  	_ =	shalt  }
0x59: {  	_ =	shalt  }
0x5a: {  	_ =	shalt  }
0x5b: {  	_ =	shalt  }
0x5c: {  	_ =	shalt  }
0x5d: {  	_ =	shalt  }
0x5e: {  	_ =	shalt  }
0x5f: {  	_ =	shalt  }
0x60: {  	_ =	shalt  }
0x61: {  	_ =	shalt  }
0x62: {  	_ =	shalt  }
0x63: {  	_ =	shalt  }
0x64: {  	_ =	shalt  }
0x65: {  	_ =	shalt  }
0x66: {  	_ =	shalt  }
0x67: {  	_ =	shalt  }
0x68: {  	_ =	shalt  }
0x69: {  	_ =	shalt  }
0x6a: {  	_ =	shalt  }
0x6b: {  	_ =	shalt  }
0x6c: {  	_ =	shalt  }
0x6d: {  	_ =	shalt  }
0x6e: {  	_ =	shalt  }
0x6f: {  	_ =	shalt  }
0x70: {  	_ =	shalt  }
0x71: {  	_ =	shalt  }
0x72: {  	_ =	shalt  }
0x73: {  	_ =	shalt  }
0x74: {  	_ =	shalt  }
0x75: {  	_ =	shalt  }
0x76: {  	_ =	shalt  }
0x77: {  	_ =	shalt  }
0x78: {  	_ =	shalt  }
0x79: {  	_ =	shalt  }
0x7a: {  	_ =	shalt  }
0x7b: {  	_ =	shalt  }
0x7c: {  	_ =	shalt  }
0x7d: {  	_ =	shalt  }
0x7e: {  	_ =	shalt  }
0x7f: {  	_ =	shalt  }
0x80: {  	_ =	shalt  }
0x81: {  	_ =	shalt  }
0x82: {  	_ =	shalt  }
0x83: {  	_ =	shalt  }
0x84: {  	_ =	shalt  }
0x85: {  	_ =	shalt  }
0x86: {  	_ =	shalt  }
0x87: {  	_ =	shalt  }
.Lfunc_end0:
.L_simem_size_0:
called_computation.2_lowered:
.L_overlay_start_0:
0x88: {  	s2 =	sld [smem:$0x3FD9]  }
0x89: {  	s3 =	sld [smem:$0x3FFE];
	_ =	sdelay $0x1  }
0x8a: {  	s1 =	srdreg.scid  }
0x8b: {  	s0 =	sand.u32 $0x1, s1  }
0x8c: {  	s16 =	sshll.u32 s0, $0xA;
	s2 =	sadd.s32 s3, s2  }
0x8d: {  	s2 =	sadd.s32 s2, s16  }
0x8e: {  	[smem:$0x3FB9] =	sst s2  }
0x8f: {  	_ = 	snop  }
0x90: {  	(tm) =	ssettm $0x1  }
0x91: {  	s17 =	sld [smem:$0x3FFB];
	_ =	sdelay $0x3  }
0x92: {  	_ =	strace s17  }
0x93: {  	s2 =	sld [smem:$0x3FFC];
	_ =	sdelay $0x3  }
0x94: {  	_ =	strace s2  }
0x95: {  	s2 =	sld [smem:$0x3FFD];
	_ =	sdelay $0x3  }
0x96: {  	_ =	strace s2  }
0x97: {  	_ =	strace $0x8FFFFFFF  }
0x98: {  	s18 =	sld [smem:$0x3FDB];
	_ =	sdelay $0x1  }
0x99: {  	s19 =	simm.s32 $_scs_section_size  }
0x9a: {  	s4 =	simm.s32 $_size__tile_overlayer_lowered;
	s5 =	simm.s32 $_tile_overlayer_lowered  }
0x9b: {  	s22 =	simm.s32 $0x1BFF;
	s21 =	sshll.u32 s5, $0x1;
	s2 =	sadd.s32 s19, s18  }
0x9c: {  	s6 =	simm.s32 $0x0;
	s20 =	sshll.u32 s4, $0x1;
	s4 =	sadd.s32 s21, s2  }
0x9d: {  	[timem:s6], [sflag:s22] =	dma.local [hbm:s4], s20  }
0x9e: {  	_ =	swait.ge [sflag:s22], s20  }
0x9f: {  	s3 =	ssub.s32 $0x0, s20;
	[sflag:s22] =	ssyncset.done $0x0  }
0xa0: {  	[sflag:s22] =	ssyncadd.s32 s3;
	_ =	sdelay $0x1  }
0xa1: {  	s23 =	simm.s32 $0x1B8B  }
0xa2: {  	_ =	swait.ge [sflag:s23], $0x1  }
0xa3: {  	[sflag:s23] =	ssyncset.done $0x0  }
0xa4: {  	s25 =	simm.s32 $0x1B8E;
	s24 =	sld [smem:$0x3FFE];
	[sflag:s23] =	ssyncadd.s32 $0xFFFFFFFF  }
0xa5: {  	s26 =	simm.s32 $execute0_lowered;
	[smem:$0x3FD2] =	sst s25  }
0xa6: {  	s4 =	sshll.u32 s26, $0x1;
	_ =	strace $0x8000004C;
	[dreg:$0x1] =	wrdreg $0xFFFFFFFF  }
0xa7: {  	s28 =	simm.s32 $_size_execute0_lowered;
	s2 =	sadd.s32 s2, s4;
	[dreg:$0x0] =	wrdreg $0x0  }
0xa8: {  	s4 =	sshll.u32 s28, $0x1;
	[dreg:$0x2] =	wrdreg s2  }
0xa9: {  	[dreg:$0x3] =	wrdreg s4  }
0xaa: {  	[dreg:$0x4] =	wrdreg $0xC0  }
0xab: {  	_ =	task [dreg:s6], $0x5FFFF  }
0xac: {  	[dreg:$0x1] =	wrdreg $0xFFFFFFFF  }
0xad: {  	[dreg:$0x0] =	wrdreg $0x60  }
0xae: {  	[dreg:$0x2] =	wrdreg s24  }
0xaf: {  	[dreg:$0x3] =	wrdreg $0x81000  }
0xb0: {  	[dreg:$0x4] =	wrdreg $0x9  }
0xb1: {  	_ =	task.clear_ibuf [dreg:s6], $0x5FFFF;
	_ =	strace $0x9000004C  }
0xb2: {  	s29 =	simm.s32 $0x9;
	_ =	strace $0x8000004E  }
0xb3: {  	_ =	swait.ge [sflag:s29], $0x1  }
0xb4: {  	[sflag:s29] =	ssyncadd.s32 $0xFFFFFFFF  }
0xb5: {  	_ =	strace $0x9000004E  }
0xb6: {  	_ =	sfence  }
0xb7: {  	s30 =	sld [smem:$0x0];
	_ =	sdelay $0x2  }
0xb8: {  	s31 =	sshll.u32 s1, $0xD;
	s1 =	sshrl.u32 s1, $0x2  }
0xb9: {  	s3 =	sand.u32 $0x4000, s31;
	s1 =	sadd.s32 s1, s30  }
0xba: {  	s0 =	sor.u32 s3, s0;
	s1 =	sshll.u32 s1, $0x11  }
0xbb: {  	s0 =	sor.u32 s1, s0  }
0xbc: {  	s0 =	sadd.s32 $0x8F2B, s0  }
0xbd: {  	[sflag:s0] =	ssyncadd.remote.s32 $0x1  }
0xbe: {  	_ =	sfence.sel $0xFFFF  }
0xbf: {  	[dreg:$0x0] =	wrdreg $0xFFFFFFFF;
	(pc) =	sbr.abs _section_cstart, $3  }
0xc0: {  	[dreg:$0x1] =	wrdreg $0xFFFFFFFF  }
0xc1: {  	_ =	task.clear_ibuf [dreg:s6], $0x2FFFF;
	_ =	strace $0x9FFFFFFF  }
0xc2: {  	(tm) =	ssettm $0x7FFFFFFF  }
0xc3: {  	_ =	shalt  }
tec
execute0_lowered:
.L_overlay_start_1:
0x0: {  	(tag) =	ssettag $0x1  }
0x1: {  	s6 =	rddreg [dreg:$0x0]  }
0x2: {  	s1 =	rddreg [dreg:$0x1]  }
0x3: {  	s0 =	rddreg [dreg:$0x2];
	s2 =	simm.s32 $0x0;
	s3 =	srdreg.scid  }
0x4: {  	s20 =	simm.s32 $0x2;
	s21 =	simm.s32 $0x80;
	s8 =	sand.u32 $0x1, s3  }
0x5: {  	s22 =	simm.s32 $0x100;
	s3 =	stileid.u32;
	s5 =	smul.u32 $0x4F00, s8  }
0x6: {  	s23 =	simm.s32 $0x1;
	s24 =	simm.s32 $0x0;
	s7 =	smul.u32 $0x50000, s3  }
0x7: {  	[smem:$0x7FF] =	sst s2;
	s4 =	sadd.s32 $0x18000, s6;
	s11 =	smul.u32 $0x14000, s3  }
0x8: {  	s15 =	sadd.s32 $0x40000, s6;
	s29 =	ssub.s32 $0x2, s8;
	s18 =	smul.u32 $0x140000, s8  }
0x9: {  	_ =	strace $0x8000004D;
	s30 =	smul.u32 $0x4F0, s3;
	s9 =	sshrl.u32 s29, $0x1  }
0xa: {  	s16 =	sadd.s32 s5, s6;
	s5 =	sadd.s32 $0xD800, s6;
	s7 =	sshrl.u32 s7, $0x2  }
0xb: {  	s12 =	sadd.s32 $0x4000, s11;
	s17 =	ssub.s32 s29, s9;
	s13 =	sadd.s32 $0x8000, s11  }
0xc: {  	s14 =	sadd.s32 $0xC000, s11;
	s19 =	sadd.s32 $0x10000, s11;
	s11 =	sadd.s32 s11, s18  }
0xd: {  	s6 =	sadd.s32 s7, s1;
	s7 =	sadd.s32 s12, s1;
	s8 =	sadd.s32 s13, s1  }
0xe: {  	s9 =	sadd.s32 s14, s1;
	s10 =	sadd.s32 s19, s1;
	s12 =	sadd.s32 s18, s12  }
0xf: {  	s11 =	sshrl.u32 s11, $0x3;
	s13 =	sadd.s32 s18, s13;
	s14 =	sadd.s32 s18, s14  }
0x10: {  	s18 =	sadd.s32 s18, s19;
	s31 =	sadd.s32 s30, s16;
	s16 =	smax.u32 s17, $0x1  }
0x11: {  	s19 =	simm.s32 $0x4100;
	s12 =	sshrl.u32 s12, $0x3;
	s11 =	sadd.s32 s15, s11  }
0x12: {  	s13 =	sshrl.u32 s13, $0x3;
	s14 =	sshrl.u32 s14, $0x3;
	s18 =	sshrl.u32 s18, $0x3  }
0x13: {  	s17 =	sadd.s32 $0x3A00, s31;
	s12 =	sadd.s32 s15, s12;
	s13 =	sadd.s32 s15, s13  }
0x14: {  	s14 =	sadd.s32 s15, s14;
	s15 =	sadd.s32 s15, s18;
	s18 =	sadd.s32 $0xE200, s31  }
.LBB2_1:
0x15: {  	[tilespmem:s19], [sflag:$0x2] =	stream.linear.gather [hbm4b:s5+s2], $0x4000, $0x38;
	[tilespmem:$0x1C100] =	vst v63  }
0x16: {  	_ =	swait.ge [sflag:s20], $0x4000  }
0x17: {  	[sflag:s20] =	ssyncset.done $0x0  }
0x18: {  	[sflag:s20] =	ssyncadd.s32 $0xFFFFC000  }
0x19: {  	[spmem:s6] =	stream.linear.scatter [tilespmem:s19], [sflag:$0x2], $0x4000, $0x38;
	[tilespmem:$0x1C100] =	vst v63  }
0x1a: {  	_ =	swait.ge [sflag:s20], $0x4000  }
0x1b: {  	[sflag:s20] =	ssyncset.done $0x0  }
0x1c: {  	[sflag:s20] =	ssyncadd.s32 $0xFFFFC000  }
0x1d: {  	[spmem:s7] =	stream.linear.scatter [tilespmem:s19], [sflag:$0x2], $0x4000, $0x38;
	[tilespmem:$0x1C100] =	vst v63  }
0x1e: {  	_ =	swait.ge [sflag:s20], $0x4000  }
0x1f: {  	[sflag:s20] =	ssyncset.done $0x0  }
0x20: {  	[sflag:s20] =	ssyncadd.s32 $0xFFFFC000  }
0x21: {  	[spmem:s8] =	stream.linear.scatter [tilespmem:s19], [sflag:$0x2], $0x4000, $0x38;
	[tilespmem:$0x1C100] =	vst v63  }
0x22: {  	_ =	swait.ge [sflag:s20], $0x4000  }
0x23: {  	[sflag:s20] =	ssyncset.done $0x0  }
0x24: {  	[sflag:s20] =	ssyncadd.s32 $0xFFFFC000  }
0x25: {  	[spmem:s9] =	stream.linear.scatter [tilespmem:s19], [sflag:$0x2], $0x4000, $0x38;
	[tilespmem:$0x1C100] =	vst v63  }
0x26: {  	_ =	swait.ge [sflag:s20], $0x4000  }
0x27: {  	[sflag:s20] =	ssyncset.done $0x0  }
0x28: {  	[sflag:s20] =	ssyncadd.s32 $0xFFFFC000  }
0x29: {  	[spmem:s10] =	stream.linear.scatter [tilespmem:s19], [sflag:$0x2], $0x4000, $0x38;
	[tilespmem:$0x1C100] =	vst v63  }
0x2a: {  	_ =	swait.ge [sflag:s20], $0x4000  }
0x2b: {  	[sflag:s20] =	ssyncset.done $0x0  }
0x2c: {  	[sflag:s20] =	ssyncadd.s32 $0xFFFFC000  }
0x2d: {  	s25 =	sadd.s32 $0x0, s18;
	[bflag:$0x0] =	sbarrier.arrive $0xFFFF  }
0x2e: {  	[tilespmem:s2], [sflag:$0x2] =	stream.linear.gather [hbm4b:s25+s2], $0x80, $0x38;
	[tilespmem:$0x1C100] =	vst v63  }
0x2f: {  	_ =	swait.ge [sflag:s20], $0x80  }
0x30: {  	[sflag:s20] =	ssyncset.done $0x0  }
0x31: {  	s31 =	sadd.s32 $0x0, s17;
	[sflag:s20] =	ssyncadd.s32 $0xFFFFFF80  }
0x32: {  	[tilespmem:s21], [sflag:$0x2] =	stream.linear.gather [hbm4b:s31+s2], $0x80, $0x38;
	[tilespmem:$0x1C100] =	vst v63  }
0x33: {  	_ =	swait.ge [sflag:s20], $0x80  }
0x34: {  	[sflag:s20] =	ssyncset.done $0x0  }
0x35: {  	[sflag:s20] =	ssyncadd.s32 $0xFFFFFF80  }
0x36: {  	[tilespmem:s22], [sflag:$0x1] =	stream.indirect.gather [hbm4b:s4+s21], $0x80, s2, s21, $0xb8;
	[tilespmem:$0x1C100] =	vst v63  }
0x37: {  	_ =	swait.ge [sflag:s23], $0x4000  }
0x38: {  	[sflag:s23] =	ssyncset.done $0x0  }
0x39: {  	[sflag:s23] =	ssyncadd.s32 $0xFFFFC000  }
0x3a: {  	[spmem:s1] =	stream.indirect.scatter.add.f32 [tilespmem:s22], [sflag:$0x2], $0x80, s21, s21, $0xb8;
	[tilespmem:$0x1C100] =	vst v63  }
0x3b: {  	_ =	swait.ge [sflag:s20], $0x4000  }
0x3c: {  	s26 =	simm.s32 $0x20;
	s25 =	simm.s32 $0x10;
	[sflag:s20] =	ssyncset.done $0x0  }
.LBB2_2:
0x3d: {  	s28 =	sadd.s32 s25, s18  }
0x3e: {  	[sflag:s20] =	ssyncadd.s32 $0xFFFFC000;
	s29 =	smov.u32 s26;
	s30 =	sadd.s32 $0x10, s26  }
0x3f: {  	[tilespmem:s2], [sflag:$0x2] =	stream.linear.gather [hbm4b:s28+s2], $0x80, $0x38;
	[tilespmem:$0x1C100] =	vst v63  }
0x40: {  	p0 =	sne.s32 s26, $0x4E0;
	_ =	swait.ge [sflag:s20], $0x80  }
0x41: {  	[sflag:s20] =	ssyncset.done $0x0  }
0x42: {  	s26 =	sadd.s32 s25, s17;
	s25 =	smov.u32 s29;
	[sflag:s20] =	ssyncadd.s32 $0xFFFFFF80  }
0x43: {  	[tilespmem:s21], [sflag:$0x2] =	stream.linear.gather [hbm4b:s26+s2], $0x80, $0x38;
	[tilespmem:$0x1C100] =	vst v63  }
0x44: {  	_ =	swait.ge [sflag:s20], $0x80  }
0x45: {  	[sflag:s20] =	ssyncset.done $0x0  }
0x46: {  	[sflag:s20] =	ssyncadd.s32 $0xFFFFFF80  }
0x47: {  	[tilespmem:s22], [sflag:$0x1] =	stream.indirect.gather [hbm4b:s4+s21], $0x80, s2, s21, $0xb8;
	[tilespmem:$0x1C100] =	vst v63  }
0x48: {  	_ =	swait.ge [sflag:s23], $0x4000  }
.Ltmp0:
0x49: {  	[sflag:s23] =	ssyncset.done $0x0;
	(pc) =	sbr.rel @p0 .LBB2_2-.Ltmp0, $4  }
0x4a: {  	[sflag:s23] =	ssyncadd.s32 $0xFFFFC000  }
0x4b: {  	[spmem:s1] =	stream.indirect.scatter.add.f32 [tilespmem:s22], [sflag:$0x2], $0x80, s21, s21, $0xb8;
	[tilespmem:$0x1C100] =	vst v63  }
0x4c: {  	_ =	swait.ge [sflag:s20], $0x4000  }
0x4d: {  	s26 =	smov.u32 s30;
	[sflag:s20] =	ssyncset.done $0x0  }
0x4e: {  	s26 =	sadd.s32 s25, s18;
	[sflag:s20] =	ssyncadd.s32 $0xFFFFC000  }
0x4f: {  	[tilespmem:s2], [sflag:$0x2] =	stream.linear.gather [hbm4b:s26+s2], $0x80, $0x38;
	[tilespmem:$0x1C100] =	vst v63  }
0x50: {  	_ =	swait.ge [sflag:s20], $0x80  }
0x51: {  	[sflag:s20] =	ssyncset.done $0x0  }
0x52: {  	s31 =	sadd.s32 s25, s17;
	[sflag:s20] =	ssyncadd.s32 $0xFFFFFF80  }
0x53: {  	[tilespmem:s21], [sflag:$0x2] =	stream.linear.gather [hbm4b:s31+s2], $0x80, $0x38;
	[tilespmem:$0x1C100] =	vst v63  }
0x54: {  	_ =	swait.ge [sflag:s20], $0x80  }
0x55: {  	[sflag:s20] =	ssyncset.done $0x0  }
0x56: {  	[sflag:s20] =	ssyncadd.s32 $0xFFFFFF80  }
0x57: {  	[tilespmem:s22], [sflag:$0x1] =	stream.indirect.gather [hbm4b:s4+s21], $0x80, s2, s21, $0xb8;
	[tilespmem:$0x1C100] =	vst v63  }
0x58: {  	_ =	swait.ge [sflag:s23], $0x4000  }
0x59: {  	[sflag:s23] =	ssyncset.done $0x0  }
0x5a: {  	[sflag:s23] =	ssyncadd.s32 $0xFFFFC000  }
0x5b: {  	[spmem:s1] =	stream.indirect.scatter.add.f32 [tilespmem:s22], [sflag:$0x2], $0x80, s21, s21, $0xb8;
	[tilespmem:$0x1C100] =	vst v63  }
0x5c: {  	_ =	swait.ge [sflag:s20], $0x4000  }
0x5d: {  	[sflag:s20] =	ssyncset.done $0x0  }
0x5e: {  	[sflag:s20] =	ssyncadd.s32 $0xFFFFC000  }
0x5f: {  	[bflag:$0x0] =	sbarrier.arrive $0xFFFF  }
0x60: {  	[tilespmem:s22], [sflag:$0x2] =	stream.linear.gather [spmem:s6], $0x4000, $0x38;
	[tilespmem:$0x1C100] =	vst v63  }
0x61: {  	_ =	swait.ge [sflag:s20], $0x4000  }
0x62: {  	[sflag:s20] =	ssyncset.done $0x0  }
0x63: {  	[sflag:s20] =	ssyncadd.s32 $0xFFFFC000  }
0x64: {  	[hbm4b:s11+s2] =	stream.linear.scatter [tilespmem:s22], [sflag:$0x2], $0x4000, $0x38;
	[tilespmem:$0x1C100] =	vst v63  }
0x65: {  	_ =	swait.ge [sflag:s20], $0x4000  }
0x66: {  	[sflag:s20] =	ssyncset.done $0x0  }
0x67: {  	[sflag:s20] =	ssyncadd.s32 $0xFFFFC000  }
0x68: {  	[tilespmem:s22], [sflag:$0x2] =	stream.linear.gather [spmem:s7], $0x4000, $0x38;
	[tilespmem:$0x1C100] =	vst v63  }
0x69: {  	_ =	swait.ge [sflag:s20], $0x4000  }
0x6a: {  	[sflag:s20] =	ssyncset.done $0x0  }
0x6b: {  	[sflag:s20] =	ssyncadd.s32 $0xFFFFC000  }
0x6c: {  	[hbm4b:s12+s2] =	stream.linear.scatter [tilespmem:s22], [sflag:$0x2], $0x4000, $0x38;
	[tilespmem:$0x1C100] =	vst v63  }
0x6d: {  	_ =	swait.ge [sflag:s20], $0x4000  }
0x6e: {  	[sflag:s20] =	ssyncset.done $0x0  }
0x6f: {  	[sflag:s20] =	ssyncadd.s32 $0xFFFFC000  }
0x70: {  	[tilespmem:s22], [sflag:$0x2] =	stream.linear.gather [spmem:s8], $0x4000, $0x38;
	[tilespmem:$0x1C100] =	vst v63  }
0x71: {  	_ =	swait.ge [sflag:s20], $0x4000  }
0x72: {  	[sflag:s20] =	ssyncset.done $0x0  }
0x73: {  	[sflag:s20] =	ssyncadd.s32 $0xFFFFC000  }
0x74: {  	[hbm4b:s13+s2] =	stream.linear.scatter [tilespmem:s22], [sflag:$0x2], $0x4000, $0x38;
	[tilespmem:$0x1C100] =	vst v63  }
0x75: {  	_ =	swait.ge [sflag:s20], $0x4000  }
0x76: {  	[sflag:s20] =	ssyncset.done $0x0  }
0x77: {  	[sflag:s20] =	ssyncadd.s32 $0xFFFFC000  }
0x78: {  	[tilespmem:s22], [sflag:$0x2] =	stream.linear.gather [spmem:s9], $0x4000, $0x38;
	[tilespmem:$0x1C100] =	vst v63  }
0x79: {  	_ =	swait.ge [sflag:s20], $0x4000  }
0x7a: {  	[sflag:s20] =	ssyncset.done $0x0  }
0x7b: {  	[sflag:s20] =	ssyncadd.s32 $0xFFFFC000  }
0x7c: {  	[hbm4b:s14+s2] =	stream.linear.scatter [tilespmem:s22], [sflag:$0x2], $0x4000, $0x38;
	[tilespmem:$0x1C100] =	vst v63  }
0x7d: {  	_ =	swait.ge [sflag:s20], $0x4000  }
0x7e: {  	[sflag:s20] =	ssyncset.done $0x0  }
0x7f: {  	[sflag:s20] =	ssyncadd.s32 $0xFFFFC000  }
0x80: {  	[tilespmem:s22], [sflag:$0x2] =	stream.linear.gather [spmem:s10], $0x4000, $0x38;
	[tilespmem:$0x1C100] =	vst v63  }
0x81: {  	s24 =	sadd.s32 $0x1, s24;
	_ =	swait.ge [sflag:s20], $0x4000  }
0x82: {  	p0 =	sne.s32 s24, s16;
	[sflag:s20] =	ssyncset.done $0x0  }
.Ltmp1:
0x83: {  	[sflag:s20] =	ssyncadd.s32 $0xFFFFC000;
	(pc) =	sbr.rel @p0 .LBB2_1-.Ltmp1, $4  }
0x84: {  	[hbm4b:s15+s2] =	stream.linear.scatter [tilespmem:s22], [sflag:$0x2], $0x4000, $0x38;
	[tilespmem:$0x1C100] =	vst v63  }
0x85: {  	_ =	swait.ge [sflag:s20], $0x4000  }
0x86: {  	[sflag:s20] =	ssyncset.done $0x0  }
0x87: {  	[sflag:s20] =	ssyncadd.s32 $0xFFFFC000  }
0x88: {  	_ =	sfence.sel $0x180000  }
0x89: {  	[bflag:$0x0] =	sbarrier.arrive $0xFFFF  }
0x8a: {  	p0 =	sne.s32 s3, $0x0;
	_ =	strace $0x9000004D  }
0x8b: {  	s0 =	sadd.s32 @!p0 $0x100000, s0;
	[bflag:$0x2] =	sbarrier.arrive $0xFFFF  }
0x8c: {  	[sflag:s0] =	ssyncadd.tile.s32 @!p0 $0x1;
	_ =	shalt  }
.Lfunc_end2:
_tile_overlayer_lowered:
.L_overlay_start_2:
0x8d: {  	(tag) =	ssettag $0x2  }
0x8e: {  	s0 =	rddreg [dreg:$0x0];
	s2 =	stileid.u32  }
0x8f: {  	s1 =	rddreg [dreg:$0x1];
	p0 =	sne.s32 s2, $0x0  }
0x90: {  	s3 =	rddreg [dreg:$0x2];
	[bflag:$0x3] =	sbarrier.arrive $0xFFFF;
	s2 =	simm.s32 @!p0 $0x1C02  }
0x91: {  	[timem:s3], [sflag:s2] =	dma.local @!p0 [hbm:s0], s1  }
0x92: {  	s0 =	simm.s32 @!p0 $0x2  }
0x93: {  	_ =	swait.ge @!p0 [sflag:s0], s1  }
0x94: {  	s1 =	ssub.s32 @!p0 $0x0, s1;
	[sflag:s0] =	ssyncset.done @!p0 $0x0  }
0x95: {  	[sflag:s0] =	ssyncadd.s32 @!p0 s1  }
0x96: {  	[bflag:$0x3] =	sbarrier.arrive $0xFFFF  }
0x97: {  	_ =	shalt  }

// kernel: kernel.21.cloned.1.call-start
scs
__scs_entry_jumppad:
0x0: {  	(pc) =	sbr.rel $0x88, $3  }
0x1: {  	(tag) =	ssettag $0x0;
	lr =	simm.s32 $0x1  }
0x2: {  	[smem:$0x3F92] =	sst lr;
	_ =	strace $0xD0000000  }
0x3: {  	_ = 	snop  }
0x4: {  	_ = 	snop  }
0x5: {  	_ = 	snop  }
0x6: {  	_ = 	snop  }
0x7: {  	_ = 	snop  }
__scs_overlays_trampoline_lowered:
0x8: {  	[smem:$0x3FA1] =	sst s0  }
0x9: {  	[smem:$0x3FA2] =	sst s1  }
0xa: {  	[smem:$0x3FA3] =	sst s2  }
0xb: {  	[smem:$0x3FA4] =	sst s3  }
0xc: {  	[smem:$0x3FA5] =	sst s4  }
0xd: {  	[smem:$0x3FA6] =	sst s5  }
0xe: {  	[smem:$0x3FA7] =	sst s6  }
0xf: {  	[smem:$0x3FA8] =	sst s7  }
0x10: {  	[smem:$0x3FA9] =	sst s8  }
0x11: {  	[smem:$0x3FAA] =	sst s9;
	s0 =	simm.s32 @!p0 $0x0  }
0x12: {  	s1 =	sld [smem:$0x3F90];
	s0 =	simm.s32 @p0 $0x1  }
0x13: {  	[smem:$0x3FAB] =	sst s0;
	s0 =	simm.s32 @!p1 $0x0  }
0x14: {  	s2 =	sld [smem:$0x3F8F];
	s0 =	simm.s32 @p1 $0x1  }
0x15: {  	[smem:$0x3FAC] =	sst s0;
	s0 =	simm.s32 @!p2 $0x0  }
0x16: {  	s3 =	sld [smem:$0x3FDB];
	s0 =	simm.s32 @p2 $0x1  }
0x17: {  	s4 =	simm.s32 $0x1BF5;
	[smem:$0x3FAE] =	sst s0  }
0x18: {  	s0 =	sld [smem:$0x3F91];
	_ =	swait.ge [sflag:s4], $0x0  }
0x19: {  	s7 =	sld [smem:$0x3F92]  }
0x1a: {  	s8 =	sadd.s32 $0xFFFFE003, lr  }
0x1b: {  	s9 =	sadd.s32 $0xFFFFFEF7, lr;
	s5 =	simm.s32 $0xFFFFFFFF;
	p2 =	slt.u32 s8, $0xFFFFF086  }
0x1c: {  	p1 =	slt.u32 s9, $0xF7A;
	s5 =	simm.s32 @!p2 $0x0  }
0x1d: {  	s5 =	simm.s32 @p1 $0x1;
	p0 =	seq.s32 s7, s2  }
0x1e: {  	s7 =	smul.u32 @!p0 $0xF7A, s2;
	p2 =	seq.s32 @!p0 s5, $0x0  }
0x1f: {  	s9 =	smul.u32 $0xF7A, s1;
	s8 =	simm.s32 @!p0 $0x1BF5;
	p2 =	por !p2, p0  }
0x20: {  	[sflag:s8] =	ssyncset.s32 @!p0 $0xFFFFF086;
	s6 =	sadd.s32 @!p0 s3, s7;
	s7 =	simm.s32 @!p0 $0x108  }
0x21: {  	s3 =	sadd.s32 s3, s9;
	s6 =	sadd.s32 @!p0 $0x88, s6;
	s7 =	simm.s32 @p2 $0x1082  }
0x22: {  	[simem:s7], [sflag:s8] =	dma.local @!p0 [hbm:s6], $0xF7A  }
0x23: {  	s9 =	sor.u32 $0xD0000000, s2;
	s6 =	simm.s32 $0x108;
	_ =	swait.ge @!p0 [sflag:s8], $0x0  }
0x24: {  	s3 =	sadd.s32 $0x88, s3;
	s6 =	simm.s32 @!p1 $0x1082;
	[sflag:s4] =	ssyncset.s32 $0xFFFFF086  }
0x25: {  	[simem:s6], [sflag:s4] =	dma.local [hbm:s3], $0xF7A  }
0x26: {  	[smem:$0x3F92] =	sst s1;
	(tag) =	ssettag s2;
	_ =	strace s9  }
0x27: {  	s1 =	sld [smem:$0x3FA2]  }
0x28: {  	s2 =	sld [smem:$0x3FA3]  }
0x29: {  	s4 =	sld [smem:$0x3FA5]  }
0x2a: {  	p0 =	seq.s32 s5, $0x0;
	s5 =	sld [smem:$0x3FA6]  }
0x2b: {  	s6 =	sld [smem:$0x3FA7]  }
0x2c: {  	s7 =	sld [smem:$0x3FA8]  }
0x2d: {  	s3 =	simm.s32 $0x108;
	s8 =	sld [smem:$0x3FA9]  }
0x2e: {  	s3 =	simm.s32 @!p0 $0x1082;
	s9 =	sld [smem:$0x3FAA]  }
0x2f: {  	lr =	sadd.s32 s0, s3;
	s0 =	sld [smem:$0x3FA1]  }
0x30: {  	s3 =	sld [smem:$0x3FA4]  }
0x31: {  	[smem:$0x3FAD] =	sst s10  }
0x32: {  	s10 =	sld [smem:$0x3FAB];
	_ =	sdelay $0x3  }
0x33: {  	p0 =	seq.s32 s10, $0x1;
	s10 =	sld [smem:$0x3FAD];
	_ =	sdelay $0x3  }
0x34: {  	[smem:$0x3FAD] =	sst s10  }
0x35: {  	s10 =	sld [smem:$0x3FAC];
	_ =	sdelay $0x3  }
0x36: {  	p1 =	seq.s32 s10, $0x1;
	s10 =	sld [smem:$0x3FAD];
	_ =	sdelay $0x3  }
0x37: {  	[smem:$0x3FAD] =	sst s10  }
0x38: {  	s10 =	sld [smem:$0x3FAE]  }
0x39: {  	_ = 	snop;
	(pc) =	sbr.ind lr, $3  }
0x3a: {  	_ = 	snop  }
0x3b: {  	_ = 	snop  }
0x3c: {  	p2 =	seq.s32 s10, $0x1;
	s10 =	sld [smem:$0x3FAD]  }
0x3d: {  	_ =	shalt  }
0x3e: {  	_ =	shalt  }
0x3f: {  	_ =	shalt  }
0x40: {  	_ =	shalt  }
0x41: {  	_ =	shalt  }
0x42: {  	_ =	shalt  }
0x43: {  	_ =	shalt  }
0x44: {  	_ =	shalt  }
0x45: {  	_ =	shalt  }
0x46: {  	_ =	shalt  }
0x47: {  	_ =	shalt  }
0x48: {  	_ =	shalt  }
0x49: {  	_ =	shalt  }
0x4a: {  	_ =	shalt  }
0x4b: {  	_ =	shalt  }
0x4c: {  	_ =	shalt  }
0x4d: {  	_ =	shalt  }
0x4e: {  	_ =	shalt  }
0x4f: {  	_ =	shalt  }
0x50: {  	_ =	shalt  }
0x51: {  	_ =	shalt  }
0x52: {  	_ =	shalt  }
0x53: {  	_ =	shalt  }
0x54: {  	_ =	shalt  }
0x55: {  	_ =	shalt  }
0x56: {  	_ =	shalt  }
0x57: {  	_ =	shalt  }
0x58: {  	_ =	shalt  }
0x59: {  	_ =	shalt  }
0x5a: {  	_ =	shalt  }
0x5b: {  	_ =	shalt  }
0x5c: {  	_ =	shalt  }
0x5d: {  	_ =	shalt  }
0x5e: {  	_ =	shalt  }
0x5f: {  	_ =	shalt  }
0x60: {  	_ =	shalt  }
0x61: {  	_ =	shalt  }
0x62: {  	_ =	shalt  }
0x63: {  	_ =	shalt  }
0x64: {  	_ =	shalt  }
0x65: {  	_ =	shalt  }
0x66: {  	_ =	shalt  }
0x67: {  	_ =	shalt  }
0x68: {  	_ =	shalt  }
0x69: {  	_ =	shalt  }
0x6a: {  	_ =	shalt  }
0x6b: {  	_ =	shalt  }
0x6c: {  	_ =	shalt  }
0x6d: {  	_ =	shalt  }
0x6e: {  	_ =	shalt  }
0x6f: {  	_ =	shalt  }
0x70: {  	_ =	shalt  }
0x71: {  	_ =	shalt  }
0x72: {  	_ =	shalt  }
0x73: {  	_ =	shalt  }
0x74: {  	_ =	shalt  }
0x75: {  	_ =	shalt  }
0x76: {  	_ =	shalt  }
0x77: {  	_ =	shalt  }
0x78: {  	_ =	shalt  }
0x79: {  	_ =	shalt  }
0x7a: {  	_ =	shalt  }
0x7b: {  	_ =	shalt  }
0x7c: {  	_ =	shalt  }
0x7d: {  	_ =	shalt  }
0x7e: {  	_ =	shalt  }
0x7f: {  	_ =	shalt  }
0x80: {  	_ =	shalt  }
0x81: {  	_ =	shalt  }
0x82: {  	_ =	shalt  }
0x83: {  	_ =	shalt  }
0x84: {  	_ =	shalt  }
0x85: {  	_ =	shalt  }
0x86: {  	_ =	shalt  }
0x87: {  	_ =	shalt  }
.Lfunc_end0:
.L_simem_size_0:
called_computation.3_lowered:
.L_overlay_start_0:
0x88: {  	s2 =	sld [smem:$0x3FD9]  }
0x89: {  	s3 =	sld [smem:$0x3FFE];
	_ =	sdelay $0x1  }
0x8a: {  	s1 =	srdreg.scid  }
0x8b: {  	s0 =	sand.u32 $0x1, s1  }
0x8c: {  	s16 =	sshll.u32 s0, $0xA;
	s2 =	sadd.s32 s3, s2  }
0x8d: {  	s2 =	sadd.s32 s2, s16  }
0x8e: {  	[smem:$0x3FB9] =	sst s2  }
0x8f: {  	_ = 	snop  }
0x90: {  	(tm) =	ssettm $0x1  }
0x91: {  	s17 =	sld [smem:$0x3FFB];
	_ =	sdelay $0x3  }
0x92: {  	_ =	strace s17  }
0x93: {  	s2 =	sld [smem:$0x3FFC];
	_ =	sdelay $0x3  }
0x94: {  	_ =	strace s2  }
0x95: {  	s2 =	sld [smem:$0x3FFD];
	_ =	sdelay $0x3  }
0x96: {  	_ =	strace s2  }
0x97: {  	_ =	strace $0x8FFFFFFF  }
0x98: {  	s18 =	sld [smem:$0x3FDB];
	_ =	sdelay $0x1  }
0x99: {  	s19 =	simm.s32 $_scs_section_size  }
0x9a: {  	s4 =	simm.s32 $_size__tile_overlayer_lowered;
	s5 =	simm.s32 $_tile_overlayer_lowered  }
0x9b: {  	s22 =	simm.s32 $0x1BFF;
	s21 =	sshll.u32 s5, $0x1;
	s2 =	sadd.s32 s19, s18  }
0x9c: {  	s6 =	simm.s32 $0x0;
	s20 =	sshll.u32 s4, $0x1;
	s4 =	sadd.s32 s21, s2  }
0x9d: {  	[timem:s6], [sflag:s22] =	dma.local [hbm:s4], s20  }
0x9e: {  	_ =	swait.ge [sflag:s22], s20  }
0x9f: {  	s3 =	ssub.s32 $0x0, s20;
	[sflag:s22] =	ssyncset.done $0x0  }
0xa0: {  	[sflag:s22] =	ssyncadd.s32 s3;
	_ =	sdelay $0x1  }
0xa1: {  	s23 =	simm.s32 $0x1B8B  }
0xa2: {  	_ =	swait.ge [sflag:s23], $0x1  }
0xa3: {  	[sflag:s23] =	ssyncset.done $0x0  }
0xa4: {  	s25 =	simm.s32 $0x1B8E;
	s24 =	sld [smem:$0x3FFE];
	[sflag:s23] =	ssyncadd.s32 $0xFFFFFFFF  }
0xa5: {  	s26 =	simm.s32 $execute0_lowered;
	[smem:$0x3FD2] =	sst s25  }
0xa6: {  	s4 =	sshll.u32 s26, $0x1;
	_ =	strace $0x8000004F;
	[dreg:$0x1] =	wrdreg $0xFFFFFFFF  }
0xa7: {  	s28 =	simm.s32 $_size_execute0_lowered;
	s2 =	sadd.s32 s2, s4;
	[dreg:$0x0] =	wrdreg $0x0  }
0xa8: {  	s4 =	sshll.u32 s28, $0x1;
	[dreg:$0x2] =	wrdreg s2  }
0xa9: {  	[dreg:$0x3] =	wrdreg s4  }
0xaa: {  	[dreg:$0x4] =	wrdreg $0xC0  }
0xab: {  	_ =	task [dreg:s6], $0x5FFFF  }
0xac: {  	[dreg:$0x1] =	wrdreg $0xFFFFFFFF  }
0xad: {  	[dreg:$0x0] =	wrdreg $0x60  }
0xae: {  	[dreg:$0x2] =	wrdreg s24  }
0xaf: {  	[dreg:$0x3] =	wrdreg $0x81000  }
0xb0: {  	[dreg:$0x4] =	wrdreg $0x9  }
0xb1: {  	_ =	task.clear_ibuf [dreg:s6], $0x5FFFF;
	_ =	strace $0x9000004F  }
0xb2: {  	s29 =	simm.s32 $0x9;
	_ =	strace $0x80000051  }
0xb3: {  	_ =	swait.ge [sflag:s29], $0x1  }
0xb4: {  	[sflag:s29] =	ssyncadd.s32 $0xFFFFFFFF  }
0xb5: {  	_ =	strace $0x90000051  }
0xb6: {  	_ =	sfence  }
0xb7: {  	s30 =	sld [smem:$0x0];
	_ =	sdelay $0x2  }
0xb8: {  	s31 =	sshll.u32 s1, $0xD;
	s1 =	sshrl.u32 s1, $0x2  }
0xb9: {  	s3 =	sand.u32 $0x4000, s31;
	s1 =	sadd.s32 s1, s30  }
0xba: {  	s0 =	sor.u32 s3, s0;
	s1 =	sshll.u32 s1, $0x11  }
0xbb: {  	s0 =	sor.u32 s1, s0  }
0xbc: {  	s0 =	sadd.s32 $0x8F2B, s0  }
0xbd: {  	[sflag:s0] =	ssyncadd.remote.s32 $0x1  }
0xbe: {  	_ =	sfence.sel $0xFFFF  }
0xbf: {  	[dreg:$0x0] =	wrdreg $0xFFFFFFFF;
	(pc) =	sbr.abs _section_cstart, $3  }
0xc0: {  	[dreg:$0x1] =	wrdreg $0xFFFFFFFF  }
0xc1: {  	_ =	task.clear_ibuf [dreg:s6], $0x2FFFF;
	_ =	strace $0x9FFFFFFF  }
0xc2: {  	(tm) =	ssettm $0x7FFFFFFF  }
0xc3: {  	_ =	shalt  }
tec
execute0_lowered:
.L_overlay_start_1:
0x0: {  	(tag) =	ssettag $0x1  }
0x1: {  	s6 =	rddreg [dreg:$0x0]  }
0x2: {  	s1 =	rddreg [dreg:$0x1]  }
0x3: {  	s0 =	rddreg [dreg:$0x2];
	s2 =	simm.s32 $0x0;
	s3 =	srdreg.scid  }
0x4: {  	s20 =	simm.s32 $0x2;
	s21 =	simm.s32 $0x80;
	s8 =	sand.u32 $0x1, s3  }
0x5: {  	s22 =	simm.s32 $0x100;
	s3 =	stileid.u32;
	s5 =	smul.u32 $0x4F00, s8  }
0x6: {  	s23 =	simm.s32 $0x1;
	s24 =	simm.s32 $0x0;
	s7 =	smul.u32 $0x50000, s3  }
0x7: {  	[smem:$0x7FF] =	sst s2;
	s4 =	sadd.s32 $0x18000, s6;
	s11 =	smul.u32 $0x14000, s3  }
0x8: {  	s15 =	sadd.s32 $0x40000, s6;
	s29 =	ssub.s32 $0x2, s8;
	s18 =	smul.u32 $0x140000, s8  }
0x9: {  	_ =	strace $0x80000050;
	s30 =	smul.u32 $0x4F0, s3;
	s9 =	sshrl.u32 s29, $0x1  }
0xa: {  	s16 =	sadd.s32 s5, s6;
	s5 =	sadd.s32 $0xD800, s6;
	s7 =	sshrl.u32 s7, $0x2  }
0xb: {  	s12 =	sadd.s32 $0x4000, s11;
	s17 =	ssub.s32 s29, s9;
	s13 =	sadd.s32 $0x8000, s11  }
0xc: {  	s14 =	sadd.s32 $0xC000, s11;
	s19 =	sadd.s32 $0x10000, s11;
	s11 =	sadd.s32 s11, s18  }
0xd: {  	s6 =	sadd.s32 s7, s1;
	s7 =	sadd.s32 s12, s1;
	s8 =	sadd.s32 s13, s1  }
0xe: {  	s9 =	sadd.s32 s14, s1;
	s10 =	sadd.s32 s19, s1;
	s12 =	sadd.s32 s18, s12  }
0xf: {  	s11 =	sshrl.u32 s11, $0x3;
	s13 =	sadd.s32 s18, s13;
	s14 =	sadd.s32 s18, s14  }
0x10: {  	s18 =	sadd.s32 s18, s19;
	s31 =	sadd.s32 s30, s16;
	s16 =	smax.u32 s17, $0x1  }
0x11: {  	s19 =	simm.s32 $0x4100;
	s12 =	sshrl.u32 s12, $0x3;
	s11 =	sadd.s32 s15, s11  }
0x12: {  	s13 =	sshrl.u32 s13, $0x3;
	s14 =	sshrl.u32 s14, $0x3;
	s18 =	sshrl.u32 s18, $0x3  }
0x13: {  	s17 =	sadd.s32 $0x3A00, s31;
	s12 =	sadd.s32 s15, s12;
	s13 =	sadd.s32 s15, s13  }
0x14: {  	s14 =	sadd.s32 s15, s14;
	s15 =	sadd.s32 s15, s18;
	s18 =	sadd.s32 $0xE200, s31  }
.LBB2_1:
0x15: {  	[tilespmem:s19], [sflag:$0x2] =	stream.linear.gather [hbm4b:s5+s2], $0x4000, $0x38;
	[tilespmem:$0x1C100] =	vst v63  }
0x16: {  	_ =	swait.ge [sflag:s20], $0x4000  }
0x17: {  	[sflag:s20] =	ssyncset.done $0x0  }
0x18: {  	[sflag:s20] =	ssyncadd.s32 $0xFFFFC000  }
0x19: {  	[spmem:s6] =	stream.linear.scatter [tilespmem:s19], [sflag:$0x2], $0x4000, $0x38;
	[tilespmem:$0x1C100] =	vst v63  }
0x1a: {  	_ =	swait.ge [sflag:s20], $0x4000  }
0x1b: {  	[sflag:s20] =	ssyncset.done $0x0  }
0x1c: {  	[sflag:s20] =	ssyncadd.s32 $0xFFFFC000  }
0x1d: {  	[spmem:s7] =	stream.linear.scatter [tilespmem:s19], [sflag:$0x2], $0x4000, $0x38;
	[tilespmem:$0x1C100] =	vst v63  }
0x1e: {  	_ =	swait.ge [sflag:s20], $0x4000  }
0x1f: {  	[sflag:s20] =	ssyncset.done $0x0  }
0x20: {  	[sflag:s20] =	ssyncadd.s32 $0xFFFFC000  }
0x21: {  	[spmem:s8] =	stream.linear.scatter [tilespmem:s19], [sflag:$0x2], $0x4000, $0x38;
	[tilespmem:$0x1C100] =	vst v63  }
0x22: {  	_ =	swait.ge [sflag:s20], $0x4000  }
0x23: {  	[sflag:s20] =	ssyncset.done $0x0  }
0x24: {  	[sflag:s20] =	ssyncadd.s32 $0xFFFFC000  }
0x25: {  	[spmem:s9] =	stream.linear.scatter [tilespmem:s19], [sflag:$0x2], $0x4000, $0x38;
	[tilespmem:$0x1C100] =	vst v63  }
0x26: {  	_ =	swait.ge [sflag:s20], $0x4000  }
0x27: {  	[sflag:s20] =	ssyncset.done $0x0  }
0x28: {  	[sflag:s20] =	ssyncadd.s32 $0xFFFFC000  }
0x29: {  	[spmem:s10] =	stream.linear.scatter [tilespmem:s19], [sflag:$0x2], $0x4000, $0x38;
	[tilespmem:$0x1C100] =	vst v63  }
0x2a: {  	_ =	swait.ge [sflag:s20], $0x4000  }
0x2b: {  	[sflag:s20] =	ssyncset.done $0x0  }
0x2c: {  	[sflag:s20] =	ssyncadd.s32 $0xFFFFC000  }
0x2d: {  	s25 =	sadd.s32 $0x0, s18;
	[bflag:$0x0] =	sbarrier.arrive $0xFFFF  }
0x2e: {  	[tilespmem:s2], [sflag:$0x2] =	stream.linear.gather [hbm4b:s25+s2], $0x80, $0x38;
	[tilespmem:$0x1C100] =	vst v63  }
0x2f: {  	_ =	swait.ge [sflag:s20], $0x80  }
0x30: {  	[sflag:s20] =	ssyncset.done $0x0  }
0x31: {  	s31 =	sadd.s32 $0x0, s17;
	[sflag:s20] =	ssyncadd.s32 $0xFFFFFF80  }
0x32: {  	[tilespmem:s21], [sflag:$0x2] =	stream.linear.gather [hbm4b:s31+s2], $0x80, $0x38;
	[tilespmem:$0x1C100] =	vst v63  }
0x33: {  	_ =	swait.ge [sflag:s20], $0x80  }
0x34: {  	[sflag:s20] =	ssyncset.done $0x0  }
0x35: {  	[sflag:s20] =	ssyncadd.s32 $0xFFFFFF80  }
0x36: {  	[tilespmem:s22], [sflag:$0x1] =	stream.indirect.gather [hbm4b:s4+s21], $0x80, s2, s21, $0xb8;
	[tilespmem:$0x1C100] =	vst v63  }
0x37: {  	_ =	swait.ge [sflag:s23], $0x4000  }
0x38: {  	[sflag:s23] =	ssyncset.done $0x0  }
0x39: {  	[sflag:s23] =	ssyncadd.s32 $0xFFFFC000  }
0x3a: {  	[spmem:s1] =	stream.indirect.scatter.add.f32 [tilespmem:s22], [sflag:$0x2], $0x80, s21, s21, $0xb8;
	[tilespmem:$0x1C100] =	vst v63  }
0x3b: {  	_ =	swait.ge [sflag:s20], $0x4000  }
0x3c: {  	s26 =	simm.s32 $0x20;
	s25 =	simm.s32 $0x10;
	[sflag:s20] =	ssyncset.done $0x0  }
.LBB2_2:
0x3d: {  	s28 =	sadd.s32 s25, s18  }
0x3e: {  	[sflag:s20] =	ssyncadd.s32 $0xFFFFC000;
	s29 =	smov.u32 s26;
	s30 =	sadd.s32 $0x10, s26  }
0x3f: {  	[tilespmem:s2], [sflag:$0x2] =	stream.linear.gather [hbm4b:s28+s2], $0x80, $0x38;
	[tilespmem:$0x1C100] =	vst v63  }
0x40: {  	p0 =	sne.s32 s26, $0x4E0;
	_ =	swait.ge [sflag:s20], $0x80  }
0x41: {  	[sflag:s20] =	ssyncset.done $0x0  }
0x42: {  	s26 =	sadd.s32 s25, s17;
	s25 =	smov.u32 s29;
	[sflag:s20] =	ssyncadd.s32 $0xFFFFFF80  }
0x43: {  	[tilespmem:s21], [sflag:$0x2] =	stream.linear.gather [hbm4b:s26+s2], $0x80, $0x38;
	[tilespmem:$0x1C100] =	vst v63  }
0x44: {  	_ =	swait.ge [sflag:s20], $0x80  }
0x45: {  	[sflag:s20] =	ssyncset.done $0x0  }
0x46: {  	[sflag:s20] =	ssyncadd.s32 $0xFFFFFF80  }
0x47: {  	[tilespmem:s22], [sflag:$0x1] =	stream.indirect.gather [hbm4b:s4+s21], $0x80, s2, s21, $0xb8;
	[tilespmem:$0x1C100] =	vst v63  }
0x48: {  	_ =	swait.ge [sflag:s23], $0x4000  }
.Ltmp0:
0x49: {  	[sflag:s23] =	ssyncset.done $0x0;
	(pc) =	sbr.rel @p0 .LBB2_2-.Ltmp0, $4  }
0x4a: {  	[sflag:s23] =	ssyncadd.s32 $0xFFFFC000  }
0x4b: {  	[spmem:s1] =	stream.indirect.scatter.add.f32 [tilespmem:s22], [sflag:$0x2], $0x80, s21, s21, $0xb8;
	[tilespmem:$0x1C100] =	vst v63  }
0x4c: {  	_ =	swait.ge [sflag:s20], $0x4000  }
0x4d: {  	s26 =	smov.u32 s30;
	[sflag:s20] =	ssyncset.done $0x0  }
0x4e: {  	s26 =	sadd.s32 s25, s18;
	[sflag:s20] =	ssyncadd.s32 $0xFFFFC000  }
0x4f: {  	[tilespmem:s2], [sflag:$0x2] =	stream.linear.gather [hbm4b:s26+s2], $0x80, $0x38;
	[tilespmem:$0x1C100] =	vst v63  }
0x50: {  	_ =	swait.ge [sflag:s20], $0x80  }
0x51: {  	[sflag:s20] =	ssyncset.done $0x0  }
0x52: {  	s31 =	sadd.s32 s25, s17;
	[sflag:s20] =	ssyncadd.s32 $0xFFFFFF80  }
0x53: {  	[tilespmem:s21], [sflag:$0x2] =	stream.linear.gather [hbm4b:s31+s2], $0x80, $0x38;
	[tilespmem:$0x1C100] =	vst v63  }
0x54: {  	_ =	swait.ge [sflag:s20], $0x80  }
0x55: {  	[sflag:s20] =	ssyncset.done $0x0  }
0x56: {  	[sflag:s20] =	ssyncadd.s32 $0xFFFFFF80  }
0x57: {  	[tilespmem:s22], [sflag:$0x1] =	stream.indirect.gather [hbm4b:s4+s21], $0x80, s2, s21, $0xb8;
	[tilespmem:$0x1C100] =	vst v63  }
0x58: {  	_ =	swait.ge [sflag:s23], $0x4000  }
0x59: {  	[sflag:s23] =	ssyncset.done $0x0  }
0x5a: {  	[sflag:s23] =	ssyncadd.s32 $0xFFFFC000  }
0x5b: {  	[spmem:s1] =	stream.indirect.scatter.add.f32 [tilespmem:s22], [sflag:$0x2], $0x80, s21, s21, $0xb8;
	[tilespmem:$0x1C100] =	vst v63  }
0x5c: {  	_ =	swait.ge [sflag:s20], $0x4000  }
0x5d: {  	[sflag:s20] =	ssyncset.done $0x0  }
0x5e: {  	[sflag:s20] =	ssyncadd.s32 $0xFFFFC000  }
0x5f: {  	[bflag:$0x0] =	sbarrier.arrive $0xFFFF  }
0x60: {  	[tilespmem:s22], [sflag:$0x2] =	stream.linear.gather [spmem:s6], $0x4000, $0x38;
	[tilespmem:$0x1C100] =	vst v63  }
0x61: {  	_ =	swait.ge [sflag:s20], $0x4000  }
0x62: {  	[sflag:s20] =	ssyncset.done $0x0  }
0x63: {  	[sflag:s20] =	ssyncadd.s32 $0xFFFFC000  }
0x64: {  	[hbm4b:s11+s2] =	stream.linear.scatter [tilespmem:s22], [sflag:$0x2], $0x4000, $0x38;
	[tilespmem:$0x1C100] =	vst v63  }
0x65: {  	_ =	swait.ge [sflag:s20], $0x4000  }
0x66: {  	[sflag:s20] =	ssyncset.done $0x0  }
0x67: {  	[sflag:s20] =	ssyncadd.s32 $0xFFFFC000  }
0x68: {  	[tilespmem:s22], [sflag:$0x2] =	stream.linear.gather [spmem:s7], $0x4000, $0x38;
	[tilespmem:$0x1C100] =	vst v63  }
0x69: {  	_ =	swait.ge [sflag:s20], $0x4000  }
0x6a: {  	[sflag:s20] =	ssyncset.done $0x0  }
0x6b: {  	[sflag:s20] =	ssyncadd.s32 $0xFFFFC000  }
0x6c: {  	[hbm4b:s12+s2] =	stream.linear.scatter [tilespmem:s22], [sflag:$0x2], $0x4000, $0x38;
	[tilespmem:$0x1C100] =	vst v63  }
0x6d: {  	_ =	swait.ge [sflag:s20], $0x4000  }
0x6e: {  	[sflag:s20] =	ssyncset.done $0x0  }
0x6f: {  	[sflag:s20] =	ssyncadd.s32 $0xFFFFC000  }
0x70: {  	[tilespmem:s22], [sflag:$0x2] =	stream.linear.gather [spmem:s8], $0x4000, $0x38;
	[tilespmem:$0x1C100] =	vst v63  }
0x71: {  	_ =	swait.ge [sflag:s20], $0x4000  }
0x72: {  	[sflag:s20] =	ssyncset.done $0x0  }
0x73: {  	[sflag:s20] =	ssyncadd.s32 $0xFFFFC000  }
0x74: {  	[hbm4b:s13+s2] =	stream.linear.scatter [tilespmem:s22], [sflag:$0x2], $0x4000, $0x38;
	[tilespmem:$0x1C100] =	vst v63  }
0x75: {  	_ =	swait.ge [sflag:s20], $0x4000  }
0x76: {  	[sflag:s20] =	ssyncset.done $0x0  }
0x77: {  	[sflag:s20] =	ssyncadd.s32 $0xFFFFC000  }
0x78: {  	[tilespmem:s22], [sflag:$0x2] =	stream.linear.gather [spmem:s9], $0x4000, $0x38;
	[tilespmem:$0x1C100] =	vst v63  }
0x79: {  	_ =	swait.ge [sflag:s20], $0x4000  }
0x7a: {  	[sflag:s20] =	ssyncset.done $0x0  }
0x7b: {  	[sflag:s20] =	ssyncadd.s32 $0xFFFFC000  }
0x7c: {  	[hbm4b:s14+s2] =	stream.linear.scatter [tilespmem:s22], [sflag:$0x2], $0x4000, $0x38;
	[tilespmem:$0x1C100] =	vst v63  }
0x7d: {  	_ =	swait.ge [sflag:s20], $0x4000  }
0x7e: {  	[sflag:s20] =	ssyncset.done $0x0  }
0x7f: {  	[sflag:s20] =	ssyncadd.s32 $0xFFFFC000  }
0x80: {  	[tilespmem:s22], [sflag:$0x2] =	stream.linear.gather [spmem:s10], $0x4000, $0x38;
	[tilespmem:$0x1C100] =	vst v63  }
0x81: {  	s24 =	sadd.s32 $0x1, s24;
	_ =	swait.ge [sflag:s20], $0x4000  }
0x82: {  	p0 =	sne.s32 s24, s16;
	[sflag:s20] =	ssyncset.done $0x0  }
.Ltmp1:
0x83: {  	[sflag:s20] =	ssyncadd.s32 $0xFFFFC000;
	(pc) =	sbr.rel @p0 .LBB2_1-.Ltmp1, $4  }
0x84: {  	[hbm4b:s15+s2] =	stream.linear.scatter [tilespmem:s22], [sflag:$0x2], $0x4000, $0x38;
	[tilespmem:$0x1C100] =	vst v63  }
0x85: {  	_ =	swait.ge [sflag:s20], $0x4000  }
0x86: {  	[sflag:s20] =	ssyncset.done $0x0  }
0x87: {  	[sflag:s20] =	ssyncadd.s32 $0xFFFFC000  }
0x88: {  	_ =	sfence.sel $0x180000  }
0x89: {  	[bflag:$0x0] =	sbarrier.arrive $0xFFFF  }
0x8a: {  	p0 =	sne.s32 s3, $0x0;
	_ =	strace $0x90000050  }
0x8b: {  	s0 =	sadd.s32 @!p0 $0x100000, s0;
	[bflag:$0x2] =	sbarrier.arrive $0xFFFF  }
0x8c: {  	[sflag:s0] =	ssyncadd.tile.s32 @!p0 $0x1;
	_ =	shalt  }
.Lfunc_end2:
_tile_overlayer_lowered:
.L_overlay_start_2:
0x8d: {  	(tag) =	ssettag $0x2  }
0x8e: {  	s0 =	rddreg [dreg:$0x0];
	s2 =	stileid.u32  }
0x8f: {  	s1 =	rddreg [dreg:$0x1];
	p0 =	sne.s32 s2, $0x0  }
0x90: {  	s3 =	rddreg [dreg:$0x2];
	[bflag:$0x3] =	sbarrier.arrive $0xFFFF;
	s2 =	simm.s32 @!p0 $0x1C02  }
0x91: {  	[timem:s3], [sflag:s2] =	dma.local @!p0 [hbm:s0], s1  }
0x92: {  	s0 =	simm.s32 @!p0 $0x2  }
0x93: {  	_ =	swait.ge @!p0 [sflag:s0], s1  }
0x94: {  	s1 =	ssub.s32 @!p0 $0x0, s1;
	[sflag:s0] =	ssyncset.done @!p0 $0x0  }
0x95: {  	[sflag:s0] =	ssyncadd.s32 @!p0 s1  }
0x96: {  	[bflag:$0x3] =	sbarrier.arrive $0xFFFF  }
0x97: {  	_ =	shalt  }

// kernel: kernel.24.cloned.1.call-start
scs
__scs_entry_jumppad:
0x0: {  	(pc) =	sbr.rel $0x88, $3  }
0x1: {  	(tag) =	ssettag $0x0;
	lr =	simm.s32 $0x1  }
0x2: {  	[smem:$0x3F92] =	sst lr;
	_ =	strace $0xD0000000  }
0x3: {  	_ = 	snop  }
0x4: {  	_ = 	snop  }
0x5: {  	_ = 	snop  }
0x6: {  	_ = 	snop  }
0x7: {  	_ = 	snop  }
__scs_overlays_trampoline_lowered:
0x8: {  	[smem:$0x3FA1] =	sst s0  }
0x9: {  	[smem:$0x3FA2] =	sst s1  }
0xa: {  	[smem:$0x3FA3] =	sst s2  }
0xb: {  	[smem:$0x3FA4] =	sst s3  }
0xc: {  	[smem:$0x3FA5] =	sst s4  }
0xd: {  	[smem:$0x3FA6] =	sst s5  }
0xe: {  	[smem:$0x3FA7] =	sst s6  }
0xf: {  	[smem:$0x3FA8] =	sst s7  }
0x10: {  	[smem:$0x3FA9] =	sst s8  }
0x11: {  	[smem:$0x3FAA] =	sst s9;
	s0 =	simm.s32 @!p0 $0x0  }
0x12: {  	s1 =	sld [smem:$0x3F90];
	s0 =	simm.s32 @p0 $0x1  }
0x13: {  	[smem:$0x3FAB] =	sst s0;
	s0 =	simm.s32 @!p1 $0x0  }
0x14: {  	s2 =	sld [smem:$0x3F8F];
	s0 =	simm.s32 @p1 $0x1  }
0x15: {  	[smem:$0x3FAC] =	sst s0;
	s0 =	simm.s32 @!p2 $0x0  }
0x16: {  	s3 =	sld [smem:$0x3FDB];
	s0 =	simm.s32 @p2 $0x1  }
0x17: {  	s4 =	simm.s32 $0x1BF5;
	[smem:$0x3FAE] =	sst s0  }
0x18: {  	s0 =	sld [smem:$0x3F91];
	_ =	swait.ge [sflag:s4], $0x0  }
0x19: {  	s7 =	sld [smem:$0x3F92]  }
0x1a: {  	s8 =	sadd.s32 $0xFFFFE003, lr  }
0x1b: {  	s9 =	sadd.s32 $0xFFFFFEF7, lr;
	s5 =	simm.s32 $0xFFFFFFFF;
	p2 =	slt.u32 s8, $0xFFFFF086  }
0x1c: {  	p1 =	slt.u32 s9, $0xF7A;
	s5 =	simm.s32 @!p2 $0x0  }
0x1d: {  	s5 =	simm.s32 @p1 $0x1;
	p0 =	seq.s32 s7, s2  }
0x1e: {  	s7 =	smul.u32 @!p0 $0xF7A, s2;
	p2 =	seq.s32 @!p0 s5, $0x0  }
0x1f: {  	s9 =	smul.u32 $0xF7A, s1;
	s8 =	simm.s32 @!p0 $0x1BF5;
	p2 =	por !p2, p0  }
0x20: {  	[sflag:s8] =	ssyncset.s32 @!p0 $0xFFFFF086;
	s6 =	sadd.s32 @!p0 s3, s7;
	s7 =	simm.s32 @!p0 $0x108  }
0x21: {  	s3 =	sadd.s32 s3, s9;
	s6 =	sadd.s32 @!p0 $0x88, s6;
	s7 =	simm.s32 @p2 $0x1082  }
0x22: {  	[simem:s7], [sflag:s8] =	dma.local @!p0 [hbm:s6], $0xF7A  }
0x23: {  	s9 =	sor.u32 $0xD0000000, s2;
	s6 =	simm.s32 $0x108;
	_ =	swait.ge @!p0 [sflag:s8], $0x0  }
0x24: {  	s3 =	sadd.s32 $0x88, s3;
	s6 =	simm.s32 @!p1 $0x1082;
	[sflag:s4] =	ssyncset.s32 $0xFFFFF086  }
0x25: {  	[simem:s6], [sflag:s4] =	dma.local [hbm:s3], $0xF7A  }
0x26: {  	[smem:$0x3F92] =	sst s1;
	(tag) =	ssettag s2;
	_ =	strace s9  }
0x27: {  	s1 =	sld [smem:$0x3FA2]  }
0x28: {  	s2 =	sld [smem:$0x3FA3]  }
0x29: {  	s4 =	sld [smem:$0x3FA5]  }
0x2a: {  	p0 =	seq.s32 s5, $0x0;
	s5 =	sld [smem:$0x3FA6]  }
0x2b: {  	s6 =	sld [smem:$0x3FA7]  }
0x2c: {  	s7 =	sld [smem:$0x3FA8]  }
0x2d: {  	s3 =	simm.s32 $0x108;
	s8 =	sld [smem:$0x3FA9]  }
0x2e: {  	s3 =	simm.s32 @!p0 $0x1082;
	s9 =	sld [smem:$0x3FAA]  }
0x2f: {  	lr =	sadd.s32 s0, s3;
	s0 =	sld [smem:$0x3FA1]  }
0x30: {  	s3 =	sld [smem:$0x3FA4]  }
0x31: {  	[smem:$0x3FAD] =	sst s10  }
0x32: {  	s10 =	sld [smem:$0x3FAB];
	_ =	sdelay $0x3  }
0x33: {  	p0 =	seq.s32 s10, $0x1;
	s10 =	sld [smem:$0x3FAD];
	_ =	sdelay $0x3  }
0x34: {  	[smem:$0x3FAD] =	sst s10  }
0x35: {  	s10 =	sld [smem:$0x3FAC];
	_ =	sdelay $0x3  }
0x36: {  	p1 =	seq.s32 s10, $0x1;
	s10 =	sld [smem:$0x3FAD];
	_ =	sdelay $0x3  }
0x37: {  	[smem:$0x3FAD] =	sst s10  }
0x38: {  	s10 =	sld [smem:$0x3FAE]  }
0x39: {  	_ = 	snop;
	(pc) =	sbr.ind lr, $3  }
0x3a: {  	_ = 	snop  }
0x3b: {  	_ = 	snop  }
0x3c: {  	p2 =	seq.s32 s10, $0x1;
	s10 =	sld [smem:$0x3FAD]  }
0x3d: {  	_ =	shalt  }
0x3e: {  	_ =	shalt  }
0x3f: {  	_ =	shalt  }
0x40: {  	_ =	shalt  }
0x41: {  	_ =	shalt  }
0x42: {  	_ =	shalt  }
0x43: {  	_ =	shalt  }
0x44: {  	_ =	shalt  }
0x45: {  	_ =	shalt  }
0x46: {  	_ =	shalt  }
0x47: {  	_ =	shalt  }
0x48: {  	_ =	shalt  }
0x49: {  	_ =	shalt  }
0x4a: {  	_ =	shalt  }
0x4b: {  	_ =	shalt  }
0x4c: {  	_ =	shalt  }
0x4d: {  	_ =	shalt  }
0x4e: {  	_ =	shalt  }
0x4f: {  	_ =	shalt  }
0x50: {  	_ =	shalt  }
0x51: {  	_ =	shalt  }
0x52: {  	_ =	shalt  }
0x53: {  	_ =	shalt  }
0x54: {  	_ =	shalt  }
0x55: {  	_ =	shalt  }
0x56: {  	_ =	shalt  }
0x57: {  	_ =	shalt  }
0x58: {  	_ =	shalt  }
0x59: {  	_ =	shalt  }
0x5a: {  	_ =	shalt  }
0x5b: {  	_ =	shalt  }
0x5c: {  	_ =	shalt  }
0x5d: {  	_ =	shalt  }
0x5e: {  	_ =	shalt  }
0x5f: {  	_ =	shalt  }
0x60: {  	_ =	shalt  }
0x61: {  	_ =	shalt  }
0x62: {  	_ =	shalt  }
0x63: {  	_ =	shalt  }
0x64: {  	_ =	shalt  }
0x65: {  	_ =	shalt  }
0x66: {  	_ =	shalt  }
0x67: {  	_ =	shalt  }
0x68: {  	_ =	shalt  }
0x69: {  	_ =	shalt  }
0x6a: {  	_ =	shalt  }
0x6b: {  	_ =	shalt  }
0x6c: {  	_ =	shalt  }
0x6d: {  	_ =	shalt  }
0x6e: {  	_ =	shalt  }
0x6f: {  	_ =	shalt  }
0x70: {  	_ =	shalt  }
0x71: {  	_ =	shalt  }
0x72: {  	_ =	shalt  }
0x73: {  	_ =	shalt  }
0x74: {  	_ =	shalt  }
0x75: {  	_ =	shalt  }
0x76: {  	_ =	shalt  }
0x77: {  	_ =	shalt  }
0x78: {  	_ =	shalt  }
0x79: {  	_ =	shalt  }
0x7a: {  	_ =	shalt  }
0x7b: {  	_ =	shalt  }
0x7c: {  	_ =	shalt  }
0x7d: {  	_ =	shalt  }
0x7e: {  	_ =	shalt  }
0x7f: {  	_ =	shalt  }
0x80: {  	_ =	shalt  }
0x81: {  	_ =	shalt  }
0x82: {  	_ =	shalt  }
0x83: {  	_ =	shalt  }
0x84: {  	_ =	shalt  }
0x85: {  	_ =	shalt  }
0x86: {  	_ =	shalt  }
0x87: {  	_ =	shalt  }
.Lfunc_end0:
.L_simem_size_0:
called_computation.4_lowered:
.L_overlay_start_0:
0x88: {  	s2 =	sld [smem:$0x3FD9]  }
0x89: {  	s3 =	sld [smem:$0x3FFE];
	_ =	sdelay $0x1  }
0x8a: {  	s1 =	srdreg.scid  }
0x8b: {  	s0 =	sand.u32 $0x1, s1  }
0x8c: {  	s16 =	sshll.u32 s0, $0xA;
	s2 =	sadd.s32 s3, s2  }
0x8d: {  	s2 =	sadd.s32 s2, s16  }
0x8e: {  	[smem:$0x3FB9] =	sst s2  }
0x8f: {  	_ = 	snop  }
0x90: {  	(tm) =	ssettm $0x1  }
0x91: {  	s17 =	sld [smem:$0x3FFB];
	_ =	sdelay $0x3  }
0x92: {  	_ =	strace s17  }
0x93: {  	s2 =	sld [smem:$0x3FFC];
	_ =	sdelay $0x3  }
0x94: {  	_ =	strace s2  }
0x95: {  	s2 =	sld [smem:$0x3FFD];
	_ =	sdelay $0x3  }
0x96: {  	_ =	strace s2  }
0x97: {  	_ =	strace $0x8FFFFFFF  }
0x98: {  	s18 =	sld [smem:$0x3FDB];
	_ =	sdelay $0x1  }
0x99: {  	s19 =	simm.s32 $_scs_section_size  }
0x9a: {  	s4 =	simm.s32 $_size__tile_overlayer_lowered;
	s5 =	simm.s32 $_tile_overlayer_lowered  }
0x9b: {  	s22 =	simm.s32 $0x1BFF;
	s21 =	sshll.u32 s5, $0x1;
	s2 =	sadd.s32 s19, s18  }
0x9c: {  	s6 =	simm.s32 $0x0;
	s20 =	sshll.u32 s4, $0x1;
	s4 =	sadd.s32 s21, s2  }
0x9d: {  	[timem:s6], [sflag:s22] =	dma.local [hbm:s4], s20  }
0x9e: {  	_ =	swait.ge [sflag:s22], s20  }
0x9f: {  	s3 =	ssub.s32 $0x0, s20;
	[sflag:s22] =	ssyncset.done $0x0  }
0xa0: {  	[sflag:s22] =	ssyncadd.s32 s3;
	_ =	sdelay $0x1  }
0xa1: {  	s23 =	simm.s32 $0x1B8B  }
0xa2: {  	_ =	swait.ge [sflag:s23], $0x1  }
0xa3: {  	[sflag:s23] =	ssyncset.done $0x0  }
0xa4: {  	s25 =	simm.s32 $0x1B8E;
	s24 =	sld [smem:$0x3FFE];
	[sflag:s23] =	ssyncadd.s32 $0xFFFFFFFF  }
0xa5: {  	s26 =	simm.s32 $execute0_lowered;
	[smem:$0x3FD2] =	sst s25  }
0xa6: {  	s4 =	sshll.u32 s26, $0x1;
	_ =	strace $0x80000052;
	[dreg:$0x1] =	wrdreg $0xFFFFFFFF  }
0xa7: {  	s28 =	simm.s32 $_size_execute0_lowered;
	s2 =	sadd.s32 s2, s4;
	[dreg:$0x0] =	wrdreg $0x0  }
0xa8: {  	s4 =	sshll.u32 s28, $0x1;
	[dreg:$0x2] =	wrdreg s2  }
0xa9: {  	[dreg:$0x3] =	wrdreg s4  }
0xaa: {  	[dreg:$0x4] =	wrdreg $0xC0  }
0xab: {  	_ =	task [dreg:s6], $0x5FFFF  }
0xac: {  	[dreg:$0x1] =	wrdreg $0xFFFFFFFF  }
0xad: {  	[dreg:$0x0] =	wrdreg $0x60  }
0xae: {  	[dreg:$0x2] =	wrdreg s24  }
0xaf: {  	[dreg:$0x3] =	wrdreg $0x81000  }
0xb0: {  	[dreg:$0x4] =	wrdreg $0x9  }
0xb1: {  	_ =	task.clear_ibuf [dreg:s6], $0x5FFFF;
	_ =	strace $0x90000052  }
0xb2: {  	s29 =	simm.s32 $0x9;
	_ =	strace $0x80000054  }
0xb3: {  	_ =	swait.ge [sflag:s29], $0x1  }
0xb4: {  	[sflag:s29] =	ssyncadd.s32 $0xFFFFFFFF  }
0xb5: {  	_ =	strace $0x90000054  }
0xb6: {  	_ =	sfence  }
0xb7: {  	s30 =	sld [smem:$0x0];
	_ =	sdelay $0x2  }
0xb8: {  	s31 =	sshll.u32 s1, $0xD;
	s1 =	sshrl.u32 s1, $0x2  }
0xb9: {  	s3 =	sand.u32 $0x4000, s31;
	s1 =	sadd.s32 s1, s30  }
0xba: {  	s0 =	sor.u32 s3, s0;
	s1 =	sshll.u32 s1, $0x11  }
0xbb: {  	s0 =	sor.u32 s1, s0  }
0xbc: {  	s0 =	sadd.s32 $0x8F2B, s0  }
0xbd: {  	[sflag:s0] =	ssyncadd.remote.s32 $0x1  }
0xbe: {  	_ =	sfence.sel $0xFFFF  }
0xbf: {  	[dreg:$0x0] =	wrdreg $0xFFFFFFFF;
	(pc) =	sbr.abs _section_cstart, $3  }
0xc0: {  	[dreg:$0x1] =	wrdreg $0xFFFFFFFF  }
0xc1: {  	_ =	task.clear_ibuf [dreg:s6], $0x2FFFF;
	_ =	strace $0x9FFFFFFF  }
0xc2: {  	(tm) =	ssettm $0x7FFFFFFF  }
0xc3: {  	_ =	shalt  }
tec
execute0_lowered:
.L_overlay_start_1:
0x0: {  	(tag) =	ssettag $0x1  }
0x1: {  	s6 =	rddreg [dreg:$0x0]  }
0x2: {  	s1 =	rddreg [dreg:$0x1]  }
0x3: {  	s0 =	rddreg [dreg:$0x2];
	s2 =	simm.s32 $0x0;
	s3 =	srdreg.scid  }
0x4: {  	s20 =	simm.s32 $0x2;
	s21 =	simm.s32 $0x80;
	s8 =	sand.u32 $0x1, s3  }
0x5: {  	s22 =	simm.s32 $0x100;
	s3 =	stileid.u32;
	s5 =	smul.u32 $0x4F00, s8  }
0x6: {  	s23 =	simm.s32 $0x1;
	s24 =	simm.s32 $0x0;
	s7 =	smul.u32 $0x50000, s3  }
0x7: {  	[smem:$0x7FF] =	sst s2;
	s4 =	sadd.s32 $0x18000, s6;
	s11 =	smul.u32 $0x14000, s3  }
0x8: {  	s15 =	sadd.s32 $0x40000, s6;
	s29 =	ssub.s32 $0x2, s8;
	s18 =	smul.u32 $0x140000, s8  }
0x9: {  	_ =	strace $0x80000053;
	s30 =	smul.u32 $0x4F0, s3;
	s9 =	sshrl.u32 s29, $0x1  }
0xa: {  	s16 =	sadd.s32 s5, s6;
	s5 =	sadd.s32 $0xD800, s6;
	s7 =	sshrl.u32 s7, $0x2  }
0xb: {  	s12 =	sadd.s32 $0x4000, s11;
	s17 =	ssub.s32 s29, s9;
	s13 =	sadd.s32 $0x8000, s11  }
0xc: {  	s14 =	sadd.s32 $0xC000, s11;
	s19 =	sadd.s32 $0x10000, s11;
	s11 =	sadd.s32 s11, s18  }
0xd: {  	s6 =	sadd.s32 s7, s1;
	s7 =	sadd.s32 s12, s1;
	s8 =	sadd.s32 s13, s1  }
0xe: {  	s9 =	sadd.s32 s14, s1;
	s10 =	sadd.s32 s19, s1;
	s12 =	sadd.s32 s18, s12  }
0xf: {  	s11 =	sshrl.u32 s11, $0x3;
	s13 =	sadd.s32 s18, s13;
	s14 =	sadd.s32 s18, s14  }
0x10: {  	s18 =	sadd.s32 s18, s19;
	s31 =	sadd.s32 s30, s16;
	s16 =	smax.u32 s17, $0x1  }
0x11: {  	s19 =	simm.s32 $0x4100;
	s12 =	sshrl.u32 s12, $0x3;
	s11 =	sadd.s32 s15, s11  }
0x12: {  	s13 =	sshrl.u32 s13, $0x3;
	s14 =	sshrl.u32 s14, $0x3;
	s18 =	sshrl.u32 s18, $0x3  }
0x13: {  	s17 =	sadd.s32 $0x3A00, s31;
	s12 =	sadd.s32 s15, s12;
	s13 =	sadd.s32 s15, s13  }
0x14: {  	s14 =	sadd.s32 s15, s14;
	s15 =	sadd.s32 s15, s18;
	s18 =	sadd.s32 $0xE200, s31  }
.LBB2_1:
0x15: {  	[tilespmem:s19], [sflag:$0x2] =	stream.linear.gather [hbm4b:s5+s2], $0x4000, $0x38;
	[tilespmem:$0x1C100] =	vst v63  }
0x16: {  	_ =	swait.ge [sflag:s20], $0x4000  }
0x17: {  	[sflag:s20] =	ssyncset.done $0x0  }
0x18: {  	[sflag:s20] =	ssyncadd.s32 $0xFFFFC000  }
0x19: {  	[spmem:s6] =	stream.linear.scatter [tilespmem:s19], [sflag:$0x2], $0x4000, $0x38;
	[tilespmem:$0x1C100] =	vst v63  }
0x1a: {  	_ =	swait.ge [sflag:s20], $0x4000  }
0x1b: {  	[sflag:s20] =	ssyncset.done $0x0  }
0x1c: {  	[sflag:s20] =	ssyncadd.s32 $0xFFFFC000  }
0x1d: {  	[spmem:s7] =	stream.linear.scatter [tilespmem:s19], [sflag:$0x2], $0x4000, $0x38;
	[tilespmem:$0x1C100] =	vst v63  }
0x1e: {  	_ =	swait.ge [sflag:s20], $0x4000  }
0x1f: {  	[sflag:s20] =	ssyncset.done $0x0  }
0x20: {  	[sflag:s20] =	ssyncadd.s32 $0xFFFFC000  }
0x21: {  	[spmem:s8] =	stream.linear.scatter [tilespmem:s19], [sflag:$0x2], $0x4000, $0x38;
	[tilespmem:$0x1C100] =	vst v63  }
0x22: {  	_ =	swait.ge [sflag:s20], $0x4000  }
0x23: {  	[sflag:s20] =	ssyncset.done $0x0  }
0x24: {  	[sflag:s20] =	ssyncadd.s32 $0xFFFFC000  }
0x25: {  	[spmem:s9] =	stream.linear.scatter [tilespmem:s19], [sflag:$0x2], $0x4000, $0x38;
	[tilespmem:$0x1C100] =	vst v63  }
0x26: {  	_ =	swait.ge [sflag:s20], $0x4000  }
0x27: {  	[sflag:s20] =	ssyncset.done $0x0  }
0x28: {  	[sflag:s20] =	ssyncadd.s32 $0xFFFFC000  }
0x29: {  	[spmem:s10] =	stream.linear.scatter [tilespmem:s19], [sflag:$0x2], $0x4000, $0x38;
	[tilespmem:$0x1C100] =	vst v63  }
0x2a: {  	_ =	swait.ge [sflag:s20], $0x4000  }
0x2b: {  	[sflag:s20] =	ssyncset.done $0x0  }
0x2c: {  	[sflag:s20] =	ssyncadd.s32 $0xFFFFC000  }
0x2d: {  	s25 =	sadd.s32 $0x0, s18;
	[bflag:$0x0] =	sbarrier.arrive $0xFFFF  }
0x2e: {  	[tilespmem:s2], [sflag:$0x2] =	stream.linear.gather [hbm4b:s25+s2], $0x80, $0x38;
	[tilespmem:$0x1C100] =	vst v63  }
0x2f: {  	_ =	swait.ge [sflag:s20], $0x80  }
0x30: {  	[sflag:s20] =	ssyncset.done $0x0  }
0x31: {  	s31 =	sadd.s32 $0x0, s17;
	[sflag:s20] =	ssyncadd.s32 $0xFFFFFF80  }
0x32: {  	[tilespmem:s21], [sflag:$0x2] =	stream.linear.gather [hbm4b:s31+s2], $0x80, $0x38;
	[tilespmem:$0x1C100] =	vst v63  }
0x33: {  	_ =	swait.ge [sflag:s20], $0x80  }
0x34: {  	[sflag:s20] =	ssyncset.done $0x0  }
0x35: {  	[sflag:s20] =	ssyncadd.s32 $0xFFFFFF80  }
0x36: {  	[tilespmem:s22], [sflag:$0x1] =	stream.indirect.gather [hbm4b:s4+s21], $0x80, s2, s21, $0xb8;
	[tilespmem:$0x1C100] =	vst v63  }
0x37: {  	_ =	swait.ge [sflag:s23], $0x4000  }
0x38: {  	[sflag:s23] =	ssyncset.done $0x0  }
0x39: {  	[sflag:s23] =	ssyncadd.s32 $0xFFFFC000  }
0x3a: {  	[spmem:s1] =	stream.indirect.scatter.add.f32 [tilespmem:s22], [sflag:$0x2], $0x80, s21, s21, $0xb8;
	[tilespmem:$0x1C100] =	vst v63  }
0x3b: {  	_ =	swait.ge [sflag:s20], $0x4000  }
0x3c: {  	s26 =	simm.s32 $0x20;
	s25 =	simm.s32 $0x10;
	[sflag:s20] =	ssyncset.done $0x0  }
.LBB2_2:
0x3d: {  	s28 =	sadd.s32 s25, s18  }
0x3e: {  	[sflag:s20] =	ssyncadd.s32 $0xFFFFC000;
	s29 =	smov.u32 s26;
	s30 =	sadd.s32 $0x10, s26  }
0x3f: {  	[tilespmem:s2], [sflag:$0x2] =	stream.linear.gather [hbm4b:s28+s2], $0x80, $0x38;
	[tilespmem:$0x1C100] =	vst v63  }
0x40: {  	p0 =	sne.s32 s26, $0x4E0;
	_ =	swait.ge [sflag:s20], $0x80  }
0x41: {  	[sflag:s20] =	ssyncset.done $0x0  }
0x42: {  	s26 =	sadd.s32 s25, s17;
	s25 =	smov.u32 s29;
	[sflag:s20] =	ssyncadd.s32 $0xFFFFFF80  }
0x43: {  	[tilespmem:s21], [sflag:$0x2] =	stream.linear.gather [hbm4b:s26+s2], $0x80, $0x38;
	[tilespmem:$0x1C100] =	vst v63  }
0x44: {  	_ =	swait.ge [sflag:s20], $0x80  }
0x45: {  	[sflag:s20] =	ssyncset.done $0x0  }
0x46: {  	[sflag:s20] =	ssyncadd.s32 $0xFFFFFF80  }
0x47: {  	[tilespmem:s22], [sflag:$0x1] =	stream.indirect.gather [hbm4b:s4+s21], $0x80, s2, s21, $0xb8;
	[tilespmem:$0x1C100] =	vst v63  }
0x48: {  	_ =	swait.ge [sflag:s23], $0x4000  }
.Ltmp0:
0x49: {  	[sflag:s23] =	ssyncset.done $0x0;
	(pc) =	sbr.rel @p0 .LBB2_2-.Ltmp0, $4  }
0x4a: {  	[sflag:s23] =	ssyncadd.s32 $0xFFFFC000  }
0x4b: {  	[spmem:s1] =	stream.indirect.scatter.add.f32 [tilespmem:s22], [sflag:$0x2], $0x80, s21, s21, $0xb8;
	[tilespmem:$0x1C100] =	vst v63  }
0x4c: {  	_ =	swait.ge [sflag:s20], $0x4000  }
0x4d: {  	s26 =	smov.u32 s30;
	[sflag:s20] =	ssyncset.done $0x0  }
0x4e: {  	s26 =	sadd.s32 s25, s18;
	[sflag:s20] =	ssyncadd.s32 $0xFFFFC000  }
0x4f: {  	[tilespmem:s2], [sflag:$0x2] =	stream.linear.gather [hbm4b:s26+s2], $0x80, $0x38;
	[tilespmem:$0x1C100] =	vst v63  }
0x50: {  	_ =	swait.ge [sflag:s20], $0x80  }
0x51: {  	[sflag:s20] =	ssyncset.done $0x0  }
0x52: {  	s31 =	sadd.s32 s25, s17;
	[sflag:s20] =	ssyncadd.s32 $0xFFFFFF80  }
0x53: {  	[tilespmem:s21], [sflag:$0x2] =	stream.linear.gather [hbm4b:s31+s2], $0x80, $0x38;
	[tilespmem:$0x1C100] =	vst v63  }
0x54: {  	_ =	swait.ge [sflag:s20], $0x80  }
0x55: {  	[sflag:s20] =	ssyncset.done $0x0  }
0x56: {  	[sflag:s20] =	ssyncadd.s32 $0xFFFFFF80  }
0x57: {  	[tilespmem:s22], [sflag:$0x1] =	stream.indirect.gather [hbm4b:s4+s21], $0x80, s2, s21, $0xb8;
	[tilespmem:$0x1C100] =	vst v63  }
0x58: {  	_ =	swait.ge [sflag:s23], $0x4000  }
0x59: {  	[sflag:s23] =	ssyncset.done $0x0  }
0x5a: {  	[sflag:s23] =	ssyncadd.s32 $0xFFFFC000  }
0x5b: {  	[spmem:s1] =	stream.indirect.scatter.add.f32 [tilespmem:s22], [sflag:$0x2], $0x80, s21, s21, $0xb8;
	[tilespmem:$0x1C100] =	vst v63  }
0x5c: {  	_ =	swait.ge [sflag:s20], $0x4000  }
0x5d: {  	[sflag:s20] =	ssyncset.done $0x0  }
0x5e: {  	[sflag:s20] =	ssyncadd.s32 $0xFFFFC000  }
0x5f: {  	[bflag:$0x0] =	sbarrier.arrive $0xFFFF  }
0x60: {  	[tilespmem:s22], [sflag:$0x2] =	stream.linear.gather [spmem:s6], $0x4000, $0x38;
	[tilespmem:$0x1C100] =	vst v63  }
0x61: {  	_ =	swait.ge [sflag:s20], $0x4000  }
0x62: {  	[sflag:s20] =	ssyncset.done $0x0  }
0x63: {  	[sflag:s20] =	ssyncadd.s32 $0xFFFFC000  }
0x64: {  	[hbm4b:s11+s2] =	stream.linear.scatter [tilespmem:s22], [sflag:$0x2], $0x4000, $0x38;
	[tilespmem:$0x1C100] =	vst v63  }
0x65: {  	_ =	swait.ge [sflag:s20], $0x4000  }
0x66: {  	[sflag:s20] =	ssyncset.done $0x0  }
0x67: {  	[sflag:s20] =	ssyncadd.s32 $0xFFFFC000  }
0x68: {  	[tilespmem:s22], [sflag:$0x2] =	stream.linear.gather [spmem:s7], $0x4000, $0x38;
	[tilespmem:$0x1C100] =	vst v63  }
0x69: {  	_ =	swait.ge [sflag:s20], $0x4000  }
0x6a: {  	[sflag:s20] =	ssyncset.done $0x0  }
0x6b: {  	[sflag:s20] =	ssyncadd.s32 $0xFFFFC000  }
0x6c: {  	[hbm4b:s12+s2] =	stream.linear.scatter [tilespmem:s22], [sflag:$0x2], $0x4000, $0x38;
	[tilespmem:$0x1C100] =	vst v63  }
0x6d: {  	_ =	swait.ge [sflag:s20], $0x4000  }
0x6e: {  	[sflag:s20] =	ssyncset.done $0x0  }
0x6f: {  	[sflag:s20] =	ssyncadd.s32 $0xFFFFC000  }
0x70: {  	[tilespmem:s22], [sflag:$0x2] =	stream.linear.gather [spmem:s8], $0x4000, $0x38;
	[tilespmem:$0x1C100] =	vst v63  }
0x71: {  	_ =	swait.ge [sflag:s20], $0x4000  }
0x72: {  	[sflag:s20] =	ssyncset.done $0x0  }
0x73: {  	[sflag:s20] =	ssyncadd.s32 $0xFFFFC000  }
0x74: {  	[hbm4b:s13+s2] =	stream.linear.scatter [tilespmem:s22], [sflag:$0x2], $0x4000, $0x38;
	[tilespmem:$0x1C100] =	vst v63  }
0x75: {  	_ =	swait.ge [sflag:s20], $0x4000  }
0x76: {  	[sflag:s20] =	ssyncset.done $0x0  }
0x77: {  	[sflag:s20] =	ssyncadd.s32 $0xFFFFC000  }
0x78: {  	[tilespmem:s22], [sflag:$0x2] =	stream.linear.gather [spmem:s9], $0x4000, $0x38;
	[tilespmem:$0x1C100] =	vst v63  }
0x79: {  	_ =	swait.ge [sflag:s20], $0x4000  }
0x7a: {  	[sflag:s20] =	ssyncset.done $0x0  }
0x7b: {  	[sflag:s20] =	ssyncadd.s32 $0xFFFFC000  }
0x7c: {  	[hbm4b:s14+s2] =	stream.linear.scatter [tilespmem:s22], [sflag:$0x2], $0x4000, $0x38;
	[tilespmem:$0x1C100] =	vst v63  }
0x7d: {  	_ =	swait.ge [sflag:s20], $0x4000  }
0x7e: {  	[sflag:s20] =	ssyncset.done $0x0  }
0x7f: {  	[sflag:s20] =	ssyncadd.s32 $0xFFFFC000  }
0x80: {  	[tilespmem:s22], [sflag:$0x2] =	stream.linear.gather [spmem:s10], $0x4000, $0x38;
	[tilespmem:$0x1C100] =	vst v63  }
0x81: {  	s24 =	sadd.s32 $0x1, s24;
	_ =	swait.ge [sflag:s20], $0x4000  }
0x82: {  	p0 =	sne.s32 s24, s16;
	[sflag:s20] =	ssyncset.done $0x0  }
.Ltmp1:
0x83: {  	[sflag:s20] =	ssyncadd.s32 $0xFFFFC000;
	(pc) =	sbr.rel @p0 .LBB2_1-.Ltmp1, $4  }
0x84: {  	[hbm4b:s15+s2] =	stream.linear.scatter [tilespmem:s22], [sflag:$0x2], $0x4000, $0x38;
	[tilespmem:$0x1C100] =	vst v63  }
0x85: {  	_ =	swait.ge [sflag:s20], $0x4000  }
0x86: {  	[sflag:s20] =	ssyncset.done $0x0  }
0x87: {  	[sflag:s20] =	ssyncadd.s32 $0xFFFFC000  }
0x88: {  	_ =	sfence.sel $0x180000  }
0x89: {  	[bflag:$0x0] =	sbarrier.arrive $0xFFFF  }
0x8a: {  	p0 =	sne.s32 s3, $0x0;
	_ =	strace $0x90000053  }
0x8b: {  	s0 =	sadd.s32 @!p0 $0x100000, s0;
	[bflag:$0x2] =	sbarrier.arrive $0xFFFF  }
0x8c: {  	[sflag:s0] =	ssyncadd.tile.s32 @!p0 $0x1;
	_ =	shalt  }
.Lfunc_end2:
_tile_overlayer_lowered:
.L_overlay_start_2:
0x8d: {  	(tag) =	ssettag $0x2  }
0x8e: {  	s0 =	rddreg [dreg:$0x0];
	s2 =	stileid.u32  }
0x8f: {  	s1 =	rddreg [dreg:$0x1];
	p0 =	sne.s32 s2, $0x0  }
0x90: {  	s3 =	rddreg [dreg:$0x2];
	[bflag:$0x3] =	sbarrier.arrive $0xFFFF;
	s2 =	simm.s32 @!p0 $0x1C02  }
0x91: {  	[timem:s3], [sflag:s2] =	dma.local @!p0 [hbm:s0], s1  }
0x92: {  	s0 =	simm.s32 @!p0 $0x2  }
0x93: {  	_ =	swait.ge @!p0 [sflag:s0], s1  }
0x94: {  	s1 =	ssub.s32 @!p0 $0x0, s1;
	[sflag:s0] =	ssyncset.done @!p0 $0x0  }
0x95: {  	[sflag:s0] =	ssyncadd.s32 @!p0 s1  }
0x96: {  	[bflag:$0x3] =	sbarrier.arrive $0xFFFF  }
0x97: {  	_ =	shalt  }

</sc_bundles>
